<compile_context>
chip_gen: v7x
topology: tpu7x:2x2x1
jax: 0.10.2.dev20260603
libtpu: 0.0.44.dev20260713+nightly
codegen_flags: <defaults>
</compile_context>

<pallas_src>
import jax
import jax.numpy as jnp
from jax import lax
from jax.experimental import pallas as pl
from jax.experimental.pallas import tpu as pltpu
from jax.experimental.pallas import tpu_sc as plsc

N_PREV = 16384
N_ACT = 16384
ROW_W = 8 * 128
PK_W = 8
NC, NS, L = 2, 16, 16
NW = NC * NS
RPW = N_ACT // NW
VPW = RPW // L
ZROWS = 32
NZ = RPW // ZROWS
WAVE = 16


def _search_compact(prev_v, curr_v, cmp_r, cmp_s, lane):

    def _bs(v, cnt):
        q0 = curr_v[pl.ds(2 * v * L, L)]
        q1 = curr_v[pl.ds((2 * v + 1) * L, L)]
        b0 = jnp.zeros((L,), jnp.int32)
        b1 = jnp.zeros((L,), jnp.int32)
        step = N_PREV // 2
        while step >= 1:
            p0 = plsc.load_gather(prev_v, [b0 + (step - 1)])
            p1 = plsc.load_gather(prev_v, [b1 + (step - 1)])
            b0 = jnp.where(p0 < q0, b0 + step, b0)
            b1 = jnp.where(p1 < q1, b1 + step, b1)
            step //= 2
        l0 = plsc.load_gather(prev_v, [b0])
        l1 = plsc.load_gather(prev_v, [b1])
        pos0 = jnp.minimum(b0 + jnp.where(l0 < q0, 1, 0), N_PREV - 1)
        pos1 = jnp.minimum(b1 + jnp.where(l1 < q1, 1, 0), N_PREV - 1)
        v0 = plsc.load_gather(prev_v, [pos0])
        v1 = plsc.load_gather(prev_v, [pos1])
        f0 = v0 == q0
        f1 = v1 == q1
        plsc.store_compressed(cmp_r.at[pl.ds(cnt, L)], 2 * v * L + lane,
                              mask=f0)
        plsc.store_compressed(cmp_s.at[pl.ds(cnt, L)], pos0, mask=f0)
        cnt = cnt + plsc.all_reduce_population_count(f0)[0]
        plsc.store_compressed(cmp_r.at[pl.ds(cnt, L)], (2 * v + 1) * L + lane,
                              mask=f1)
        plsc.store_compressed(cmp_s.at[pl.ds(cnt, L)], pos1, mask=f1)
        return cnt + plsc.all_reduce_population_count(f1)[0]

    return lax.fori_loop(0, VPW // 2, _bs, 0)


def _small_body(prev_ids, curr_ids, qpos, packed_prev,
                pos_out, occ_out, cert_out, vel_out, mconf_out,
                prev_v, curr_v, cmp_r, cmp_s,
                pos_v, occ_v, cert_v, vel_v, mconf_v, prow_v,
                sem_prev, sem_curr, sem_pos, sem_s, sem_pk):
    cid = lax.axis_index("c")
    sid = lax.axis_index("s")
    base = (sid * NC + cid) * RPW

    cp_prev = pltpu.async_copy(prev_ids, prev_v, sem_prev)
    cp_curr = pltpu.async_copy(curr_ids.at[pl.ds(base, RPW)], curr_v, sem_curr)
    cp_pos = pltpu.async_copy(qpos.at[0, pl.ds(base, RPW), :], pos_v, sem_pos)

    f32 = jnp.float32

    def _fill(i, c):
        occ_v[pl.ds(i * L, L)] = jnp.zeros((L,), f32)
        cert_v[pl.ds(i * L, L)] = jnp.full((L,), 100.0, f32)
        mconf_v[pl.ds(i * L, L)] = jnp.full((L,), 10.0, f32)
        vel_v[pl.ds(2 * i * L, L)] = jnp.zeros((L,), f32)
        vel_v[pl.ds((2 * i + 1) * L, L)] = jnp.zeros((L,), f32)
        return c

    lax.fori_loop(0, VPW, _fill, 0)

    cp_prev.wait()
    cp_curr.wait()

    lane = lax.iota(jnp.int32, L)
    n_found = _search_compact(prev_v, curr_v, cmp_r, cmp_s, lane)
    cp_pos.wait()

    def _wave(wv, c):
        w = wv * WAVE
        nw = jnp.minimum(n_found - w, WAVE)

        def _fire(j, c2):
            src = cmp_s[pl.ds(w + j, L)][0]
            pltpu.async_copy(packed_prev.at[pl.ds(src, 1), :],
                             prow_v.at[pl.ds(j, 1), :], sem_pk)
            return c2

        lax.fori_loop(0, nw, _fire, 0)

        def _drain(j, c2):
            pltpu.make_async_copy(packed_prev.at[pl.ds(0, 1), :],
                                  prow_v.at[pl.ds(0, 1), :], sem_pk).wait()
            return c2

        lax.fori_loop(0, nw, _drain, 0)

        def _apply(j, c2):
            r = cmp_r[pl.ds(w + j, L)][0]
            jj = jnp.full((L,), 1, jnp.int32) * j
            pk = plsc.load_gather(prow_v, [jj, jnp.minimum(lane, PK_W - 1)])
            rr = jnp.full((L,), 1, jnp.int32) * r
            vlane = jnp.minimum(lane, 1)
            plsc.store_scatter(pos_v, [rr, vlane], pk, mask=lane < 2)
            plsc.store_scatter(occ_v, [rr], pk, mask=lane == 2)
            plsc.store_scatter(cert_v, [rr], pk, mask=lane == 3)
            plsc.store_scatter(vel_v, [2 * r + jnp.clip(lane - 4, 0, 1)], pk,
                               mask=(lane >= 4) & (lane < 6))
            plsc.store_scatter(mconf_v, [rr], pk, mask=lane == 6)
            return c2

        lax.fori_loop(0, nw, _apply, 0)
        return c

    lax.fori_loop(0, lax.div(n_found + WAVE - 1, WAVE), _wave, 0)

    outs = [
        pltpu.async_copy(pos_v, pos_out.at[pl.ds(base, RPW), :], sem_s),
        pltpu.async_copy(occ_v, occ_out.at[pl.ds(base, RPW)], sem_s),
        pltpu.async_copy(cert_v, cert_out.at[pl.ds(base, RPW)], sem_s),
        pltpu.async_copy(vel_v, vel_out.at[pl.ds(2 * base, 2 * RPW)], sem_s),
        pltpu.async_copy(mconf_v, mconf_out.at[pl.ds(base, RPW)], sem_s),
    ]
    for cp in outs:
        cp.wait()


def _pips_body(prev_ids, curr_ids, zeros_blk, pips_in, pips_out,
               prev_v, curr_v, cmp_r, cmp_s, zbuf_v, row_v,
               sem_prev, sem_curr, sem_z, sem_row, sem_wrow):
    cid = lax.axis_index("c")
    sid = lax.axis_index("s")
    base = (sid * NC + cid) * RPW

    cp_prev = pltpu.async_copy(prev_ids, prev_v, sem_prev)
    cp_curr = pltpu.async_copy(curr_ids.at[pl.ds(base, RPW)], curr_v, sem_curr)
    pltpu.async_copy(zeros_blk, zbuf_v, sem_z).wait()

    zcopies = []
    for z in range(NZ):
        zcopies.append(pltpu.async_copy(
            zbuf_v,
            pips_out.at[pl.ds((base + z * ZROWS) * ROW_W, ZROWS * ROW_W)],
            sem_z))

    cp_prev.wait()
    cp_curr.wait()

    lane = lax.iota(jnp.int32, L)
    n_found = _search_compact(prev_v, curr_v, cmp_r, cmp_s, lane)

    for cp in zcopies:
        cp.wait()

    def _wave(wv, c):
        w = wv * WAVE
        nw = jnp.minimum(n_found - w, WAVE)

        def _fire(j, c2):
            src = cmp_s[pl.ds(w + j, L)][0]
            pltpu.async_copy(pips_in.at[pl.ds(src * ROW_W, ROW_W)],
                             row_v.at[pl.ds(j * ROW_W, ROW_W)], sem_row)
            return c2

        lax.fori_loop(0, nw, _fire, 0)

        def _drain_g(j, c2):
            pltpu.make_async_copy(pips_in.at[pl.ds(0, ROW_W)],
                                  row_v.at[pl.ds(0, ROW_W)], sem_row).wait()
            return c2

        lax.fori_loop(0, nw, _drain_g, 0)

        def _write(j, c2):
            r = cmp_r[pl.ds(w + j, L)][0]
            pltpu.async_copy(
                row_v.at[pl.ds(j * ROW_W, ROW_W)],
                pips_out.at[pl.ds((base + r) * ROW_W, ROW_W)], sem_wrow)
            return c2

        lax.fori_loop(0, nw, _write, 0)

        def _drain_w(j, c2):
            pltpu.make_async_copy(pips_in.at[pl.ds(0, ROW_W)],
                                  row_v.at[pl.ds(0, ROW_W)], sem_wrow).wait()
            return c2

        lax.fori_loop(0, nw, _drain_w, 0)
        return c

    lax.fori_loop(0, lax.div(n_found + WAVE - 1, WAVE), _wave, 0)


def kernel(prev_query_ids, curr_query_ids, query_positions, prev_updated_pos,
           prev_updated_occlusion, prev_updated_certainty,
           prev_updated_velocity, prev_mconf, prev_pips_mem):
    f32 = jnp.float32
    packed_prev = jnp.concatenate([
        prev_updated_pos[0], prev_updated_occlusion[0],
        prev_updated_certainty[0], prev_updated_velocity[0], prev_mconf[0],
        jnp.zeros((N_PREV, 1), f32)], axis=1)
    zeros_blk = jnp.zeros((ZROWS * ROW_W,), f32)
    pips_flat = prev_pips_mem.reshape(-1)

    mesh = plsc.VectorSubcoreMesh(core_axis_name="c", subcore_axis_name="s")
    i32 = jnp.int32

    pos, occ, cert, vel, mconf = pl.kernel(
        _small_body,
        out_type=[
            jax.ShapeDtypeStruct((N_ACT, 2), f32),
            jax.ShapeDtypeStruct((N_ACT,), f32),
            jax.ShapeDtypeStruct((N_ACT,), f32),
            jax.ShapeDtypeStruct((N_ACT * 2,), f32),
            jax.ShapeDtypeStruct((N_ACT,), f32),
        ],
        mesh=mesh,
        compiler_params=pltpu.CompilerParams(needs_layout_passes=False),
        scratch_types=[
            pltpu.VMEM((N_PREV,), i32),
            pltpu.VMEM((RPW,), i32),
            pltpu.VMEM((RPW + L,), i32),
            pltpu.VMEM((RPW + L,), i32),
            pltpu.VMEM((RPW, 2), f32),
            pltpu.VMEM((RPW,), f32),
            pltpu.VMEM((RPW,), f32),
            pltpu.VMEM((2 * RPW,), f32),
            pltpu.VMEM((RPW,), f32),
            pltpu.VMEM((WAVE, PK_W), f32),
            pltpu.SemaphoreType.DMA,
            pltpu.SemaphoreType.DMA,
            pltpu.SemaphoreType.DMA,
            pltpu.SemaphoreType.DMA,
            pltpu.SemaphoreType.DMA,
        ],
        name="sc_small_state",
    )(prev_query_ids, curr_query_ids, query_positions, packed_prev)

    pips = pl.kernel(
        _pips_body,
        out_type=jax.ShapeDtypeStruct((N_ACT * ROW_W,), f32),
        mesh=mesh,
        compiler_params=pltpu.CompilerParams(needs_layout_passes=False),
        scratch_types=[
            pltpu.VMEM((N_PREV,), i32),
            pltpu.VMEM((RPW,), i32),
            pltpu.VMEM((RPW + L,), i32),
            pltpu.VMEM((RPW + L,), i32),
            pltpu.VMEM((ZROWS * ROW_W,), f32),
            pltpu.VMEM((WAVE * ROW_W,), f32),
            pltpu.SemaphoreType.DMA,
            pltpu.SemaphoreType.DMA,
            pltpu.SemaphoreType.DMA,
            pltpu.SemaphoreType.DMA,
            pltpu.SemaphoreType.DMA,
        ],
        name="sc_pips",
    )(prev_query_ids, curr_query_ids, zeros_blk, pips_flat)

    return (pos[None], occ.reshape(1, N_ACT, 1),
            cert.reshape(1, N_ACT, 1), vel.reshape(1, N_ACT, 2),
            mconf.reshape(1, N_ACT, 1), pips.reshape(N_ACT, 8, 128))

# --- scband reference (transcript-rebuilt; emitter-appended) ---
"""Pipeline reference for scband-streaming-engine-28467043238009 (READ-ONLY COPY).

The authoritative reference and input builder live on the scoring server;
editing this copy changes nothing except your own understanding.
"""

import jax, jax.numpy as jnp
import numpy as np

N_PREV = 16384
N_ACTIVE = 16384
F_PIPS = 8
C_PIPS = 128
ID_MAX = 1048576


def setup_inputs(seed: int = 0) -> dict:
    key = jax.random.key(seed)
    ks = jax.random.split(key, 9)
    prev_query_ids = jnp.sort(jax.random.randint(ks[0], (N_PREV,), 0, ID_MAX))
    curr_query_ids = jax.random.randint(ks[1], (N_ACTIVE,), 0, ID_MAX)
    query_positions = jax.random.uniform(ks[2], (1, N_ACTIVE, 2), dtype=jnp.float32) * 256.0
    prev_updated_pos = jax.random.normal(ks[3], (1, N_PREV, 2), dtype=jnp.float32)
    prev_updated_occlusion = jax.random.normal(ks[4], (1, N_PREV, 1), dtype=jnp.float32)
    prev_updated_certainty = jax.random.normal(ks[5], (1, N_PREV, 1), dtype=jnp.float32)
    prev_updated_velocity = jax.random.normal(ks[6], (1, N_PREV, 2), dtype=jnp.float32)
    prev_mconf = jax.random.normal(ks[7], (1, N_PREV, 1), dtype=jnp.float32)
    prev_pips_mem = jax.random.normal(ks[8], (N_PREV, F_PIPS, C_PIPS), dtype=jnp.float32)
    return {
        'prev_query_ids': prev_query_ids,
        'curr_query_ids': curr_query_ids,
        'query_positions': query_positions,
        'prev_updated_pos': prev_updated_pos,
        'prev_updated_occlusion': prev_updated_occlusion,
        'prev_updated_certainty': prev_updated_certainty,
        'prev_updated_velocity': prev_updated_velocity,
        'prev_mconf': prev_mconf,
        'prev_pips_mem': prev_pips_mem,
    }


def reference(prev_query_ids, curr_query_ids, query_positions, prev_updated_pos,
              prev_updated_occlusion, prev_updated_certainty, prev_updated_velocity,
              prev_mconf, prev_pips_mem):
    # Faithful vectorized translation of StreamingEngine._update_memory_for_new_queries:
    # for each current query id, find the matching previous slot (gather by id match);
    # matched slots carry over their state, unmatched slots get default initialization
    # (pos <- query_positions, occlusion 0, certainty 100, velocity 0, mconf 10) and
    # zero-initialized pips refinement memory (scatter of defaults into new memory).
    n_prev = prev_query_ids.shape[0]
    order = jnp.argsort(prev_query_ids)
    sorted_ids = prev_query_ids[order]
    pos = jnp.searchsorted(sorted_ids, curr_query_ids)
    pos_c = jnp.clip(pos, 0, n_prev - 1)
    found = sorted_ids[pos_c] == curr_query_ids
    prev_idx = order[pos_c]

    f1 = found[:, None]
    updated_pos = jnp.where(f1, jnp.take(prev_updated_pos[0], prev_idx, axis=0), query_positions[0])[None]
    updated_occlusion = jnp.where(f1, jnp.take(prev_updated_occlusion[0], prev_idx, axis=0), 0.0)[None]
    updated_certainty = jnp.where(f1, jnp.take(prev_updated_certainty[0], prev_idx, axis=0), 100.0)[None]
    updated_velocity = jnp.where(f1, jnp.take(prev_updated_velocity[0], prev_idx, axis=0), 0.0)[None]
    mconf_logits_coarse = jnp.where(f1, jnp.take(prev_mconf[0], prev_idx, axis=0), 10.0)[None]
    new_pips_mem = jnp.where(found[:, None, None], jnp.take(prev_pips_mem, prev_idx, axis=0), 0.0)

    return (updated_pos, updated_occlusion, updated_certainty, updated_velocity,
            mconf_logits_coarse, new_pips_mem)

if __name__ == "__main__":
    import jax
    _d = setup_inputs()
    print(jax.jit(kernel)(*tuple(_d.values())))

</pallas_src>

<mosaic_0001>
#map = affine_map<(d0, d1) -> (0)>
module attributes {stable_mosaic.version = 14 : i64} {
  func.func @sc_pips(%arg0: i32, %arg1: i32, %arg2: memref<16384xi32, #tpu.memory_space<hbm>>, %arg3: memref<16384xi32, #tpu.memory_space<hbm>>, %arg4: memref<32768xf32, #tpu.memory_space<hbm>>, %arg5: memref<16777216xf32, #tpu.memory_space<hbm>>, %arg6: memref<16777216xf32, #tpu.memory_space<hbm>>, %arg7: memref<16384xi32, #tpu.memory_space<vmem>>, %arg8: memref<512xi32, #tpu.memory_space<vmem>>, %arg9: memref<528xi32, #tpu.memory_space<vmem>>, %arg10: memref<528xi32, #tpu.memory_space<vmem>>, %arg11: memref<32768xf32, #tpu.memory_space<vmem>>, %arg12: memref<16384xf32, #tpu.memory_space<vmem>>, %arg13: memref<!tpu.dma_semaphore, #tpu.memory_space<semaphore_mem>>, %arg14: memref<!tpu.dma_semaphore, #tpu.memory_space<semaphore_mem>>, %arg15: memref<!tpu.dma_semaphore, #tpu.memory_space<semaphore_mem>>, %arg16: memref<!tpu.dma_semaphore, #tpu.memory_space<semaphore_mem>>, %arg17: memref<!tpu.dma_semaphore, #tpu.memory_space<semaphore_mem>>) attributes {dimension_semantics = [#tpu.dimension_semantics<core_parallel>, #tpu.dimension_semantics<subcore_parallel>], iteration_bounds = array<i64: 2, 16>, scalar_prefetch = 0 : i64, scratch_operands = 11 : i64, tpu.core_type = #tpu.core_type<sc_vector_subcore>, window_params = [{transform_indices = #map}, {transform_indices = #map}, {transform_indices = #map}, {transform_indices = #map}, {transform_indices = #map}]} {
    %mul3A = arith.constant 2 : i32
    %mul3A_0 = arith.muli %arg1, %mul3A : i32
    %add3A = arith.addi %mul3A_0, %arg0 : i32
    %mul3A_1 = arith.constant 512 : i32
    %mul3A_2 = arith.muli %add3A, %mul3A_1 : i32
    tpu.enqueue_dma source(%arg2 : memref<16384xi32, #tpu.memory_space<hbm>>) target(%arg7 : memref<16384xi32, #tpu.memory_space<vmem>>) target_semaphore(%arg13 : memref<!tpu.dma_semaphore, #tpu.memory_space<semaphore_mem>>)
    %dma_start3A = tpu.memref_slice %arg3[%mul3A_2] : memref<16384xi32, #tpu.memory_space<hbm>> -> memref<512xi32, #tpu.memory_space<hbm>>
    %dma_start3A_3 = tpu.memref_slice %arg3[%mul3A_2] : memref<16384xi32, #tpu.memory_space<hbm>> -> memref<512xi32, #tpu.memory_space<hbm>>
    tpu.enqueue_dma source(%dma_start3A_3 : memref<512xi32, #tpu.memory_space<hbm>>) target(%arg8 : memref<512xi32, #tpu.memory_space<vmem>>) target_semaphore(%arg14 : memref<!tpu.dma_semaphore, #tpu.memory_space<semaphore_mem>>)
    tpu.enqueue_dma source(%arg4 : memref<32768xf32, #tpu.memory_space<hbm>>) target(%arg11 : memref<32768xf32, #tpu.memory_space<vmem>>) target_semaphore(%arg15 : memref<!tpu.dma_semaphore, #tpu.memory_space<semaphore_mem>>)
    tpu.wait_dma2 semaphore(%arg15 : memref<!tpu.dma_semaphore, #tpu.memory_space<semaphore_mem>>) src(%arg4 : memref<32768xf32, #tpu.memory_space<hbm>>) dst(%arg11 : memref<32768xf32, #tpu.memory_space<vmem>>)
    %add3A_4 = arith.constant 0 : i32
    %add3A_5 = arith.addi %mul3A_2, %add3A_4 : i32
    %mul3A_6 = arith.constant 1024 : i32
    %mul3A_7 = arith.muli %add3A_5, %mul3A_6 : i32
    %dma_start3A_8 = tpu.memref_slice %arg6[%mul3A_7] : memref<16777216xf32, #tpu.memory_space<hbm>> -> memref<32768xf32, #tpu.memory_space<hbm>>
    %dma_start3A_9 = tpu.memref_slice %arg6[%mul3A_7] : memref<16777216xf32, #tpu.memory_space<hbm>> -> memref<32768xf32, #tpu.memory_space<hbm>>
    tpu.enqueue_dma source(%arg11 : memref<32768xf32, #tpu.memory_space<vmem>>) target(%dma_start3A_9 : memref<32768xf32, #tpu.memory_space<hbm>>) target_semaphore(%arg15 : memref<!tpu.dma_semaphore, #tpu.memory_space<semaphore_mem>>)
    %add3A_10 = arith.constant 32 : i32
    %add3A_11 = arith.addi %mul3A_2, %add3A_10 : i32
    %mul3A_12 = arith.constant 1024 : i32
    %mul3A_13 = arith.muli %add3A_11, %mul3A_12 : i32
    %dma_start3A_14 = tpu.memref_slice %arg6[%mul3A_13] : memref<16777216xf32, #tpu.memory_space<hbm>> -> memref<32768xf32, #tpu.memory_space<hbm>>
    %dma_start3A_15 = tpu.memref_slice %arg6[%mul3A_13] : memref<16777216xf32, #tpu.memory_space<hbm>> -> memref<32768xf32, #tpu.memory_space<hbm>>
    tpu.enqueue_dma source(%arg11 : memref<32768xf32, #tpu.memory_space<vmem>>) target(%dma_start3A_15 : memref<32768xf32, #tpu.memory_space<hbm>>) target_semaphore(%arg15 : memref<!tpu.dma_semaphore, #tpu.memory_space<semaphore_mem>>)
    %add3A_16 = arith.constant 64 : i32
    %add3A_17 = arith.addi %mul3A_2, %add3A_16 : i32
    %mul3A_18 = arith.constant 1024 : i32
    %mul3A_19 = arith.muli %add3A_17, %mul3A_18 : i32
    %dma_start3A_20 = tpu.memref_slice %arg6[%mul3A_19] : memref<16777216xf32, #tpu.memory_space<hbm>> -> memref<32768xf32, #tpu.memory_space<hbm>>
    %dma_start3A_21 = tpu.memref_slice %arg6[%mul3A_19] : memref<16777216xf32, #tpu.memory_space<hbm>> -> memref<32768xf32, #tpu.memory_space<hbm>>
    tpu.enqueue_dma source(%arg11 : memref<32768xf32, #tpu.memory_space<vmem>>) target(%dma_start3A_21 : memref<32768xf32, #tpu.memory_space<hbm>>) target_semaphore(%arg15 : memref<!tpu.dma_semaphore, #tpu.memory_space<semaphore_mem>>)
    %add3A_22 = arith.constant 96 : i32
    %add3A_23 = arith.addi %mul3A_2, %add3A_22 : i32
    %mul3A_24 = arith.constant 1024 : i32
    %mul3A_25 = arith.muli %add3A_23, %mul3A_24 : i32
    %dma_start3A_26 = tpu.memref_slice %arg6[%mul3A_25] : memref<16777216xf32, #tpu.memory_space<hbm>> -> memref<32768xf32, #tpu.memory_space<hbm>>
    %dma_start3A_27 = tpu.memref_slice %arg6[%mul3A_25] : memref<16777216xf32, #tpu.memory_space<hbm>> -> memref<32768xf32, #tpu.memory_space<hbm>>
    tpu.enqueue_dma source(%arg11 : memref<32768xf32, #tpu.memory_space<vmem>>) target(%dma_start3A_27 : memref<32768xf32, #tpu.memory_space<hbm>>) target_semaphore(%arg15 : memref<!tpu.dma_semaphore, #tpu.memory_space<semaphore_mem>>)
    %add3A_28 = arith.constant 128 : i32
    %add3A_29 = arith.addi %mul3A_2, %add3A_28 : i32
    %mul3A_30 = arith.constant 1024 : i32
    %mul3A_31 = arith.muli %add3A_29, %mul3A_30 : i32
    %dma_start3A_32 = tpu.memref_slice %arg6[%mul3A_31] : memref<16777216xf32, #tpu.memory_space<hbm>> -> memref<32768xf32, #tpu.memory_space<hbm>>
    %dma_start3A_33 = tpu.memref_slice %arg6[%mul3A_31] : memref<16777216xf32, #tpu.memory_space<hbm>> -> memref<32768xf32, #tpu.memory_space<hbm>>
    tpu.enqueue_dma source(%arg11 : memref<32768xf32, #tpu.memory_space<vmem>>) target(%dma_start3A_33 : memref<32768xf32, #tpu.memory_space<hbm>>) target_semaphore(%arg15 : memref<!tpu.dma_semaphore, #tpu.memory_space<semaphore_mem>>)
    %add3A_34 = arith.constant 160 : i32
    %add3A_35 = arith.addi %mul3A_2, %add3A_34 : i32
    %mul3A_36 = arith.constant 1024 : i32
    %mul3A_37 = arith.muli %add3A_35, %mul3A_36 : i32
    %dma_start3A_38 = tpu.memref_slice %arg6[%mul3A_37] : memref<16777216xf32, #tpu.memory_space<hbm>> -> memref<32768xf32, #tpu.memory_space<hbm>>
    %dma_start3A_39 = tpu.memref_slice %arg6[%mul3A_37] : memref<16777216xf32, #tpu.memory_space<hbm>> -> memref<32768xf32, #tpu.memory_space<hbm>>
    tpu.enqueue_dma source(%arg11 : memref<32768xf32, #tpu.memory_space<vmem>>) target(%dma_start3A_39 : memref<32768xf32, #tpu.memory_space<hbm>>) target_semaphore(%arg15 : memref<!tpu.dma_semaphore, #tpu.memory_space<semaphore_mem>>)
    %add3A_40 = arith.constant 192 : i32
    %add3A_41 = arith.addi %mul3A_2, %add3A_40 : i32
    %mul3A_42 = arith.constant 1024 : i32
    %mul3A_43 = arith.muli %add3A_41, %mul3A_42 : i32
    %dma_start3A_44 = tpu.memref_slice %arg6[%mul3A_43] : memref<16777216xf32, #tpu.memory_space<hbm>> -> memref<32768xf32, #tpu.memory_space<hbm>>
    %dma_start3A_45 = tpu.memref_slice %arg6[%mul3A_43] : memref<16777216xf32, #tpu.memory_space<hbm>> -> memref<32768xf32, #tpu.memory_space<hbm>>
    tpu.enqueue_dma source(%arg11 : memref<32768xf32, #tpu.memory_space<vmem>>) target(%dma_start3A_45 : memref<32768xf32, #tpu.memory_space<hbm>>) target_semaphore(%arg15 : memref<!tpu.dma_semaphore, #tpu.memory_space<semaphore_mem>>)
    %add3A_46 = arith.constant 224 : i32
    %add3A_47 = arith.addi %mul3A_2, %add3A_46 : i32
    %mul3A_48 = arith.constant 1024 : i32
    %mul3A_49 = arith.muli %add3A_47, %mul3A_48 : i32
    %dma_start3A_50 = tpu.memref_slice %arg6[%mul3A_49] : memref<16777216xf32, #tpu.memory_space<hbm>> -> memref<32768xf32, #tpu.memory_space<hbm>>
    %dma_start3A_51 = tpu.memref_slice %arg6[%mul3A_49] : memref<16777216xf32, #tpu.memory_space<hbm>> -> memref<32768xf32, #tpu.memory_space<hbm>>
    tpu.enqueue_dma source(%arg11 : memref<32768xf32, #tpu.memory_space<vmem>>) target(%dma_start3A_51 : memref<32768xf32, #tpu.memory_space<hbm>>) target_semaphore(%arg15 : memref<!tpu.dma_semaphore, #tpu.memory_space<semaphore_mem>>)
    %add3A_52 = arith.constant 256 : i32
    %add3A_53 = arith.addi %mul3A_2, %add3A_52 : i32
    %mul3A_54 = arith.constant 1024 : i32
    %mul3A_55 = arith.muli %add3A_53, %mul3A_54 : i32
    %dma_start3A_56 = tpu.memref_slice %arg6[%mul3A_55] : memref<16777216xf32, #tpu.memory_space<hbm>> -> memref<32768xf32, #tpu.memory_space<hbm>>
    %dma_start3A_57 = tpu.memref_slice %arg6[%mul3A_55] : memref<16777216xf32, #tpu.memory_space<hbm>> -> memref<32768xf32, #tpu.memory_space<hbm>>
    tpu.enqueue_dma source(%arg11 : memref<32768xf32, #tpu.memory_space<vmem>>) target(%dma_start3A_57 : memref<32768xf32, #tpu.memory_space<hbm>>) target_semaphore(%arg15 : memref<!tpu.dma_semaphore, #tpu.memory_space<semaphore_mem>>)
    %add3A_58 = arith.constant 288 : i32
    %add3A_59 = arith.addi %mul3A_2, %add3A_58 : i32
    %mul3A_60 = arith.constant 1024 : i32
    %mul3A_61 = arith.muli %add3A_59, %mul3A_60 : i32
    %dma_start3A_62 = tpu.memref_slice %arg6[%mul3A_61] : memref<16777216xf32, #tpu.memory_space<hbm>> -> memref<32768xf32, #tpu.memory_space<hbm>>
    %dma_start3A_63 = tpu.memref_slice %arg6[%mul3A_61] : memref<16777216xf32, #tpu.memory_space<hbm>> -> memref<32768xf32, #tpu.memory_space<hbm>>
    tpu.enqueue_dma source(%arg11 : memref<32768xf32, #tpu.memory_space<vmem>>) target(%dma_start3A_63 : memref<32768xf32, #tpu.memory_space<hbm>>) target_semaphore(%arg15 : memref<!tpu.dma_semaphore, #tpu.memory_space<semaphore_mem>>)
    %add3A_64 = arith.constant 320 : i32
    %add3A_65 = arith.addi %mul3A_2, %add3A_64 : i32
    %mul3A_66 = arith.constant 1024 : i32
    %mul3A_67 = arith.muli %add3A_65, %mul3A_66 : i32
    %dma_start3A_68 = tpu.memref_slice %arg6[%mul3A_67] : memref<16777216xf32, #tpu.memory_space<hbm>> -> memref<32768xf32, #tpu.memory_space<hbm>>
    %dma_start3A_69 = tpu.memref_slice %arg6[%mul3A_67] : memref<16777216xf32, #tpu.memory_space<hbm>> -> memref<32768xf32, #tpu.memory_space<hbm>>
    tpu.enqueue_dma source(%arg11 : memref<32768xf32, #tpu.memory_space<vmem>>) target(%dma_start3A_69 : memref<32768xf32, #tpu.memory_space<hbm>>) target_semaphore(%arg15 : memref<!tpu.dma_semaphore, #tpu.memory_space<semaphore_mem>>)
    %add3A_70 = arith.constant 352 : i32
    %add3A_71 = arith.addi %mul3A_2, %add3A_70 : i32
    %mul3A_72 = arith.constant 1024 : i32
    %mul3A_73 = arith.muli %add3A_71, %mul3A_72 : i32
    %dma_start3A_74 = tpu.memref_slice %arg6[%mul3A_73] : memref<16777216xf32, #tpu.memory_space<hbm>> -> memref<32768xf32, #tpu.memory_space<hbm>>
    %dma_start3A_75 = tpu.memref_slice %arg6[%mul3A_73] : memref<16777216xf32, #tpu.memory_space<hbm>> -> memref<32768xf32, #tpu.memory_space<hbm>>
    tpu.enqueue_dma source(%arg11 : memref<32768xf32, #tpu.memory_space<vmem>>) target(%dma_start3A_75 : memref<32768xf32, #tpu.memory_space<hbm>>) target_semaphore(%arg15 : memref<!tpu.dma_semaphore, #tpu.memory_space<semaphore_mem>>)
    %add3A_76 = arith.constant 384 : i32
    %add3A_77 = arith.addi %mul3A_2, %add3A_76 : i32
    %mul3A_78 = arith.constant 1024 : i32
    %mul3A_79 = arith.muli %add3A_77, %mul3A_78 : i32
    %dma_start3A_80 = tpu.memref_slice %arg6[%mul3A_79] : memref<16777216xf32, #tpu.memory_space<hbm>> -> memref<32768xf32, #tpu.memory_space<hbm>>
    %dma_start3A_81 = tpu.memref_slice %arg6[%mul3A_79] : memref<16777216xf32, #tpu.memory_space<hbm>> -> memref<32768xf32, #tpu.memory_space<hbm>>
    tpu.enqueue_dma source(%arg11 : memref<32768xf32, #tpu.memory_space<vmem>>) target(%dma_start3A_81 : memref<32768xf32, #tpu.memory_space<hbm>>) target_semaphore(%arg15 : memref<!tpu.dma_semaphore, #tpu.memory_space<semaphore_mem>>)
    %add3A_82 = arith.constant 416 : i32
    %add3A_83 = arith.addi %mul3A_2, %add3A_82 : i32
    %mul3A_84 = arith.constant 1024 : i32
    %mul3A_85 = arith.muli %add3A_83, %mul3A_84 : i32
    %dma_start3A_86 = tpu.memref_slice %arg6[%mul3A_85] : memref<16777216xf32, #tpu.memory_space<hbm>> -> memref<32768xf32, #tpu.memory_space<hbm>>
    %dma_start3A_87 = tpu.memref_slice %arg6[%mul3A_85] : memref<16777216xf32, #tpu.memory_space<hbm>> -> memref<32768xf32, #tpu.memory_space<hbm>>
    tpu.enqueue_dma source(%arg11 : memref<32768xf32, #tpu.memory_space<vmem>>) target(%dma_start3A_87 : memref<32768xf32, #tpu.memory_space<hbm>>) target_semaphore(%arg15 : memref<!tpu.dma_semaphore, #tpu.memory_space<semaphore_mem>>)
    %add3A_88 = arith.constant 448 : i32
    %add3A_89 = arith.addi %mul3A_2, %add3A_88 : i32
    %mul3A_90 = arith.constant 1024 : i32
    %mul3A_91 = arith.muli %add3A_89, %mul3A_90 : i32
    %dma_start3A_92 = tpu.memref_slice %arg6[%mul3A_91] : memref<16777216xf32, #tpu.memory_space<hbm>> -> memref<32768xf32, #tpu.memory_space<hbm>>
    %dma_start3A_93 = tpu.memref_slice %arg6[%mul3A_91] : memref<16777216xf32, #tpu.memory_space<hbm>> -> memref<32768xf32, #tpu.memory_space<hbm>>
    tpu.enqueue_dma source(%arg11 : memref<32768xf32, #tpu.memory_space<vmem>>) target(%dma_start3A_93 : memref<32768xf32, #tpu.memory_space<hbm>>) target_semaphore(%arg15 : memref<!tpu.dma_semaphore, #tpu.memory_space<semaphore_mem>>)
    %add3A_94 = arith.constant 480 : i32
    %add3A_95 = arith.addi %mul3A_2, %add3A_94 : i32
    %mul3A_96 = arith.constant 1024 : i32
    %mul3A_97 = arith.muli %add3A_95, %mul3A_96 : i32
    %dma_start3A_98 = tpu.memref_slice %arg6[%mul3A_97] : memref<16777216xf32, #tpu.memory_space<hbm>> -> memref<32768xf32, #tpu.memory_space<hbm>>
    %dma_start3A_99 = tpu.memref_slice %arg6[%mul3A_97] : memref<16777216xf32, #tpu.memory_space<hbm>> -> memref<32768xf32, #tpu.memory_space<hbm>>
    tpu.enqueue_dma source(%arg11 : memref<32768xf32, #tpu.memory_space<vmem>>) target(%dma_start3A_99 : memref<32768xf32, #tpu.memory_space<hbm>>) target_semaphore(%arg15 : memref<!tpu.dma_semaphore, #tpu.memory_space<semaphore_mem>>)
    tpu.wait_dma2 semaphore(%arg13 : memref<!tpu.dma_semaphore, #tpu.memory_space<semaphore_mem>>) src(%arg2 : memref<16384xi32, #tpu.memory_space<hbm>>) dst(%arg7 : memref<16384xi32, #tpu.memory_space<vmem>>)
    %dma_wait3A = tpu.memref_slice %arg3[%mul3A_2] : memref<16384xi32, #tpu.memory_space<hbm>> -> memref<512xi32, #tpu.memory_space<hbm>>
    %dma_wait3A_100 = tpu.memref_slice %arg3[%mul3A_2] : memref<16384xi32, #tpu.memory_space<hbm>> -> memref<512xi32, #tpu.memory_space<hbm>>
    tpu.wait_dma2 semaphore(%arg14 : memref<!tpu.dma_semaphore, #tpu.memory_space<semaphore_mem>>) src(%dma_wait3A_100 : memref<512xi32, #tpu.memory_space<hbm>>) dst(%arg8 : memref<512xi32, #tpu.memory_space<vmem>>)
    %iota3A = tpu.iota {dimensions = array<i32: 0>} : vector<16xi32>
    %scan3A = arith.constant 0 : i32
    %scan3A_101 = arith.constant 0 : i32
    %scan3A_102 = arith.constant 16 : i32
    %scan3A_103 = arith.addi %scan3A_101, %scan3A_102 : i32
    %scan3A_104 = arith.constant 1 : i32
    %scan3A_105 = scf.for %scan3A_152 = %scan3A_101 to %scan3A_103 step %scan3A_104 iter_args(%scan3A_153 = %scan3A) -> (i32)  : i32 {
      %mul3A_154 = arith.constant 2 : i32
      %mul3A_155 = arith.muli %mul3A_154, %scan3A_152 : i32
      %mul3A_156 = arith.constant 16 : i32
      %mul3A_157 = arith.muli %mul3A_155, %mul3A_156 : i32
      %get3A = arith.index_cast %mul3A_157 : i32 to index
      %get3A_158 = tpu.vector_load %arg8[%get3A] {strides = array<i32>} : memref<512xi32, #tpu.memory_space<vmem>>, vector<16xi32>,
      %mul3A_159 = arith.constant 2 : i32
      %mul3A_160 = arith.muli %mul3A_159, %scan3A_152 : i32
      %add3A_161 = arith.constant 1 : i32
      %add3A_162 = arith.addi %mul3A_160, %add3A_161 : i32
      %mul3A_163 = arith.constant 16 : i32
      %mul3A_164 = arith.muli %add3A_162, %mul3A_163 : i32
      %get3A_165 = arith.index_cast %mul3A_164 : i32 to index
      %get3A_166 = tpu.vector_load %arg8[%get3A_165] {strides = array<i32>} : memref<512xi32, #tpu.memory_space<vmem>>, vector<16xi32>,
      %broadcast_in_dim3A = arith.constant 0 : i32
      %broadcast_in_dim3A_167 = vector.broadcast %broadcast_in_dim3A : i32 to vector<16xi32>
      %broadcast_in_dim3A_168 = arith.constant 0 : i32
      %broadcast_in_dim3A_169 = vector.broadcast %broadcast_in_dim3A_168 : i32 to vector<16xi32>
      %add3A_170 = arith.constant 8191 : i32
      %add3A_171 = vector.broadcast %add3A_170 : i32 to vector<16xi32>
      %add3A_172 = arith.addi %broadcast_in_dim3A_167, %add3A_171 : vector<16xi32>
      %gather3A = tpu.vector_load_idx %arg7[%add3A_172] : memref<16384xi32, #tpu.memory_space<vmem>>[vector<16xi32>], vector<16xi32>,
      %add3A_173 = arith.constant 8191 : i32
      %add3A_174 = vector.broadcast %add3A_173 : i32 to vector<16xi32>
      %add3A_175 = arith.addi %broadcast_in_dim3A_169, %add3A_174 : vector<16xi32>
      %gather3A_176 = tpu.vector_load_idx %arg7[%add3A_175] : memref<16384xi32, #tpu.memory_space<vmem>>[vector<16xi32>], vector<16xi32>,
      %lt3A = arith.cmpi slt, %gather3A, %get3A_158 : vector<16xi32>
      %add3A_177 = arith.constant 8192 : i32
      %add3A_178 = vector.broadcast %add3A_177 : i32 to vector<16xi32>
      %add3A_179 = arith.addi %broadcast_in_dim3A_167, %add3A_178 : vector<16xi32>
      %select_n3A = arith.select %lt3A, %add3A_179, %broadcast_in_dim3A_167 : vector<16xi1>, vector<16xi32>
      %lt3A_180 = arith.cmpi slt, %gather3A_176, %get3A_166 : vector<16xi32>
      %add3A_181 = arith.constant 8192 : i32
      %add3A_182 = vector.broadcast %add3A_181 : i32 to vector<16xi32>
      %add3A_183 = arith.addi %broadcast_in_dim3A_169, %add3A_182 : vector<16xi32>
      %select_n3A_184 = arith.select %lt3A_180, %add3A_183, %broadcast_in_dim3A_169 : vector<16xi1>, vector<16xi32>
      %add3A_185 = arith.constant 4095 : i32
      %add3A_186 = vector.broadcast %add3A_185 : i32 to vector<16xi32>
      %add3A_187 = arith.addi %select_n3A, %add3A_186 : vector<16xi32>
      %gather3A_188 = tpu.vector_load_idx %arg7[%add3A_187] : memref<16384xi32, #tpu.memory_space<vmem>>[vector<16xi32>], vector<16xi32>,
      %add3A_189 = arith.constant 4095 : i32
      %add3A_190 = vector.broadcast %add3A_189 : i32 to vector<16xi32>
      %add3A_191 = arith.addi %select_n3A_184, %add3A_190 : vector<16xi32>
      %gather3A_192 = tpu.vector_load_idx %arg7[%add3A_191] : memref<16384xi32, #tpu.memory_space<vmem>>[vector<16xi32>], vector<16xi32>,
      %lt3A_193 = arith.cmpi slt, %gather3A_188, %get3A_158 : vector<16xi32>
      %add3A_194 = arith.constant 4096 : i32
      %add3A_195 = vector.broadcast %add3A_194 : i32 to vector<16xi32>
      %add3A_196 = arith.addi %select_n3A, %add3A_195 : vector<16xi32>
      %select_n3A_197 = arith.select %lt3A_193, %add3A_196, %select_n3A : vector<16xi1>, vector<16xi32>
      %lt3A_198 = arith.cmpi slt, %gather3A_192, %get3A_166 : vector<16xi32>
      %add3A_199 = arith.constant 4096 : i32
      %add3A_200 = vector.broadcast %add3A_199 : i32 to vector<16xi32>
      %add3A_201 = arith.addi %select_n3A_184, %add3A_200 : vector<16xi32>
      %select_n3A_202 = arith.select %lt3A_198, %add3A_201, %select_n3A_184 : vector<16xi1>, vector<16xi32>
      %add3A_203 = arith.constant 2047 : i32
      %add3A_204 = vector.broadcast %add3A_203 : i32 to vector<16xi32>
      %add3A_205 = arith.addi %select_n3A_197, %add3A_204 : vector<16xi32>
      %gather3A_206 = tpu.vector_load_idx %arg7[%add3A_205] : memref<16384xi32, #tpu.memory_space<vmem>>[vector<16xi32>], vector<16xi32>,
      %add3A_207 = arith.constant 2047 : i32
      %add3A_208 = vector.broadcast %add3A_207 : i32 to vector<16xi32>
      %add3A_209 = arith.addi %select_n3A_202, %add3A_208 : vector<16xi32>
      %gather3A_210 = tpu.vector_load_idx %arg7[%add3A_209] : memref<16384xi32, #tpu.memory_space<vmem>>[vector<16xi32>], vector<16xi32>,
      %lt3A_211 = arith.cmpi slt, %gather3A_206, %get3A_158 : vector<16xi32>
      %add3A_212 = arith.constant 2048 : i32
      %add3A_213 = vector.broadcast %add3A_212 : i32 to vector<16xi32>
      %add3A_214 = arith.addi %select_n3A_197, %add3A_213 : vector<16xi32>
      %select_n3A_215 = arith.select %lt3A_211, %add3A_214, %select_n3A_197 : vector<16xi1>, vector<16xi32>
      %lt3A_216 = arith.cmpi slt, %gather3A_210, %get3A_166 : vector<16xi32>
      %add3A_217 = arith.constant 2048 : i32
      %add3A_218 = vector.broadcast %add3A_217 : i32 to vector<16xi32>
      %add3A_219 = arith.addi %select_n3A_202, %add3A_218 : vector<16xi32>
      %select_n3A_220 = arith.select %lt3A_216, %add3A_219, %select_n3A_202 : vector<16xi1>, vector<16xi32>
      %add3A_221 = arith.constant 1023 : i32
      %add3A_222 = vector.broadcast %add3A_221 : i32 to vector<16xi32>
      %add3A_223 = arith.addi %select_n3A_215, %add3A_222 : vector<16xi32>
      %gather3A_224 = tpu.vector_load_idx %arg7[%add3A_223] : memref<16384xi32, #tpu.memory_space<vmem>>[vector<16xi32>], vector<16xi32>,
      %add3A_225 = arith.constant 1023 : i32
      %add3A_226 = vector.broadcast %add3A_225 : i32 to vector<16xi32>
      %add3A_227 = arith.addi %select_n3A_220, %add3A_226 : vector<16xi32>
      %gather3A_228 = tpu.vector_load_idx %arg7[%add3A_227] : memref<16384xi32, #tpu.memory_space<vmem>>[vector<16xi32>], vector<16xi32>,
      %lt3A_229 = arith.cmpi slt, %gather3A_224, %get3A_158 : vector<16xi32>
      %add3A_230 = arith.constant 1024 : i32
      %add3A_231 = vector.broadcast %add3A_230 : i32 to vector<16xi32>
      %add3A_232 = arith.addi %select_n3A_215, %add3A_231 : vector<16xi32>
      %select_n3A_233 = arith.select %lt3A_229, %add3A_232, %select_n3A_215 : vector<16xi1>, vector<16xi32>
      %lt3A_234 = arith.cmpi slt, %gather3A_228, %get3A_166 : vector<16xi32>
      %add3A_235 = arith.constant 1024 : i32
      %add3A_236 = vector.broadcast %add3A_235 : i32 to vector<16xi32>
      %add3A_237 = arith.addi %select_n3A_220, %add3A_236 : vector<16xi32>
      %select_n3A_238 = arith.select %lt3A_234, %add3A_237, %select_n3A_220 : vector<16xi1>, vector<16xi32>
      %add3A_239 = arith.constant 511 : i32
      %add3A_240 = vector.broadcast %add3A_239 : i32 to vector<16xi32>
      %add3A_241 = arith.addi %select_n3A_233, %add3A_240 : vector<16xi32>
      %gather3A_242 = tpu.vector_load_idx %arg7[%add3A_241] : memref<16384xi32, #tpu.memory_space<vmem>>[vector<16xi32>], vector<16xi32>,
      %add3A_243 = arith.constant 511 : i32
      %add3A_244 = vector.broadcast %add3A_243 : i32 to vector<16xi32>
      %add3A_245 = arith.addi %select_n3A_238, %add3A_244 : vector<16xi32>
      %gather3A_246 = tpu.vector_load_idx %arg7[%add3A_245] : memref<16384xi32, #tpu.memory_space<vmem>>[vector<16xi32>], vector<16xi32>,
      %lt3A_247 = arith.cmpi slt, %gather3A_242, %get3A_158 : vector<16xi32>
      %add3A_248 = arith.constant 512 : i32
      %add3A_249 = vector.broadcast %add3A_248 : i32 to vector<16xi32>
      %add3A_250 = arith.addi %select_n3A_233, %add3A_249 : vector<16xi32>
      %select_n3A_251 = arith.select %lt3A_247, %add3A_250, %select_n3A_233 : vector<16xi1>, vector<16xi32>
      %lt3A_252 = arith.cmpi slt, %gather3A_246, %get3A_166 : vector<16xi32>
      %add3A_253 = arith.constant 512 : i32
      %add3A_254 = vector.broadcast %add3A_253 : i32 to vector<16xi32>
      %add3A_255 = arith.addi %select_n3A_238, %add3A_254 : vector<16xi32>
      %select_n3A_256 = arith.select %lt3A_252, %add3A_255, %select_n3A_238 : vector<16xi1>, vector<16xi32>
      %add3A_257 = arith.constant 255 : i32
      %add3A_258 = vector.broadcast %add3A_257 : i32 to vector<16xi32>
      %add3A_259 = arith.addi %select_n3A_251, %add3A_258 : vector<16xi32>
      %gather3A_260 = tpu.vector_load_idx %arg7[%add3A_259] : memref<16384xi32, #tpu.memory_space<vmem>>[vector<16xi32>], vector<16xi32>,
      %add3A_261 = arith.constant 255 : i32
      %add3A_262 = vector.broadcast %add3A_261 : i32 to vector<16xi32>
      %add3A_263 = arith.addi %select_n3A_256, %add3A_262 : vector<16xi32>
      %gather3A_264 = tpu.vector_load_idx %arg7[%add3A_263] : memref<16384xi32, #tpu.memory_space<vmem>>[vector<16xi32>], vector<16xi32>,
      %lt3A_265 = arith.cmpi slt, %gather3A_260, %get3A_158 : vector<16xi32>
      %add3A_266 = arith.constant 256 : i32
      %add3A_267 = vector.broadcast %add3A_266 : i32 to vector<16xi32>
      %add3A_268 = arith.addi %select_n3A_251, %add3A_267 : vector<16xi32>
      %select_n3A_269 = arith.select %lt3A_265, %add3A_268, %select_n3A_251 : vector<16xi1>, vector<16xi32>
      %lt3A_270 = arith.cmpi slt, %gather3A_264, %get3A_166 : vector<16xi32>
      %add3A_271 = arith.constant 256 : i32
      %add3A_272 = vector.broadcast %add3A_271 : i32 to vector<16xi32>
      %add3A_273 = arith.addi %select_n3A_256, %add3A_272 : vector<16xi32>
      %select_n3A_274 = arith.select %lt3A_270, %add3A_273, %select_n3A_256 : vector<16xi1>, vector<16xi32>
      %add3A_275 = arith.constant 127 : i32
      %add3A_276 = vector.broadcast %add3A_275 : i32 to vector<16xi32>
      %add3A_277 = arith.addi %select_n3A_269, %add3A_276 : vector<16xi32>
      %gather3A_278 = tpu.vector_load_idx %arg7[%add3A_277] : memref<16384xi32, #tpu.memory_space<vmem>>[vector<16xi32>], vector<16xi32>,
      %add3A_279 = arith.constant 127 : i32
      %add3A_280 = vector.broadcast %add3A_279 : i32 to vector<16xi32>
      %add3A_281 = arith.addi %select_n3A_274, %add3A_280 : vector<16xi32>
      %gather3A_282 = tpu.vector_load_idx %arg7[%add3A_281] : memref<16384xi32, #tpu.memory_space<vmem>>[vector<16xi32>], vector<16xi32>,
      %lt3A_283 = arith.cmpi slt, %gather3A_278, %get3A_158 : vector<16xi32>
      %add3A_284 = arith.constant 128 : i32
      %add3A_285 = vector.broadcast %add3A_284 : i32 to vector<16xi32>
      %add3A_286 = arith.addi %select_n3A_269, %add3A_285 : vector<16xi32>
      %select_n3A_287 = arith.select %lt3A_283, %add3A_286, %select_n3A_269 : vector<16xi1>, vector<16xi32>
      %lt3A_288 = arith.cmpi slt, %gather3A_282, %get3A_166 : vector<16xi32>
      %add3A_289 = arith.constant 128 : i32
      %add3A_290 = vector.broadcast %add3A_289 : i32 to vector<16xi32>
      %add3A_291 = arith.addi %select_n3A_274, %add3A_290 : vector<16xi32>
      %select_n3A_292 = arith.select %lt3A_288, %add3A_291, %select_n3A_274 : vector<16xi1>, vector<16xi32>
      %add3A_293 = arith.constant 63 : i32
      %add3A_294 = vector.broadcast %add3A_293 : i32 to vector<16xi32>
      %add3A_295 = arith.addi %select_n3A_287, %add3A_294 : vector<16xi32>
      %gather3A_296 = tpu.vector_load_idx %arg7[%add3A_295] : memref<16384xi32, #tpu.memory_space<vmem>>[vector<16xi32>], vector<16xi32>,
      %add3A_297 = arith.constant 63 : i32
      %add3A_298 = vector.broadcast %add3A_297 : i32 to vector<16xi32>
      %add3A_299 = arith.addi %select_n3A_292, %add3A_298 : vector<16xi32>
      %gather3A_300 = tpu.vector_load_idx %arg7[%add3A_299] : memref<16384xi32, #tpu.memory_space<vmem>>[vector<16xi32>], vector<16xi32>,
      %lt3A_301 = arith.cmpi slt, %gather3A_296, %get3A_158 : vector<16xi32>
      %add3A_302 = arith.constant 64 : i32
      %add3A_303 = vector.broadcast %add3A_302 : i32 to vector<16xi32>
      %add3A_304 = arith.addi %select_n3A_287, %add3A_303 : vector<16xi32>
      %select_n3A_305 = arith.select %lt3A_301, %add3A_304, %select_n3A_287 : vector<16xi1>, vector<16xi32>
      %lt3A_306 = arith.cmpi slt, %gather3A_300, %get3A_166 : vector<16xi32>
      %add3A_307 = arith.constant 64 : i32
      %add3A_308 = vector.broadcast %add3A_307 : i32 to vector<16xi32>
      %add3A_309 = arith.addi %select_n3A_292, %add3A_308 : vector<16xi32>
      %select_n3A_310 = arith.select %lt3A_306, %add3A_309, %select_n3A_292 : vector<16xi1>, vector<16xi32>
      %add3A_311 = arith.constant 31 : i32
      %add3A_312 = vector.broadcast %add3A_311 : i32 to vector<16xi32>
      %add3A_313 = arith.addi %select_n3A_305, %add3A_312 : vector<16xi32>
      %gather3A_314 = tpu.vector_load_idx %arg7[%add3A_313] : memref<16384xi32, #tpu.memory_space<vmem>>[vector<16xi32>], vector<16xi32>,
      %add3A_315 = arith.constant 31 : i32
      %add3A_316 = vector.broadcast %add3A_315 : i32 to vector<16xi32>
      %add3A_317 = arith.addi %select_n3A_310, %add3A_316 : vector<16xi32>
      %gather3A_318 = tpu.vector_load_idx %arg7[%add3A_317] : memref<16384xi32, #tpu.memory_space<vmem>>[vector<16xi32>], vector<16xi32>,
      %lt3A_319 = arith.cmpi slt, %gather3A_314, %get3A_158 : vector<16xi32>
      %add3A_320 = arith.constant 32 : i32
      %add3A_321 = vector.broadcast %add3A_320 : i32 to vector<16xi32>
      %add3A_322 = arith.addi %select_n3A_305, %add3A_321 : vector<16xi32>
      %select_n3A_323 = arith.select %lt3A_319, %add3A_322, %select_n3A_305 : vector<16xi1>, vector<16xi32>
      %lt3A_324 = arith.cmpi slt, %gather3A_318, %get3A_166 : vector<16xi32>
      %add3A_325 = arith.constant 32 : i32
      %add3A_326 = vector.broadcast %add3A_325 : i32 to vector<16xi32>
      %add3A_327 = arith.addi %select_n3A_310, %add3A_326 : vector<16xi32>
      %select_n3A_328 = arith.select %lt3A_324, %add3A_327, %select_n3A_310 : vector<16xi1>, vector<16xi32>
      %add3A_329 = arith.constant 15 : i32
      %add3A_330 = vector.broadcast %add3A_329 : i32 to vector<16xi32>
      %add3A_331 = arith.addi %select_n3A_323, %add3A_330 : vector<16xi32>
      %gather3A_332 = tpu.vector_load_idx %arg7[%add3A_331] : memref<16384xi32, #tpu.memory_space<vmem>>[vector<16xi32>], vector<16xi32>,
      %add3A_333 = arith.constant 15 : i32
      %add3A_334 = vector.broadcast %add3A_333 : i32 to vector<16xi32>
      %add3A_335 = arith.addi %select_n3A_328, %add3A_334 : vector<16xi32>
      %gather3A_336 = tpu.vector_load_idx %arg7[%add3A_335] : memref<16384xi32, #tpu.memory_space<vmem>>[vector<16xi32>], vector<16xi32>,
      %lt3A_337 = arith.cmpi slt, %gather3A_332, %get3A_158 : vector<16xi32>
      %add3A_338 = arith.constant 16 : i32
      %add3A_339 = vector.broadcast %add3A_338 : i32 to vector<16xi32>
      %add3A_340 = arith.addi %select_n3A_323, %add3A_339 : vector<16xi32>
      %select_n3A_341 = arith.select %lt3A_337, %add3A_340, %select_n3A_323 : vector<16xi1>, vector<16xi32>
      %lt3A_342 = arith.cmpi slt, %gather3A_336, %get3A_166 : vector<16xi32>
      %add3A_343 = arith.constant 16 : i32
      %add3A_344 = vector.broadcast %add3A_343 : i32 to vector<16xi32>
      %add3A_345 = arith.addi %select_n3A_328, %add3A_344 : vector<16xi32>
      %select_n3A_346 = arith.select %lt3A_342, %add3A_345, %select_n3A_328 : vector<16xi1>, vector<16xi32>
      %add3A_347 = arith.constant 7 : i32
      %add3A_348 = vector.broadcast %add3A_347 : i32 to vector<16xi32>
      %add3A_349 = arith.addi %select_n3A_341, %add3A_348 : vector<16xi32>
      %gather3A_350 = tpu.vector_load_idx %arg7[%add3A_349] : memref<16384xi32, #tpu.memory_space<vmem>>[vector<16xi32>], vector<16xi32>,
      %add3A_351 = arith.constant 7 : i32
      %add3A_352 = vector.broadcast %add3A_351 : i32 to vector<16xi32>
      %add3A_353 = arith.addi %select_n3A_346, %add3A_352 : vector<16xi32>
      %gather3A_354 = tpu.vector_load_idx %arg7[%add3A_353] : memref<16384xi32, #tpu.memory_space<vmem>>[vector<16xi32>], vector<16xi32>,
      %lt3A_355 = arith.cmpi slt, %gather3A_350, %get3A_158 : vector<16xi32>
      %add3A_356 = arith.constant 8 : i32
      %add3A_357 = vector.broadcast %add3A_356 : i32 to vector<16xi32>
      %add3A_358 = arith.addi %select_n3A_341, %add3A_357 : vector<16xi32>
      %select_n3A_359 = arith.select %lt3A_355, %add3A_358, %select_n3A_341 : vector<16xi1>, vector<16xi32>
      %lt3A_360 = arith.cmpi slt, %gather3A_354, %get3A_166 : vector<16xi32>
      %add3A_361 = arith.constant 8 : i32
      %add3A_362 = vector.broadcast %add3A_361 : i32 to vector<16xi32>
      %add3A_363 = arith.addi %select_n3A_346, %add3A_362 : vector<16xi32>
      %select_n3A_364 = arith.select %lt3A_360, %add3A_363, %select_n3A_346 : vector<16xi1>, vector<16xi32>
      %add3A_365 = arith.constant 3 : i32
      %add3A_366 = vector.broadcast %add3A_365 : i32 to vector<16xi32>
      %add3A_367 = arith.addi %select_n3A_359, %add3A_366 : vector<16xi32>
      %gather3A_368 = tpu.vector_load_idx %arg7[%add3A_367] : memref<16384xi32, #tpu.memory_space<vmem>>[vector<16xi32>], vector<16xi32>,
      %add3A_369 = arith.constant 3 : i32
      %add3A_370 = vector.broadcast %add3A_369 : i32 to vector<16xi32>
      %add3A_371 = arith.addi %select_n3A_364, %add3A_370 : vector<16xi32>
      %gather3A_372 = tpu.vector_load_idx %arg7[%add3A_371] : memref<16384xi32, #tpu.memory_space<vmem>>[vector<16xi32>], vector<16xi32>,
      %lt3A_373 = arith.cmpi slt, %gather3A_368, %get3A_158 : vector<16xi32>
      %add3A_374 = arith.constant 4 : i32
      %add3A_375 = vector.broadcast %add3A_374 : i32 to vector<16xi32>
      %add3A_376 = arith.addi %select_n3A_359, %add3A_375 : vector<16xi32>
      %select_n3A_377 = arith.select %lt3A_373, %add3A_376, %select_n3A_359 : vector<16xi1>, vector<16xi32>
      %lt3A_378 = arith.cmpi slt, %gather3A_372, %get3A_166 : vector<16xi32>
      %add3A_379 = arith.constant 4 : i32
      %add3A_380 = vector.broadcast %add3A_379 : i32 to vector<16xi32>
      %add3A_381 = arith.addi %select_n3A_364, %add3A_380 : vector<16xi32>
      %select_n3A_382 = arith.select %lt3A_378, %add3A_381, %select_n3A_364 : vector<16xi1>, vector<16xi32>
      %add3A_383 = arith.constant 1 : i32
      %add3A_384 = vector.broadcast %add3A_383 : i32 to vector<16xi32>
      %add3A_385 = arith.addi %select_n3A_377, %add3A_384 : vector<16xi32>
      %gather3A_386 = tpu.vector_load_idx %arg7[%add3A_385] : memref<16384xi32, #tpu.memory_space<vmem>>[vector<16xi32>], vector<16xi32>,
      %add3A_387 = arith.constant 1 : i32
      %add3A_388 = vector.broadcast %add3A_387 : i32 to vector<16xi32>
      %add3A_389 = arith.addi %select_n3A_382, %add3A_388 : vector<16xi32>
      %gather3A_390 = tpu.vector_load_idx %arg7[%add3A_389] : memref<16384xi32, #tpu.memory_space<vmem>>[vector<16xi32>], vector<16xi32>,
      %lt3A_391 = arith.cmpi slt, %gather3A_386, %get3A_158 : vector<16xi32>
      %add3A_392 = arith.constant 2 : i32
      %add3A_393 = vector.broadcast %add3A_392 : i32 to vector<16xi32>
      %add3A_394 = arith.addi %select_n3A_377, %add3A_393 : vector<16xi32>
      %select_n3A_395 = arith.select %lt3A_391, %add3A_394, %select_n3A_377 : vector<16xi1>, vector<16xi32>
      %lt3A_396 = arith.cmpi slt, %gather3A_390, %get3A_166 : vector<16xi32>
      %add3A_397 = arith.constant 2 : i32
      %add3A_398 = vector.broadcast %add3A_397 : i32 to vector<16xi32>
      %add3A_399 = arith.addi %select_n3A_382, %add3A_398 : vector<16xi32>
      %select_n3A_400 = arith.select %lt3A_396, %add3A_399, %select_n3A_382 : vector<16xi1>, vector<16xi32>
      %add3A_401 = arith.constant 0 : i32
      %add3A_402 = vector.broadcast %add3A_401 : i32 to vector<16xi32>
      %add3A_403 = arith.addi %select_n3A_395, %add3A_402 : vector<16xi32>
      %gather3A_404 = tpu.vector_load_idx %arg7[%add3A_403] : memref<16384xi32, #tpu.memory_space<vmem>>[vector<16xi32>], vector<16xi32>,
      %add3A_405 = arith.constant 0 : i32
      %add3A_406 = vector.broadcast %add3A_405 : i32 to vector<16xi32>
      %add3A_407 = arith.addi %select_n3A_400, %add3A_406 : vector<16xi32>
      %gather3A_408 = tpu.vector_load_idx %arg7[%add3A_407] : memref<16384xi32, #tpu.memory_space<vmem>>[vector<16xi32>], vector<16xi32>,
      %lt3A_409 = arith.cmpi slt, %gather3A_404, %get3A_158 : vector<16xi32>
      %add3A_410 = arith.constant 1 : i32
      %add3A_411 = vector.broadcast %add3A_410 : i32 to vector<16xi32>
      %add3A_412 = arith.addi %select_n3A_395, %add3A_411 : vector<16xi32>
      %select_n3A_413 = arith.select %lt3A_409, %add3A_412, %select_n3A_395 : vector<16xi1>, vector<16xi32>
      %lt3A_414 = arith.cmpi slt, %gather3A_408, %get3A_166 : vector<16xi32>
      %add3A_415 = arith.constant 1 : i32
      %add3A_416 = vector.broadcast %add3A_415 : i32 to vector<16xi32>
      %add3A_417 = arith.addi %select_n3A_400, %add3A_416 : vector<16xi32>
      %select_n3A_418 = arith.select %lt3A_414, %add3A_417, %select_n3A_400 : vector<16xi1>, vector<16xi32>
      %gather3A_419 = tpu.vector_load_idx %arg7[%select_n3A_413] : memref<16384xi32, #tpu.memory_space<vmem>>[vector<16xi32>], vector<16xi32>,
      %gather3A_420 = tpu.vector_load_idx %arg7[%select_n3A_418] : memref<16384xi32, #tpu.memory_space<vmem>>[vector<16xi32>], vector<16xi32>,
      %lt3A_421 = arith.cmpi slt, %gather3A_419, %get3A_158 : vector<16xi32>
      %jit3A = arith.constant 1 : i32
      %jit3A_422 = arith.constant 0 : i32
      %broadcast_in_dim3A_423 = vector.broadcast %jit3A : i32 to vector<16xi32>
      %broadcast_in_dim3A_424 = vector.broadcast %jit3A_422 : i32 to vector<16xi32>
      %select_n3A_425 = arith.select %lt3A_421, %broadcast_in_dim3A_423, %broadcast_in_dim3A_424 : vector<16xi1>, vector<16xi32>
      %add3A_426 = arith.addi %select_n3A_413, %select_n3A_425 : vector<16xi32>
      %min3A = arith.constant 16383 : i32
      %min3A_427 = vector.broadcast %min3A : i32 to vector<16xi32>
      %min3A_428 = arith.minsi %add3A_426, %min3A_427 : vector<16xi32>
      %lt3A_429 = arith.cmpi slt, %gather3A_420, %get3A_166 : vector<16xi32>
      %jit3A_430 = arith.constant 1 : i32
      %jit3A_431 = arith.constant 0 : i32
      %broadcast_in_dim3A_432 = vector.broadcast %jit3A_430 : i32 to vector<16xi32>
      %broadcast_in_dim3A_433 = vector.broadcast %jit3A_431 : i32 to vector<16xi32>
      %select_n3A_434 = arith.select %lt3A_429, %broadcast_in_dim3A_432, %broadcast_in_dim3A_433 : vector<16xi1>, vector<16xi32>
      %add3A_435 = arith.addi %select_n3A_418, %select_n3A_434 : vector<16xi32>
      %min3A_436 = arith.constant 16383 : i32
      %min3A_437 = vector.broadcast %min3A_436 : i32 to vector<16xi32>
      %min3A_438 = arith.minsi %add3A_435, %min3A_437 : vector<16xi32>
      %gather3A_439 = tpu.vector_load_idx %arg7[%min3A_428] : memref<16384xi32, #tpu.memory_space<vmem>>[vector<16xi32>], vector<16xi32>,
      %gather3A_440 = tpu.vector_load_idx %arg7[%min3A_438] : memref<16384xi32, #tpu.memory_space<vmem>>[vector<16xi32>], vector<16xi32>,
      %eq3A = arith.cmpi eq, %gather3A_439, %get3A_158 : vector<16xi32>
      %eq3A_441 = arith.cmpi eq, %gather3A_440, %get3A_166 : vector<16xi32>
      %mul3A_442 = arith.constant 2 : i32
      %mul3A_443 = arith.muli %mul3A_442, %scan3A_152 : i32
      %mul3A_444 = arith.constant 16 : i32
      %mul3A_445 = arith.muli %mul3A_443, %mul3A_444 : i32
      %add3A_446 = vector.broadcast %mul3A_445 : i32 to vector<16xi32>
      %add3A_447 = arith.addi %add3A_446, %iota3A : vector<16xi32>
      %swap3A = arith.index_cast %scan3A_153 : i32 to index
      %swap3A_448 = tpu.vector_load %arg9[%swap3A] masked %eq3A {strides = array<i32>} : memref<528xi32, #tpu.memory_space<vmem>>, vector<16xi32>, vector<16xi1>
      tpu.vector_store %arg9[%swap3A], %add3A_447 masked %eq3A {strides = array<i32>} : memref<528xi32, #tpu.memory_space<vmem>>, vector<16xi32>, vector<16xi1>
      %swap3A_449 = arith.index_cast %scan3A_153 : i32 to index
      %swap3A_450 = tpu.vector_load %arg10[%swap3A_449] masked %eq3A {strides = array<i32>} : memref<528xi32, #tpu.memory_space<vmem>>, vector<16xi32>, vector<16xi1>
      tpu.vector_store %arg10[%swap3A_449], %min3A_428 masked %eq3A {strides = array<i32>} : memref<528xi32, #tpu.memory_space<vmem>>, vector<16xi32>, vector<16xi1>
      %all_reduce_population_count3A = tpu.all_reduce %eq3A {dim = 0 : i64, kind = #tpu.reduction_kind<sum>} : vector<16xi1> -> vector<16xi32>
      %slice3A = vector.extract_strided_slice %all_reduce_population_count3A {offsets = [0], sizes = [1], strides = [1]} : vector<16xi32> to vector<1xi32>
      %squeeze3A = vector.extract %slice3A[0] : i32 from vector<1xi32>
      %add3A_451 = arith.addi %scan3A_153, %squeeze3A : i32
      %mul3A_452 = arith.constant 2 : i32
      %mul3A_453 = arith.muli %mul3A_452, %scan3A_152 : i32
      %add3A_454 = arith.constant 1 : i32
      %add3A_455 = arith.addi %mul3A_453, %add3A_454 : i32
      %mul3A_456 = arith.constant 16 : i32
      %mul3A_457 = arith.muli %add3A_455, %mul3A_456 : i32
      %add3A_458 = vector.broadcast %mul3A_457 : i32 to vector<16xi32>
      %add3A_459 = arith.addi %add3A_458, %iota3A : vector<16xi32>
      %swap3A_460 = arith.index_cast %add3A_451 : i32 to index
      %swap3A_461 = tpu.vector_load %arg9[%swap3A_460] masked %eq3A_441 {strides = array<i32>} : memref<528xi32, #tpu.memory_space<vmem>>, vector<16xi32>, vector<16xi1>
      tpu.vector_store %arg9[%swap3A_460], %add3A_459 masked %eq3A_441 {strides = array<i32>} : memref<528xi32, #tpu.memory_space<vmem>>, vector<16xi32>, vector<16xi1>
      %swap3A_462 = arith.index_cast %add3A_451 : i32 to index
      %swap3A_463 = tpu.vector_load %arg10[%swap3A_462] masked %eq3A_441 {strides = array<i32>} : memref<528xi32, #tpu.memory_space<vmem>>, vector<16xi32>, vector<16xi1>
      tpu.vector_store %arg10[%swap3A_462], %min3A_438 masked %eq3A_441 {strides = array<i32>} : memref<528xi32, #tpu.memory_space<vmem>>, vector<16xi32>, vector<16xi1>
      %all_reduce_population_count3A_464 = tpu.all_reduce %eq3A_441 {dim = 0 : i64, kind = #tpu.reduction_kind<sum>} : vector<16xi1> -> vector<16xi32>
      %slice3A_465 = vector.extract_strided_slice %all_reduce_population_count3A_464 {offsets = [0], sizes = [1], strides = [1]} : vector<16xi32> to vector<1xi32>
      %squeeze3A_466 = vector.extract %slice3A_465[0] : i32 from vector<1xi32>
      %add3A_467 = arith.addi %add3A_451, %squeeze3A_466 : i32
      scf.yield %add3A_467 : i32
    }
    %scan3A_106 = arith.constant 16 : i32
    %dma_wait3A_107 = tpu.memref_slice %arg6[%mul3A_7] : memref<16777216xf32, #tpu.memory_space<hbm>> -> memref<32768xf32, #tpu.memory_space<hbm>>
    %dma_wait3A_108 = tpu.memref_slice %arg6[%mul3A_7] : memref<16777216xf32, #tpu.memory_space<hbm>> -> memref<32768xf32, #tpu.memory_space<hbm>>
    tpu.wait_dma2 semaphore(%arg15 : memref<!tpu.dma_semaphore, #tpu.memory_space<semaphore_mem>>) src(%arg11 : memref<32768xf32, #tpu.memory_space<vmem>>) dst(%dma_wait3A_108 : memref<32768xf32, #tpu.memory_space<hbm>>)
    %dma_wait3A_109 = tpu.memref_slice %arg6[%mul3A_13] : memref<16777216xf32, #tpu.memory_space<hbm>> -> memref<32768xf32, #tpu.memory_space<hbm>>
    %dma_wait3A_110 = tpu.memref_slice %arg6[%mul3A_13] : memref<16777216xf32, #tpu.memory_space<hbm>> -> memref<32768xf32, #tpu.memory_space<hbm>>
    tpu.wait_dma2 semaphore(%arg15 : memref<!tpu.dma_semaphore, #tpu.memory_space<semaphore_mem>>) src(%arg11 : memref<32768xf32, #tpu.memory_space<vmem>>) dst(%dma_wait3A_110 : memref<32768xf32, #tpu.memory_space<hbm>>)
    %dma_wait3A_111 = tpu.memref_slice %arg6[%mul3A_19] : memref<16777216xf32, #tpu.memory_space<hbm>> -> memref<32768xf32, #tpu.memory_space<hbm>>
    %dma_wait3A_112 = tpu.memref_slice %arg6[%mul3A_19] : memref<16777216xf32, #tpu.memory_space<hbm>> -> memref<32768xf32, #tpu.memory_space<hbm>>
    tpu.wait_dma2 semaphore(%arg15 : memref<!tpu.dma_semaphore, #tpu.memory_space<semaphore_mem>>) src(%arg11 : memref<32768xf32, #tpu.memory_space<vmem>>) dst(%dma_wait3A_112 : memref<32768xf32, #tpu.memory_space<hbm>>)
    %dma_wait3A_113 = tpu.memref_slice %arg6[%mul3A_25] : memref<16777216xf32, #tpu.memory_space<hbm>> -> memref<32768xf32, #tpu.memory_space<hbm>>
    %dma_wait3A_114 = tpu.memref_slice %arg6[%mul3A_25] : memref<16777216xf32, #tpu.memory_space<hbm>> -> memref<32768xf32, #tpu.memory_space<hbm>>
    tpu.wait_dma2 semaphore(%arg15 : memref<!tpu.dma_semaphore, #tpu.memory_space<semaphore_mem>>) src(%arg11 : memref<32768xf32, #tpu.memory_space<vmem>>) dst(%dma_wait3A_114 : memref<32768xf32, #tpu.memory_space<hbm>>)
    %dma_wait3A_115 = tpu.memref_slice %arg6[%mul3A_31] : memref<16777216xf32, #tpu.memory_space<hbm>> -> memref<32768xf32, #tpu.memory_space<hbm>>
    %dma_wait3A_116 = tpu.memref_slice %arg6[%mul3A_31] : memref<16777216xf32, #tpu.memory_space<hbm>> -> memref<32768xf32, #tpu.memory_space<hbm>>
    tpu.wait_dma2 semaphore(%arg15 : memref<!tpu.dma_semaphore, #tpu.memory_space<semaphore_mem>>) src(%arg11 : memref<32768xf32, #tpu.memory_space<vmem>>) dst(%dma_wait3A_116 : memref<32768xf32, #tpu.memory_space<hbm>>)
    %dma_wait3A_117 = tpu.memref_slice %arg6[%mul3A_37] : memref<16777216xf32, #tpu.memory_space<hbm>> -> memref<32768xf32, #tpu.memory_space<hbm>>
    %dma_wait3A_118 = tpu.memref_slice %arg6[%mul3A_37] : memref<16777216xf32, #tpu.memory_space<hbm>> -> memref<32768xf32, #tpu.memory_space<hbm>>
    tpu.wait_dma2 semaphore(%arg15 : memref<!tpu.dma_semaphore, #tpu.memory_space<semaphore_mem>>) src(%arg11 : memref<32768xf32, #tpu.memory_space<vmem>>) dst(%dma_wait3A_118 : memref<32768xf32, #tpu.memory_space<hbm>>)
    %dma_wait3A_119 = tpu.memref_slice %arg6[%mul3A_43] : memref<16777216xf32, #tpu.memory_space<hbm>> -> memref<32768xf32, #tpu.memory_space<hbm>>
    %dma_wait3A_120 = tpu.memref_slice %arg6[%mul3A_43] : memref<16777216xf32, #tpu.memory_space<hbm>> -> memref<32768xf32, #tpu.memory_space<hbm>>
    tpu.wait_dma2 semaphore(%arg15 : memref<!tpu.dma_semaphore, #tpu.memory_space<semaphore_mem>>) src(%arg11 : memref<32768xf32, #tpu.memory_space<vmem>>) dst(%dma_wait3A_120 : memref<32768xf32, #tpu.memory_space<hbm>>)
    %dma_wait3A_121 = tpu.memref_slice %arg6[%mul3A_49] : memref<16777216xf32, #tpu.memory_space<hbm>> -> memref<32768xf32, #tpu.memory_space<hbm>>
    %dma_wait3A_122 = tpu.memref_slice %arg6[%mul3A_49] : memref<16777216xf32, #tpu.memory_space<hbm>> -> memref<32768xf32, #tpu.memory_space<hbm>>
    tpu.wait_dma2 semaphore(%arg15 : memref<!tpu.dma_semaphore, #tpu.memory_space<semaphore_mem>>) src(%arg11 : memref<32768xf32, #tpu.memory_space<vmem>>) dst(%dma_wait3A_122 : memref<32768xf32, #tpu.memory_space<hbm>>)
    %dma_wait3A_123 = tpu.memref_slice %arg6[%mul3A_55] : memref<16777216xf32, #tpu.memory_space<hbm>> -> memref<32768xf32, #tpu.memory_space<hbm>>
    %dma_wait3A_124 = tpu.memref_slice %arg6[%mul3A_55] : memref<16777216xf32, #tpu.memory_space<hbm>> -> memref<32768xf32, #tpu.memory_space<hbm>>
    tpu.wait_dma2 semaphore(%arg15 : memref<!tpu.dma_semaphore, #tpu.memory_space<semaphore_mem>>) src(%arg11 : memref<32768xf32, #tpu.memory_space<vmem>>) dst(%dma_wait3A_124 : memref<32768xf32, #tpu.memory_space<hbm>>)
    %dma_wait3A_125 = tpu.memref_slice %arg6[%mul3A_61] : memref<16777216xf32, #tpu.memory_space<hbm>> -> memref<32768xf32, #tpu.memory_space<hbm>>
    %dma_wait3A_126 = tpu.memref_slice %arg6[%mul3A_61] : memref<16777216xf32, #tpu.memory_space<hbm>> -> memref<32768xf32, #tpu.memory_space<hbm>>
    tpu.wait_dma2 semaphore(%arg15 : memref<!tpu.dma_semaphore, #tpu.memory_space<semaphore_mem>>) src(%arg11 : memref<32768xf32, #tpu.memory_space<vmem>>) dst(%dma_wait3A_126 : memref<32768xf32, #tpu.memory_space<hbm>>)
    %dma_wait3A_127 = tpu.memref_slice %arg6[%mul3A_67] : memref<16777216xf32, #tpu.memory_space<hbm>> -> memref<32768xf32, #tpu.memory_space<hbm>>
    %dma_wait3A_128 = tpu.memref_slice %arg6[%mul3A_67] : memref<16777216xf32, #tpu.memory_space<hbm>> -> memref<32768xf32, #tpu.memory_space<hbm>>
    tpu.wait_dma2 semaphore(%arg15 : memref<!tpu.dma_semaphore, #tpu.memory_space<semaphore_mem>>) src(%arg11 : memref<32768xf32, #tpu.memory_space<vmem>>) dst(%dma_wait3A_128 : memref<32768xf32, #tpu.memory_space<hbm>>)
    %dma_wait3A_129 = tpu.memref_slice %arg6[%mul3A_73] : memref<16777216xf32, #tpu.memory_space<hbm>> -> memref<32768xf32, #tpu.memory_space<hbm>>
    %dma_wait3A_130 = tpu.memref_slice %arg6[%mul3A_73] : memref<16777216xf32, #tpu.memory_space<hbm>> -> memref<32768xf32, #tpu.memory_space<hbm>>
    tpu.wait_dma2 semaphore(%arg15 : memref<!tpu.dma_semaphore, #tpu.memory_space<semaphore_mem>>) src(%arg11 : memref<32768xf32, #tpu.memory_space<vmem>>) dst(%dma_wait3A_130 : memref<32768xf32, #tpu.memory_space<hbm>>)
    %dma_wait3A_131 = tpu.memref_slice %arg6[%mul3A_79] : memref<16777216xf32, #tpu.memory_space<hbm>> -> memref<32768xf32, #tpu.memory_space<hbm>>
    %dma_wait3A_132 = tpu.memref_slice %arg6[%mul3A_79] : memref<16777216xf32, #tpu.memory_space<hbm>> -> memref<32768xf32, #tpu.memory_space<hbm>>
    tpu.wait_dma2 semaphore(%arg15 : memref<!tpu.dma_semaphore, #tpu.memory_space<semaphore_mem>>) src(%arg11 : memref<32768xf32, #tpu.memory_space<vmem>>) dst(%dma_wait3A_132 : memref<32768xf32, #tpu.memory_space<hbm>>)
    %dma_wait3A_133 = tpu.memref_slice %arg6[%mul3A_85] : memref<16777216xf32, #tpu.memory_space<hbm>> -> memref<32768xf32, #tpu.memory_space<hbm>>
    %dma_wait3A_134 = tpu.memref_slice %arg6[%mul3A_85] : memref<16777216xf32, #tpu.memory_space<hbm>> -> memref<32768xf32, #tpu.memory_space<hbm>>
    tpu.wait_dma2 semaphore(%arg15 : memref<!tpu.dma_semaphore, #tpu.memory_space<semaphore_mem>>) src(%arg11 : memref<32768xf32, #tpu.memory_space<vmem>>) dst(%dma_wait3A_134 : memref<32768xf32, #tpu.memory_space<hbm>>)
    %dma_wait3A_135 = tpu.memref_slice %arg6[%mul3A_91] : memref<16777216xf32, #tpu.memory_space<hbm>> -> memref<32768xf32, #tpu.memory_space<hbm>>
    %dma_wait3A_136 = tpu.memref_slice %arg6[%mul3A_91] : memref<16777216xf32, #tpu.memory_space<hbm>> -> memref<32768xf32, #tpu.memory_space<hbm>>
    tpu.wait_dma2 semaphore(%arg15 : memref<!tpu.dma_semaphore, #tpu.memory_space<semaphore_mem>>) src(%arg11 : memref<32768xf32, #tpu.memory_space<vmem>>) dst(%dma_wait3A_136 : memref<32768xf32, #tpu.memory_space<hbm>>)
    %dma_wait3A_137 = tpu.memref_slice %arg6[%mul3A_97] : memref<16777216xf32, #tpu.memory_space<hbm>> -> memref<32768xf32, #tpu.memory_space<hbm>>
    %dma_wait3A_138 = tpu.memref_slice %arg6[%mul3A_97] : memref<16777216xf32, #tpu.memory_space<hbm>> -> memref<32768xf32, #tpu.memory_space<hbm>>
    tpu.wait_dma2 semaphore(%arg15 : memref<!tpu.dma_semaphore, #tpu.memory_space<semaphore_mem>>) src(%arg11 : memref<32768xf32, #tpu.memory_space<vmem>>) dst(%dma_wait3A_138 : memref<32768xf32, #tpu.memory_space<hbm>>)
    %add3A_139 = arith.constant 16 : i32
    %add3A_140 = arith.addi %scan3A_105, %add3A_139 : i32
    %sub3A = arith.constant 1 : i32
    %sub3A_141 = arith.subi %add3A_140, %sub3A : i32
    %div3A = arith.constant 16 : i32
    %div3A_142 = arith.divsi %sub3A_141, %div3A : i32
    %while3A = arith.constant 0 : i32
    %while3A_143 = arith.constant 0 : i32
    %while3A_144 = arith.subi %div3A_142, %while3A_143 : i32
    %while3A_145 = arith.addi %while3A_143, %while3A_144 : i32
    %while3A_146 = arith.constant 1 : i32
    %while3A_147 = arith.divsi %while3A_144, %while3A_146 : i32
    %while3A_148 = arith.muli %while3A_147, %while3A_146 : i32
    %while3A_149 = arith.addi %while3A_143, %while3A_148 : i32
    %while3A_150 = arith.constant 1 : i32
    scf.for %while3A_152 = %while3A_143 to %while3A_149 step %while3A_150  : i32 {
      %mul3A_153 = arith.constant 16 : i32
      %mul3A_154 = arith.muli %while3A_152, %mul3A_153 : i32
      %sub3A_155 = arith.subi %scan3A_105, %mul3A_154 : i32
      %min3A = arith.constant 16 : i32
      %min3A_156 = arith.minsi %sub3A_155, %min3A : i32
      %while3A_157 = arith.constant 0 : i32
      %while3A_158 = arith.constant 0 : i32
      %while3A_159 = arith.subi %min3A_156, %while3A_158 : i32
      %while3A_160 = arith.addi %while3A_158, %while3A_159 : i32
      %while3A_161 = arith.constant 1 : i32
      %while3A_162 = arith.divsi %while3A_159, %while3A_161 : i32
      %while3A_163 = arith.muli %while3A_162, %while3A_161 : i32
      %while3A_164 = arith.addi %while3A_158, %while3A_163 : i32
      %while3A_165 = arith.constant 1 : i32
      scf.for %while3A_197 = %while3A_158 to %while3A_164 step %while3A_165  : i32 {
        %add3A_198 = arith.addi %mul3A_154, %while3A_197 : i32
        %get3A = arith.index_cast %add3A_198 : i32 to index
        %get3A_199 = tpu.vector_load %arg10[%get3A] {strides = array<i32>} : memref<528xi32, #tpu.memory_space<vmem>>, vector<16xi32>,
        %slice3A = vector.extract_strided_slice %get3A_199 {offsets = [0], sizes = [1], strides = [1]} : vector<16xi32> to vector<1xi32>
        %squeeze3A = vector.extract %slice3A[0] : i32 from vector<1xi32>
        %mul3A_200 = arith.constant 1024 : i32
        %mul3A_201 = arith.muli %squeeze3A, %mul3A_200 : i32
        %mul3A_202 = arith.constant 1024 : i32
        %mul3A_203 = arith.muli %while3A_197, %mul3A_202 : i32
        %dma_start3A_204 = tpu.memref_slice %arg12[%mul3A_203] : memref<16384xf32, #tpu.memory_space<vmem>> -> memref<1024xf32, #tpu.memory_space<vmem>>
        %dma_start3A_205 = tpu.memref_slice %arg5[%mul3A_201] : memref<16777216xf32, #tpu.memory_space<hbm>> -> memref<1024xf32, #tpu.memory_space<hbm>>
        %dma_start3A_206 = tpu.memref_slice %arg12[%mul3A_203] : memref<16384xf32, #tpu.memory_space<vmem>> -> memref<1024xf32, #tpu.memory_space<vmem>>
        %dma_start3A_207 = tpu.memref_slice %arg5[%mul3A_201] : memref<16777216xf32, #tpu.memory_space<hbm>> -> memref<1024xf32, #tpu.memory_space<hbm>>
        tpu.enqueue_dma source(%dma_start3A_207 : memref<1024xf32, #tpu.memory_space<hbm>>) target(%dma_start3A_206 : memref<1024xf32, #tpu.memory_space<vmem>>) target_semaphore(%arg16 : memref<!tpu.dma_semaphore, #tpu.memory_space<semaphore_mem>>)
      }
      %while3A_166 = arith.constant 1 : i32
      scf.for %while3A_197 = %while3A_164 to %while3A_160 step %while3A_166  : i32 {
        %add3A_198 = arith.addi %mul3A_154, %while3A_197 : i32
        %get3A = arith.index_cast %add3A_198 : i32 to index
        %get3A_199 = tpu.vector_load %arg10[%get3A] {strides = array<i32>} : memref<528xi32, #tpu.memory_space<vmem>>, vector<16xi32>,
        %slice3A = vector.extract_strided_slice %get3A_199 {offsets = [0], sizes = [1], strides = [1]} : vector<16xi32> to vector<1xi32>
        %squeeze3A = vector.extract %slice3A[0] : i32 from vector<1xi32>
        %mul3A_200 = arith.constant 1024 : i32
        %mul3A_201 = arith.muli %squeeze3A, %mul3A_200 : i32
        %mul3A_202 = arith.constant 1024 : i32
        %mul3A_203 = arith.muli %while3A_197, %mul3A_202 : i32
        %dma_start3A_204 = tpu.memref_slice %arg12[%mul3A_203] : memref<16384xf32, #tpu.memory_space<vmem>> -> memref<1024xf32, #tpu.memory_space<vmem>>
        %dma_start3A_205 = tpu.memref_slice %arg5[%mul3A_201] : memref<16777216xf32, #tpu.memory_space<hbm>> -> memref<1024xf32, #tpu.memory_space<hbm>>
        %dma_start3A_206 = tpu.memref_slice %arg12[%mul3A_203] : memref<16384xf32, #tpu.memory_space<vmem>> -> memref<1024xf32, #tpu.memory_space<vmem>>
        %dma_start3A_207 = tpu.memref_slice %arg5[%mul3A_201] : memref<16777216xf32, #tpu.memory_space<hbm>> -> memref<1024xf32, #tpu.memory_space<hbm>>
        tpu.enqueue_dma source(%dma_start3A_207 : memref<1024xf32, #tpu.memory_space<hbm>>) target(%dma_start3A_206 : memref<1024xf32, #tpu.memory_space<vmem>>) target_semaphore(%arg16 : memref<!tpu.dma_semaphore, #tpu.memory_space<semaphore_mem>>)
      }
      %while3A_167 = arith.constant 0 : i32
      %while3A_168 = arith.constant 0 : i32
      %while3A_169 = arith.subi %min3A_156, %while3A_168 : i32
      %while3A_170 = arith.addi %while3A_168, %while3A_169 : i32
      %while3A_171 = arith.constant 1 : i32
      %while3A_172 = arith.divsi %while3A_169, %while3A_171 : i32
      %while3A_173 = arith.muli %while3A_172, %while3A_171 : i32
      %while3A_174 = arith.addi %while3A_168, %while3A_173 : i32
      %while3A_175 = arith.constant 1 : i32
      scf.for %while3A_197 = %while3A_168 to %while3A_174 step %while3A_175  : i32 {
        %dma_wait3A_198 = arith.constant 0 : i32
        %dma_wait3A_199 = tpu.memref_slice %arg12[%dma_wait3A_198] : memref<16384xf32, #tpu.memory_space<vmem>> -> memref<1024xf32, #tpu.memory_space<vmem>>
        %dma_wait3A_200 = arith.constant 0 : i32
        %dma_wait3A_201 = tpu.memref_slice %arg5[%dma_wait3A_200] : memref<16777216xf32, #tpu.memory_space<hbm>> -> memref<1024xf32, #tpu.memory_space<hbm>>
        %dma_wait3A_202 = arith.constant 0 : i32
        %dma_wait3A_203 = tpu.memref_slice %arg12[%dma_wait3A_202] : memref<16384xf32, #tpu.memory_space<vmem>> -> memref<1024xf32, #tpu.memory_space<vmem>>
        %dma_wait3A_204 = arith.constant 0 : i32
        %dma_wait3A_205 = tpu.memref_slice %arg5[%dma_wait3A_204] : memref<16777216xf32, #tpu.memory_space<hbm>> -> memref<1024xf32, #tpu.memory_space<hbm>>
        tpu.wait_dma2 semaphore(%arg16 : memref<!tpu.dma_semaphore, #tpu.memory_space<semaphore_mem>>) src(%dma_wait3A_205 : memref<1024xf32, #tpu.memory_space<hbm>>) dst(%dma_wait3A_203 : memref<1024xf32, #tpu.memory_space<vmem>>)
      }
      %while3A_176 = arith.constant 1 : i32
      scf.for %while3A_197 = %while3A_174 to %while3A_170 step %while3A_176  : i32 {
        %dma_wait3A_198 = arith.constant 0 : i32
        %dma_wait3A_199 = tpu.memref_slice %arg12[%dma_wait3A_198] : memref<16384xf32, #tpu.memory_space<vmem>> -> memref<1024xf32, #tpu.memory_space<vmem>>
        %dma_wait3A_200 = arith.constant 0 : i32
        %dma_wait3A_201 = tpu.memref_slice %arg5[%dma_wait3A_200] : memref<16777216xf32, #tpu.memory_space<hbm>> -> memref<1024xf32, #tpu.memory_space<hbm>>
        %dma_wait3A_202 = arith.constant 0 : i32
        %dma_wait3A_203 = tpu.memref_slice %arg12[%dma_wait3A_202] : memref<16384xf32, #tpu.memory_space<vmem>> -> memref<1024xf32, #tpu.memory_space<vmem>>
        %dma_wait3A_204 = arith.constant 0 : i32
        %dma_wait3A_205 = tpu.memref_slice %arg5[%dma_wait3A_204] : memref<16777216xf32, #tpu.memory_space<hbm>> -> memref<1024xf32, #tpu.memory_space<hbm>>
        tpu.wait_dma2 semaphore(%arg16 : memref<!tpu.dma_semaphore, #tpu.memory_space<semaphore_mem>>) src(%dma_wait3A_205 : memref<1024xf32, #tpu.memory_space<hbm>>) dst(%dma_wait3A_203 : memref<1024xf32, #tpu.memory_space<vmem>>)
      }
      %while3A_177 = arith.constant 0 : i32
      %while3A_178 = arith.constant 0 : i32
      %while3A_179 = arith.subi %min3A_156, %while3A_178 : i32
      %while3A_180 = arith.addi %while3A_178, %while3A_179 : i32
      %while3A_181 = arith.constant 1 : i32
      %while3A_182 = arith.divsi %while3A_179, %while3A_181 : i32
      %while3A_183 = arith.muli %while3A_182, %while3A_181 : i32
      %while3A_184 = arith.addi %while3A_178, %while3A_183 : i32
      %while3A_185 = arith.constant 1 : i32
      scf.for %while3A_197 = %while3A_178 to %while3A_184 step %while3A_185  : i32 {
        %add3A_198 = arith.addi %mul3A_154, %while3A_197 : i32
        %get3A = arith.index_cast %add3A_198 : i32 to index
        %get3A_199 = tpu.vector_load %arg9[%get3A] {strides = array<i32>} : memref<528xi32, #tpu.memory_space<vmem>>, vector<16xi32>,
        %slice3A = vector.extract_strided_slice %get3A_199 {offsets = [0], sizes = [1], strides = [1]} : vector<16xi32> to vector<1xi32>
        %squeeze3A = vector.extract %slice3A[0] : i32 from vector<1xi32>
        %mul3A_200 = arith.constant 1024 : i32
        %mul3A_201 = arith.muli %while3A_197, %mul3A_200 : i32
        %add3A_202 = arith.addi %mul3A_2, %squeeze3A : i32
        %mul3A_203 = arith.constant 1024 : i32
        %mul3A_204 = arith.muli %add3A_202, %mul3A_203 : i32
        %dma_start3A_205 = tpu.memref_slice %arg12[%mul3A_201] : memref<16384xf32, #tpu.memory_space<vmem>> -> memref<1024xf32, #tpu.memory_space<vmem>>
        %dma_start3A_206 = tpu.memref_slice %arg6[%mul3A_204] : memref<16777216xf32, #tpu.memory_space<hbm>> -> memref<1024xf32, #tpu.memory_space<hbm>>
        %dma_start3A_207 = tpu.memref_slice %arg6[%mul3A_204] : memref<16777216xf32, #tpu.memory_space<hbm>> -> memref<1024xf32, #tpu.memory_space<hbm>>
        %dma_start3A_208 = tpu.memref_slice %arg12[%mul3A_201] : memref<16384xf32, #tpu.memory_space<vmem>> -> memref<1024xf32, #tpu.memory_space<vmem>>
        tpu.enqueue_dma source(%dma_start3A_208 : memref<1024xf32, #tpu.memory_space<vmem>>) target(%dma_start3A_207 : memref<1024xf32, #tpu.memory_space<hbm>>) target_semaphore(%arg17 : memref<!tpu.dma_semaphore, #tpu.memory_space<semaphore_mem>>)
      }
      %while3A_186 = arith.constant 1 : i32
      scf.for %while3A_197 = %while3A_184 to %while3A_180 step %while3A_186  : i32 {
        %add3A_198 = arith.addi %mul3A_154, %while3A_197 : i32
        %get3A = arith.index_cast %add3A_198 : i32 to index
        %get3A_199 = tpu.vector_load %arg9[%get3A] {strides = array<i32>} : memref<528xi32, #tpu.memory_space<vmem>>, vector<16xi32>,
        %slice3A = vector.extract_strided_slice %get3A_199 {offsets = [0], sizes = [1], strides = [1]} : vector<16xi32> to vector<1xi32>
        %squeeze3A = vector.extract %slice3A[0] : i32 from vector<1xi32>
        %mul3A_200 = arith.constant 1024 : i32
        %mul3A_201 = arith.muli %while3A_197, %mul3A_200 : i32
        %add3A_202 = arith.addi %mul3A_2, %squeeze3A : i32
        %mul3A_203 = arith.constant 1024 : i32
        %mul3A_204 = arith.muli %add3A_202, %mul3A_203 : i32
        %dma_start3A_205 = tpu.memref_slice %arg12[%mul3A_201] : memref<16384xf32, #tpu.memory_space<vmem>> -> memref<1024xf32, #tpu.memory_space<vmem>>
        %dma_start3A_206 = tpu.memref_slice %arg6[%mul3A_204] : memref<16777216xf32, #tpu.memory_space<hbm>> -> memref<1024xf32, #tpu.memory_space<hbm>>
        %dma_start3A_207 = tpu.memref_slice %arg6[%mul3A_204] : memref<16777216xf32, #tpu.memory_space<hbm>> -> memref<1024xf32, #tpu.memory_space<hbm>>
        %dma_start3A_208 = tpu.memref_slice %arg12[%mul3A_201] : memref<16384xf32, #tpu.memory_space<vmem>> -> memref<1024xf32, #tpu.memory_space<vmem>>
        tpu.enqueue_dma source(%dma_start3A_208 : memref<1024xf32, #tpu.memory_space<vmem>>) target(%dma_start3A_207 : memref<1024xf32, #tpu.memory_space<hbm>>) target_semaphore(%arg17 : memref<!tpu.dma_semaphore, #tpu.memory_space<semaphore_mem>>)
      }
      %while3A_187 = arith.constant 0 : i32
      %while3A_188 = arith.constant 0 : i32
      %while3A_189 = arith.subi %min3A_156, %while3A_188 : i32
      %while3A_190 = arith.addi %while3A_188, %while3A_189 : i32
      %while3A_191 = arith.constant 1 : i32
      %while3A_192 = arith.divsi %while3A_189, %while3A_191 : i32
      %while3A_193 = arith.muli %while3A_192, %while3A_191 : i32
      %while3A_194 = arith.addi %while3A_188, %while3A_193 : i32
      %while3A_195 = arith.constant 1 : i32
      scf.for %while3A_197 = %while3A_188 to %while3A_194 step %while3A_195  : i32 {
        %dma_wait3A_198 = arith.constant 0 : i32
        %dma_wait3A_199 = tpu.memref_slice %arg12[%dma_wait3A_198] : memref<16384xf32, #tpu.memory_space<vmem>> -> memref<1024xf32, #tpu.memory_space<vmem>>
        %dma_wait3A_200 = arith.constant 0 : i32
        %dma_wait3A_201 = tpu.memref_slice %arg5[%dma_wait3A_200] : memref<16777216xf32, #tpu.memory_space<hbm>> -> memref<1024xf32, #tpu.memory_space<hbm>>
        %dma_wait3A_202 = arith.constant 0 : i32
        %dma_wait3A_203 = tpu.memref_slice %arg12[%dma_wait3A_202] : memref<16384xf32, #tpu.memory_space<vmem>> -> memref<1024xf32, #tpu.memory_space<vmem>>
        %dma_wait3A_204 = arith.constant 0 : i32
        %dma_wait3A_205 = tpu.memref_slice %arg5[%dma_wait3A_204] : memref<16777216xf32, #tpu.memory_space<hbm>> -> memref<1024xf32, #tpu.memory_space<hbm>>
        tpu.wait_dma2 semaphore(%arg17 : memref<!tpu.dma_semaphore, #tpu.memory_space<semaphore_mem>>) src(%dma_wait3A_205 : memref<1024xf32, #tpu.memory_space<hbm>>) dst(%dma_wait3A_203 : memref<1024xf32, #tpu.memory_space<vmem>>)
      }
      %while3A_196 = arith.constant 1 : i32
      scf.for %while3A_197 = %while3A_194 to %while3A_190 step %while3A_196  : i32 {
        %dma_wait3A_198 = arith.constant 0 : i32
        %dma_wait3A_199 = tpu.memref_slice %arg12[%dma_wait3A_198] : memref<16384xf32, #tpu.memory_space<vmem>> -> memref<1024xf32, #tpu.memory_space<vmem>>
        %dma_wait3A_200 = arith.constant 0 : i32
        %dma_wait3A_201 = tpu.memref_slice %arg5[%dma_wait3A_200] : memref<16777216xf32, #tpu.memory_space<hbm>> -> memref<1024xf32, #tpu.memory_space<hbm>>
        %dma_wait3A_202 = arith.constant 0 : i32
        %dma_wait3A_203 = tpu.memref_slice %arg12[%dma_wait3A_202] : memref<16384xf32, #tpu.memory_space<vmem>> -> memref<1024xf32, #tpu.memory_space<vmem>>
        %dma_wait3A_204 = arith.constant 0 : i32
        %dma_wait3A_205 = tpu.memref_slice %arg5[%dma_wait3A_204] : memref<16777216xf32, #tpu.memory_space<hbm>> -> memref<1024xf32, #tpu.memory_space<hbm>>
        tpu.wait_dma2 semaphore(%arg17 : memref<!tpu.dma_semaphore, #tpu.memory_space<semaphore_mem>>) src(%dma_wait3A_205 : memref<1024xf32, #tpu.memory_space<hbm>>) dst(%dma_wait3A_203 : memref<1024xf32, #tpu.memory_space<vmem>>)
      }
    }
    %while3A_151 = arith.constant 1 : i32
    scf.for %while3A_152 = %while3A_149 to %while3A_145 step %while3A_151  : i32 {
      %mul3A_153 = arith.constant 16 : i32
      %mul3A_154 = arith.muli %while3A_152, %mul3A_153 : i32
      %sub3A_155 = arith.subi %scan3A_105, %mul3A_154 : i32
      %min3A = arith.constant 16 : i32
      %min3A_156 = arith.minsi %sub3A_155, %min3A : i32
      %while3A_157 = arith.constant 0 : i32
      %while3A_158 = arith.constant 0 : i32
      %while3A_159 = arith.subi %min3A_156, %while3A_158 : i32
      %while3A_160 = arith.addi %while3A_158, %while3A_159 : i32
      %while3A_161 = arith.constant 1 : i32
      %while3A_162 = arith.divsi %while3A_159, %while3A_161 : i32
      %while3A_163 = arith.muli %while3A_162, %while3A_161 : i32
      %while3A_164 = arith.addi %while3A_158, %while3A_163 : i32
      %while3A_165 = arith.constant 1 : i32
      scf.for %while3A_197 = %while3A_158 to %while3A_164 step %while3A_165  : i32 {
        %add3A_198 = arith.addi %mul3A_154, %while3A_197 : i32
        %get3A = arith.index_cast %add3A_198 : i32 to index
        %get3A_199 = tpu.vector_load %arg10[%get3A] {strides = array<i32>} : memref<528xi32, #tpu.memory_space<vmem>>, vector<16xi32>,
        %slice3A = vector.extract_strided_slice %get3A_199 {offsets = [0], sizes = [1], strides = [1]} : vector<16xi32> to vector<1xi32>
        %squeeze3A = vector.extract %slice3A[0] : i32 from vector<1xi32>
        %mul3A_200 = arith.constant 1024 : i32
        %mul3A_201 = arith.muli %squeeze3A, %mul3A_200 : i32
        %mul3A_202 = arith.constant 1024 : i32
        %mul3A_203 = arith.muli %while3A_197, %mul3A_202 : i32
        %dma_start3A_204 = tpu.memref_slice %arg12[%mul3A_203] : memref<16384xf32, #tpu.memory_space<vmem>> -> memref<1024xf32, #tpu.memory_space<vmem>>
        %dma_start3A_205 = tpu.memref_slice %arg5[%mul3A_201] : memref<16777216xf32, #tpu.memory_space<hbm>> -> memref<1024xf32, #tpu.memory_space<hbm>>
        %dma_start3A_206 = tpu.memref_slice %arg12[%mul3A_203] : memref<16384xf32, #tpu.memory_space<vmem>> -> memref<1024xf32, #tpu.memory_space<vmem>>
        %dma_start3A_207 = tpu.memref_slice %arg5[%mul3A_201] : memref<16777216xf32, #tpu.memory_space<hbm>> -> memref<1024xf32, #tpu.memory_space<hbm>>
        tpu.enqueue_dma source(%dma_start3A_207 : memref<1024xf32, #tpu.memory_space<hbm>>) target(%dma_start3A_206 : memref<1024xf32, #tpu.memory_space<vmem>>) target_semaphore(%arg16 : memref<!tpu.dma_semaphore, #tpu.memory_space<semaphore_mem>>)
      }
      %while3A_166 = arith.constant 1 : i32
      scf.for %while3A_197 = %while3A_164 to %while3A_160 step %while3A_166  : i32 {
        %add3A_198 = arith.addi %mul3A_154, %while3A_197 : i32
        %get3A = arith.index_cast %add3A_198 : i32 to index
        %get3A_199 = tpu.vector_load %arg10[%get3A] {strides = array<i32>} : memref<528xi32, #tpu.memory_space<vmem>>, vector<16xi32>,
        %slice3A = vector.extract_strided_slice %get3A_199 {offsets = [0], sizes = [1], strides = [1]} : vector<16xi32> to vector<1xi32>
        %squeeze3A = vector.extract %slice3A[0] : i32 from vector<1xi32>
        %mul3A_200 = arith.constant 1024 : i32
        %mul3A_201 = arith.muli %squeeze3A, %mul3A_200 : i32
        %mul3A_202 = arith.constant 1024 : i32
        %mul3A_203 = arith.muli %while3A_197, %mul3A_202 : i32
        %dma_start3A_204 = tpu.memref_slice %arg12[%mul3A_203] : memref<16384xf32, #tpu.memory_space<vmem>> -> memref<1024xf32, #tpu.memory_space<vmem>>
        %dma_start3A_205 = tpu.memref_slice %arg5[%mul3A_201] : memref<16777216xf32, #tpu.memory_space<hbm>> -> memref<1024xf32, #tpu.memory_space<hbm>>
        %dma_start3A_206 = tpu.memref_slice %arg12[%mul3A_203] : memref<16384xf32, #tpu.memory_space<vmem>> -> memref<1024xf32, #tpu.memory_space<vmem>>
        %dma_start3A_207 = tpu.memref_slice %arg5[%mul3A_201] : memref<16777216xf32, #tpu.memory_space<hbm>> -> memref<1024xf32, #tpu.memory_space<hbm>>
        tpu.enqueue_dma source(%dma_start3A_207 : memref<1024xf32, #tpu.memory_space<hbm>>) target(%dma_start3A_206 : memref<1024xf32, #tpu.memory_space<vmem>>) target_semaphore(%arg16 : memref<!tpu.dma_semaphore, #tpu.memory_space<semaphore_mem>>)
      }
      %while3A_167 = arith.constant 0 : i32
      %while3A_168 = arith.constant 0 : i32
      %while3A_169 = arith.subi %min3A_156, %while3A_168 : i32
      %while3A_170 = arith.addi %while3A_168, %while3A_169 : i32
      %while3A_171 = arith.constant 1 : i32
      %while3A_172 = arith.divsi %while3A_169, %while3A_171 : i32
      %while3A_173 = arith.muli %while3A_172, %while3A_171 : i32
      %while3A_174 = arith.addi %while3A_168, %while3A_173 : i32
      %while3A_175 = arith.constant 1 : i32
      scf.for %while3A_197 = %while3A_168 to %while3A_174 step %while3A_175  : i32 {
        %dma_wait3A_198 = arith.constant 0 : i32
        %dma_wait3A_199 = tpu.memref_slice %arg12[%dma_wait3A_198] : memref<16384xf32, #tpu.memory_space<vmem>> -> memref<1024xf32, #tpu.memory_space<vmem>>
        %dma_wait3A_200 = arith.constant 0 : i32
        %dma_wait3A_201 = tpu.memref_slice %arg5[%dma_wait3A_200] : memref<16777216xf32, #tpu.memory_space<hbm>> -> memref<1024xf32, #tpu.memory_space<hbm>>
        %dma_wait3A_202 = arith.constant 0 : i32
        %dma_wait3A_203 = tpu.memref_slice %arg12[%dma_wait3A_202] : memref<16384xf32, #tpu.memory_space<vmem>> -> memref<1024xf32, #tpu.memory_space<vmem>>
        %dma_wait3A_204 = arith.constant 0 : i32
        %dma_wait3A_205 = tpu.memref_slice %arg5[%dma_wait3A_204] : memref<16777216xf32, #tpu.memory_space<hbm>> -> memref<1024xf32, #tpu.memory_space<hbm>>
        tpu.wait_dma2 semaphore(%arg16 : memref<!tpu.dma_semaphore, #tpu.memory_space<semaphore_mem>>) src(%dma_wait3A_205 : memref<1024xf32, #tpu.memory_space<hbm>>) dst(%dma_wait3A_203 : memref<1024xf32, #tpu.memory_space<vmem>>)
      }
      %while3A_176 = arith.constant 1 : i32
      scf.for %while3A_197 = %while3A_174 to %while3A_170 step %while3A_176  : i32 {
        %dma_wait3A_198 = arith.constant 0 : i32
        %dma_wait3A_199 = tpu.memref_slice %arg12[%dma_wait3A_198] : memref<16384xf32, #tpu.memory_space<vmem>> -> memref<1024xf32, #tpu.memory_space<vmem>>
        %dma_wait3A_200 = arith.constant 0 : i32
        %dma_wait3A_201 = tpu.memref_slice %arg5[%dma_wait3A_200] : memref<16777216xf32, #tpu.memory_space<hbm>> -> memref<1024xf32, #tpu.memory_space<hbm>>
        %dma_wait3A_202 = arith.constant 0 : i32
        %dma_wait3A_203 = tpu.memref_slice %arg12[%dma_wait3A_202] : memref<16384xf32, #tpu.memory_space<vmem>> -> memref<1024xf32, #tpu.memory_space<vmem>>
        %dma_wait3A_204 = arith.constant 0 : i32
        %dma_wait3A_205 = tpu.memref_slice %arg5[%dma_wait3A_204] : memref<16777216xf32, #tpu.memory_space<hbm>> -> memref<1024xf32, #tpu.memory_space<hbm>>
        tpu.wait_dma2 semaphore(%arg16 : memref<!tpu.dma_semaphore, #tpu.memory_space<semaphore_mem>>) src(%dma_wait3A_205 : memref<1024xf32, #tpu.memory_space<hbm>>) dst(%dma_wait3A_203 : memref<1024xf32, #tpu.memory_space<vmem>>)
      }
      %while3A_177 = arith.constant 0 : i32
      %while3A_178 = arith.constant 0 : i32
      %while3A_179 = arith.subi %min3A_156, %while3A_178 : i32
      %while3A_180 = arith.addi %while3A_178, %while3A_179 : i32
      %while3A_181 = arith.constant 1 : i32
      %while3A_182 = arith.divsi %while3A_179, %while3A_181 : i32
      %while3A_183 = arith.muli %while3A_182, %while3A_181 : i32
      %while3A_184 = arith.addi %while3A_178, %while3A_183 : i32
      %while3A_185 = arith.constant 1 : i32
      scf.for %while3A_197 = %while3A_178 to %while3A_184 step %while3A_185  : i32 {
        %add3A_198 = arith.addi %mul3A_154, %while3A_197 : i32
        %get3A = arith.index_cast %add3A_198 : i32 to index
        %get3A_199 = tpu.vector_load %arg9[%get3A] {strides = array<i32>} : memref<528xi32, #tpu.memory_space<vmem>>, vector<16xi32>,
        %slice3A = vector.extract_strided_slice %get3A_199 {offsets = [0], sizes = [1], strides = [1]} : vector<16xi32> to vector<1xi32>
        %squeeze3A = vector.extract %slice3A[0] : i32 from vector<1xi32>
        %mul3A_200 = arith.constant 1024 : i32
        %mul3A_201 = arith.muli %while3A_197, %mul3A_200 : i32
        %add3A_202 = arith.addi %mul3A_2, %squeeze3A : i32
        %mul3A_203 = arith.constant 1024 : i32
        %mul3A_204 = arith.muli %add3A_202, %mul3A_203 : i32
        %dma_start3A_205 = tpu.memref_slice %arg12[%mul3A_201] : memref<16384xf32, #tpu.memory_space<vmem>> -> memref<1024xf32, #tpu.memory_space<vmem>>
        %dma_start3A_206 = tpu.memref_slice %arg6[%mul3A_204] : memref<16777216xf32, #tpu.memory_space<hbm>> -> memref<1024xf32, #tpu.memory_space<hbm>>
        %dma_start3A_207 = tpu.memref_slice %arg6[%mul3A_204] : memref<16777216xf32, #tpu.memory_space<hbm>> -> memref<1024xf32, #tpu.memory_space<hbm>>
        %dma_start3A_208 = tpu.memref_slice %arg12[%mul3A_201] : memref<16384xf32, #tpu.memory_space<vmem>> -> memref<1024xf32, #tpu.memory_space<vmem>>
        tpu.enqueue_dma source(%dma_start3A_208 : memref<1024xf32, #tpu.memory_space<vmem>>) target(%dma_start3A_207 : memref<1024xf32, #tpu.memory_space<hbm>>) target_semaphore(%arg17 : memref<!tpu.dma_semaphore, #tpu.memory_space<semaphore_mem>>)
      }
      %while3A_186 = arith.constant 1 : i32
      scf.for %while3A_197 = %while3A_184 to %while3A_180 step %while3A_186  : i32 {
        %add3A_198 = arith.addi %mul3A_154, %while3A_197 : i32
        %get3A = arith.index_cast %add3A_198 : i32 to index
        %get3A_199 = tpu.vector_load %arg9[%get3A] {strides = array<i32>} : memref<528xi32, #tpu.memory_space<vmem>>, vector<16xi32>,
        %slice3A = vector.extract_strided_slice %get3A_199 {offsets = [0], sizes = [1], strides = [1]} : vector<16xi32> to vector<1xi32>
        %squeeze3A = vector.extract %slice3A[0] : i32 from vector<1xi32>
        %mul3A_200 = arith.constant 1024 : i32
        %mul3A_201 = arith.muli %while3A_197, %mul3A_200 : i32
        %add3A_202 = arith.addi %mul3A_2, %squeeze3A : i32
        %mul3A_203 = arith.constant 1024 : i32
        %mul3A_204 = arith.muli %add3A_202, %mul3A_203 : i32
        %dma_start3A_205 = tpu.memref_slice %arg12[%mul3A_201] : memref<16384xf32, #tpu.memory_space<vmem>> -> memref<1024xf32, #tpu.memory_space<vmem>>
        %dma_start3A_206 = tpu.memref_slice %arg6[%mul3A_204] : memref<16777216xf32, #tpu.memory_space<hbm>> -> memref<1024xf32, #tpu.memory_space<hbm>>
        %dma_start3A_207 = tpu.memref_slice %arg6[%mul3A_204] : memref<16777216xf32, #tpu.memory_space<hbm>> -> memref<1024xf32, #tpu.memory_space<hbm>>
        %dma_start3A_208 = tpu.memref_slice %arg12[%mul3A_201] : memref<16384xf32, #tpu.memory_space<vmem>> -> memref<1024xf32, #tpu.memory_space<vmem>>
        tpu.enqueue_dma source(%dma_start3A_208 : memref<1024xf32, #tpu.memory_space<vmem>>) target(%dma_start3A_207 : memref<1024xf32, #tpu.memory_space<hbm>>) target_semaphore(%arg17 : memref<!tpu.dma_semaphore, #tpu.memory_space<semaphore_mem>>)
      }
      %while3A_187 = arith.constant 0 : i32
      %while3A_188 = arith.constant 0 : i32
      %while3A_189 = arith.subi %min3A_156, %while3A_188 : i32
      %while3A_190 = arith.addi %while3A_188, %while3A_189 : i32
      %while3A_191 = arith.constant 1 : i32
      %while3A_192 = arith.divsi %while3A_189, %while3A_191 : i32
      %while3A_193 = arith.muli %while3A_192, %while3A_191 : i32
      %while3A_194 = arith.addi %while3A_188, %while3A_193 : i32
      %while3A_195 = arith.constant 1 : i32
      scf.for %while3A_197 = %while3A_188 to %while3A_194 step %while3A_195  : i32 {
        %dma_wait3A_198 = arith.constant 0 : i32
        %dma_wait3A_199 = tpu.memref_slice %arg12[%dma_wait3A_198] : memref<16384xf32, #tpu.memory_space<vmem>> -> memref<1024xf32, #tpu.memory_space<vmem>>
        %dma_wait3A_200 = arith.constant 0 : i32
        %dma_wait3A_201 = tpu.memref_slice %arg5[%dma_wait3A_200] : memref<16777216xf32, #tpu.memory_space<hbm>> -> memref<1024xf32, #tpu.memory_space<hbm>>
        %dma_wait3A_202 = arith.constant 0 : i32
        %dma_wait3A_203 = tpu.memref_slice %arg12[%dma_wait3A_202] : memref<16384xf32, #tpu.memory_space<vmem>> -> memref<1024xf32, #tpu.memory_space<vmem>>
        %dma_wait3A_204 = arith.constant 0 : i32
        %dma_wait3A_205 = tpu.memref_slice %arg5[%dma_wait3A_204] : memref<16777216xf32, #tpu.memory_space<hbm>> -> memref<1024xf32, #tpu.memory_space<hbm>>
        tpu.wait_dma2 semaphore(%arg17 : memref<!tpu.dma_semaphore, #tpu.memory_space<semaphore_mem>>) src(%dma_wait3A_205 : memref<1024xf32, #tpu.memory_space<hbm>>) dst(%dma_wait3A_203 : memref<1024xf32, #tpu.memory_space<vmem>>)
      }
      %while3A_196 = arith.constant 1 : i32
      scf.for %while3A_197 = %while3A_194 to %while3A_190 step %while3A_196  : i32 {
        %dma_wait3A_198 = arith.constant 0 : i32
        %dma_wait3A_199 = tpu.memref_slice %arg12[%dma_wait3A_198] : memref<16384xf32, #tpu.memory_space<vmem>> -> memref<1024xf32, #tpu.memory_space<vmem>>
        %dma_wait3A_200 = arith.constant 0 : i32
        %dma_wait3A_201 = tpu.memref_slice %arg5[%dma_wait3A_200] : memref<16777216xf32, #tpu.memory_space<hbm>> -> memref<1024xf32, #tpu.memory_space<hbm>>
        %dma_wait3A_202 = arith.constant 0 : i32
        %dma_wait3A_203 = tpu.memref_slice %arg12[%dma_wait3A_202] : memref<16384xf32, #tpu.memory_space<vmem>> -> memref<1024xf32, #tpu.memory_space<vmem>>
        %dma_wait3A_204 = arith.constant 0 : i32
        %dma_wait3A_205 = tpu.memref_slice %arg5[%dma_wait3A_204] : memref<16777216xf32, #tpu.memory_space<hbm>> -> memref<1024xf32, #tpu.memory_space<hbm>>
        tpu.wait_dma2 semaphore(%arg17 : memref<!tpu.dma_semaphore, #tpu.memory_space<semaphore_mem>>) src(%dma_wait3A_205 : memref<1024xf32, #tpu.memory_space<hbm>>) dst(%dma_wait3A_203 : memref<1024xf32, #tpu.memory_space<vmem>>)
      }
    }
    return
  }
}

#map = affine_map<(d0, d1) -> (0)>
#map1 = affine_map<(d0, d1) -> (0, 0, 0)>
#map2 = affine_map<(d0, d1) -> (0, 0)>
module attributes {stable_mosaic.version = 14 : i64} {
  func.func @sc_small_state(%arg0: i32, %arg1: i32, %arg2: memref<16384xi32, #tpu.memory_space<hbm>>, %arg3: memref<16384xi32, #tpu.memory_space<hbm>>, %arg4: memref<1x16384x2xf32, #tpu.memory_space<hbm>>, %arg5: memref<16384x8xf32, #tpu.memory_space<hbm>>, %arg6: memref<16384x2xf32, #tpu.memory_space<hbm>>, %arg7: memref<16384xf32, #tpu.memory_space<hbm>>, %arg8: memref<16384xf32, #tpu.memory_space<hbm>>, %arg9: memref<32768xf32, #tpu.memory_space<hbm>>, %arg10: memref<16384xf32, #tpu.memory_space<hbm>>, %arg11: memref<16384xi32, #tpu.memory_space<vmem>>, %arg12: memref<512xi32, #tpu.memory_space<vmem>>, %arg13: memref<528xi32, #tpu.memory_space<vmem>>, %arg14: memref<528xi32, #tpu.memory_space<vmem>>, %arg15: memref<512x2xf32, #tpu.memory_space<vmem>>, %arg16: memref<512xf32, #tpu.memory_space<vmem>>, %arg17: memref<512xf32, #tpu.memory_space<vmem>>, %arg18: memref<1024xf32, #tpu.memory_space<vmem>>, %arg19: memref<512xf32, #tpu.memory_space<vmem>>, %arg20: memref<16x8xf32, #tpu.memory_space<vmem>>, %arg21: memref<!tpu.dma_semaphore, #tpu.memory_space<semaphore_mem>>, %arg22: memref<!tpu.dma_semaphore, #tpu.memory_space<semaphore_mem>>, %arg23: memref<!tpu.dma_semaphore, #tpu.memory_space<semaphore_mem>>, %arg24: memref<!tpu.dma_semaphore, #tpu.memory_space<semaphore_mem>>, %arg25: memref<!tpu.dma_semaphore, #tpu.memory_space<semaphore_mem>>) attributes {dimension_semantics = [#tpu.dimension_semantics<core_parallel>, #tpu.dimension_semantics<subcore_parallel>], iteration_bounds = array<i64: 2, 16>, scalar_prefetch = 0 : i64, scratch_operands = 15 : i64, tpu.core_type = #tpu.core_type<sc_vector_subcore>, window_params = [{transform_indices = #map}, {transform_indices = #map}, {transform_indices = #map1}, {transform_indices = #map2}, {transform_indices = #map2}, {transform_indices = #map}, {transform_indices = #map}, {transform_indices = #map}, {transform_indices = #map}]} {
    %mul3A = arith.constant 2 : i32
    %mul3A_0 = arith.muli %arg1, %mul3A : i32
    %add3A = arith.addi %mul3A_0, %arg0 : i32
    %mul3A_1 = arith.constant 512 : i32
    %mul3A_2 = arith.muli %add3A, %mul3A_1 : i32
    tpu.enqueue_dma source(%arg2 : memref<16384xi32, #tpu.memory_space<hbm>>) target(%arg11 : memref<16384xi32, #tpu.memory_space<vmem>>) target_semaphore(%arg21 : memref<!tpu.dma_semaphore, #tpu.memory_space<semaphore_mem>>)
    %dma_start3A = tpu.memref_slice %arg3[%mul3A_2] : memref<16384xi32, #tpu.memory_space<hbm>> -> memref<512xi32, #tpu.memory_space<hbm>>
    %dma_start3A_3 = tpu.memref_slice %arg3[%mul3A_2] : memref<16384xi32, #tpu.memory_space<hbm>> -> memref<512xi32, #tpu.memory_space<hbm>>
    tpu.enqueue_dma source(%dma_start3A_3 : memref<512xi32, #tpu.memory_space<hbm>>) target(%arg12 : memref<512xi32, #tpu.memory_space<vmem>>) target_semaphore(%arg22 : memref<!tpu.dma_semaphore, #tpu.memory_space<semaphore_mem>>)
    %dma_start3A_4 = arith.constant 0 : i32
    %dma_start3A_5 = arith.constant 0 : i32
    %dma_start3A_6 = tpu.memref_slice %arg4[%dma_start3A_4, %mul3A_2, %dma_start3A_5] : memref<1x16384x2xf32, #tpu.memory_space<hbm>> -> memref<1x512x2xf32, #tpu.memory_space<hbm>>
    %dma_start3A_7 = tpu.memref_squeeze %dma_start3A_6 : memref<1x512x2xf32, #tpu.memory_space<hbm>> -> memref<512x2xf32, #tpu.memory_space<hbm>>
    %dma_start3A_8 = arith.constant 0 : i32
    %dma_start3A_9 = tpu.memref_slice %arg4[%dma_start3A_4, %mul3A_2, %dma_start3A_8] : memref<1x16384x2xf32, #tpu.memory_space<hbm>> -> memref<1x512x2xf32, #tpu.memory_space<hbm>>
    %dma_start3A_10 = tpu.memref_squeeze %dma_start3A_9 : memref<1x512x2xf32, #tpu.memory_space<hbm>> -> memref<512x2xf32, #tpu.memory_space<hbm>>
    tpu.enqueue_dma source(%dma_start3A_10 : memref<512x2xf32, #tpu.memory_space<hbm>>) target(%arg15 : memref<512x2xf32, #tpu.memory_space<vmem>>) target_semaphore(%arg23 : memref<!tpu.dma_semaphore, #tpu.memory_space<semaphore_mem>>)
    %scan3A = arith.constant 0 : i32
    %scan3A_11 = arith.constant 0 : i32
    %scan3A_12 = arith.constant 32 : i32
    %scan3A_13 = arith.addi %scan3A_11, %scan3A_12 : i32
    %scan3A_14 = arith.constant 1 : i32
    scf.for %scan3A_70 = %scan3A_11 to %scan3A_13 step %scan3A_14  : i32 {
      %broadcast_in_dim3A = arith.constant 0.000000e+00 : f32
      %broadcast_in_dim3A_71 = vector.broadcast %broadcast_in_dim3A : f32 to vector<16xf32>
      %mul3A_72 = arith.constant 16 : i32
      %mul3A_73 = arith.muli %scan3A_70, %mul3A_72 : i32
      %swap3A = arith.index_cast %mul3A_73 : i32 to index
      %swap3A_74 = tpu.vector_load %arg16[%swap3A] {strides = array<i32>} : memref<512xf32, #tpu.memory_space<vmem>>, vector<16xf32>,
      tpu.vector_store %arg16[%swap3A], %broadcast_in_dim3A_71 {strides = array<i32>} : memref<512xf32, #tpu.memory_space<vmem>>, vector<16xf32>,
      %broadcast_in_dim3A_75 = arith.constant 1.000000e+02 : f32
      %broadcast_in_dim3A_76 = vector.broadcast %broadcast_in_dim3A_75 : f32 to vector<16xf32>
      %mul3A_77 = arith.constant 16 : i32
      %mul3A_78 = arith.muli %scan3A_70, %mul3A_77 : i32
      %swap3A_79 = arith.index_cast %mul3A_78 : i32 to index
      %swap3A_80 = tpu.vector_load %arg17[%swap3A_79] {strides = array<i32>} : memref<512xf32, #tpu.memory_space<vmem>>, vector<16xf32>,
      tpu.vector_store %arg17[%swap3A_79], %broadcast_in_dim3A_76 {strides = array<i32>} : memref<512xf32, #tpu.memory_space<vmem>>, vector<16xf32>,
      %broadcast_in_dim3A_81 = arith.constant 1.000000e+01 : f32
      %broadcast_in_dim3A_82 = vector.broadcast %broadcast_in_dim3A_81 : f32 to vector<16xf32>
      %mul3A_83 = arith.constant 16 : i32
      %mul3A_84 = arith.muli %scan3A_70, %mul3A_83 : i32
      %swap3A_85 = arith.index_cast %mul3A_84 : i32 to index
      %swap3A_86 = tpu.vector_load %arg19[%swap3A_85] {strides = array<i32>} : memref<512xf32, #tpu.memory_space<vmem>>, vector<16xf32>,
      tpu.vector_store %arg19[%swap3A_85], %broadcast_in_dim3A_82 {strides = array<i32>} : memref<512xf32, #tpu.memory_space<vmem>>, vector<16xf32>,
      %broadcast_in_dim3A_87 = arith.constant 0.000000e+00 : f32
      %broadcast_in_dim3A_88 = vector.broadcast %broadcast_in_dim3A_87 : f32 to vector<16xf32>
      %mul3A_89 = arith.constant 2 : i32
      %mul3A_90 = arith.muli %mul3A_89, %scan3A_70 : i32
      %mul3A_91 = arith.constant 16 : i32
      %mul3A_92 = arith.muli %mul3A_90, %mul3A_91 : i32
      %swap3A_93 = arith.index_cast %mul3A_92 : i32 to index
      %swap3A_94 = tpu.vector_load %arg18[%swap3A_93] {strides = array<i32>} : memref<1024xf32, #tpu.memory_space<vmem>>, vector<16xf32>,
      tpu.vector_store %arg18[%swap3A_93], %broadcast_in_dim3A_88 {strides = array<i32>} : memref<1024xf32, #tpu.memory_space<vmem>>, vector<16xf32>,
      %broadcast_in_dim3A_95 = arith.constant 0.000000e+00 : f32
      %broadcast_in_dim3A_96 = vector.broadcast %broadcast_in_dim3A_95 : f32 to vector<16xf32>
      %mul3A_97 = arith.constant 2 : i32
      %mul3A_98 = arith.muli %mul3A_97, %scan3A_70 : i32
      %add3A_99 = arith.constant 1 : i32
      %add3A_100 = arith.addi %mul3A_98, %add3A_99 : i32
      %mul3A_101 = arith.constant 16 : i32
      %mul3A_102 = arith.muli %add3A_100, %mul3A_101 : i32
      %swap3A_103 = arith.index_cast %mul3A_102 : i32 to index
      %swap3A_104 = tpu.vector_load %arg18[%swap3A_103] {strides = array<i32>} : memref<1024xf32, #tpu.memory_space<vmem>>, vector<16xf32>,
      tpu.vector_store %arg18[%swap3A_103], %broadcast_in_dim3A_96 {strides = array<i32>} : memref<1024xf32, #tpu.memory_space<vmem>>, vector<16xf32>,
    }
    %scan3A_15 = arith.constant 32 : i32
    tpu.wait_dma2 semaphore(%arg21 : memref<!tpu.dma_semaphore, #tpu.memory_space<semaphore_mem>>) src(%arg2 : memref<16384xi32, #tpu.memory_space<hbm>>) dst(%arg11 : memref<16384xi32, #tpu.memory_space<vmem>>)
    %dma_wait3A = tpu.memref_slice %arg3[%mul3A_2] : memref<16384xi32, #tpu.memory_space<hbm>> -> memref<512xi32, #tpu.memory_space<hbm>>
    %dma_wait3A_16 = tpu.memref_slice %arg3[%mul3A_2] : memref<16384xi32, #tpu.memory_space<hbm>> -> memref<512xi32, #tpu.memory_space<hbm>>
    tpu.wait_dma2 semaphore(%arg22 : memref<!tpu.dma_semaphore, #tpu.memory_space<semaphore_mem>>) src(%dma_wait3A_16 : memref<512xi32, #tpu.memory_space<hbm>>) dst(%arg12 : memref<512xi32, #tpu.memory_space<vmem>>)
    %iota3A = tpu.iota {dimensions = array<i32: 0>} : vector<16xi32>
    %scan3A_17 = arith.constant 0 : i32
    %scan3A_18 = arith.constant 0 : i32
    %scan3A_19 = arith.constant 16 : i32
    %scan3A_20 = arith.addi %scan3A_18, %scan3A_19 : i32
    %scan3A_21 = arith.constant 1 : i32
    %scan3A_22 = scf.for %scan3A_70 = %scan3A_18 to %scan3A_20 step %scan3A_21 iter_args(%scan3A_71 = %scan3A_17) -> (i32)  : i32 {
      %mul3A_72 = arith.constant 2 : i32
      %mul3A_73 = arith.muli %mul3A_72, %scan3A_70 : i32
      %mul3A_74 = arith.constant 16 : i32
      %mul3A_75 = arith.muli %mul3A_73, %mul3A_74 : i32
      %get3A = arith.index_cast %mul3A_75 : i32 to index
      %get3A_76 = tpu.vector_load %arg12[%get3A] {strides = array<i32>} : memref<512xi32, #tpu.memory_space<vmem>>, vector<16xi32>,
      %mul3A_77 = arith.constant 2 : i32
      %mul3A_78 = arith.muli %mul3A_77, %scan3A_70 : i32
      %add3A_79 = arith.constant 1 : i32
      %add3A_80 = arith.addi %mul3A_78, %add3A_79 : i32
      %mul3A_81 = arith.constant 16 : i32
      %mul3A_82 = arith.muli %add3A_80, %mul3A_81 : i32
      %get3A_83 = arith.index_cast %mul3A_82 : i32 to index
      %get3A_84 = tpu.vector_load %arg12[%get3A_83] {strides = array<i32>} : memref<512xi32, #tpu.memory_space<vmem>>, vector<16xi32>,
      %broadcast_in_dim3A = arith.constant 0 : i32
      %broadcast_in_dim3A_85 = vector.broadcast %broadcast_in_dim3A : i32 to vector<16xi32>
      %broadcast_in_dim3A_86 = arith.constant 0 : i32
      %broadcast_in_dim3A_87 = vector.broadcast %broadcast_in_dim3A_86 : i32 to vector<16xi32>
      %add3A_88 = arith.constant 8191 : i32
      %add3A_89 = vector.broadcast %add3A_88 : i32 to vector<16xi32>
      %add3A_90 = arith.addi %broadcast_in_dim3A_85, %add3A_89 : vector<16xi32>
      %gather3A = tpu.vector_load_idx %arg11[%add3A_90] : memref<16384xi32, #tpu.memory_space<vmem>>[vector<16xi32>], vector<16xi32>,
      %add3A_91 = arith.constant 8191 : i32
      %add3A_92 = vector.broadcast %add3A_91 : i32 to vector<16xi32>
      %add3A_93 = arith.addi %broadcast_in_dim3A_87, %add3A_92 : vector<16xi32>
      %gather3A_94 = tpu.vector_load_idx %arg11[%add3A_93] : memref<16384xi32, #tpu.memory_space<vmem>>[vector<16xi32>], vector<16xi32>,
      %lt3A = arith.cmpi slt, %gather3A, %get3A_76 : vector<16xi32>
      %add3A_95 = arith.constant 8192 : i32
      %add3A_96 = vector.broadcast %add3A_95 : i32 to vector<16xi32>
      %add3A_97 = arith.addi %broadcast_in_dim3A_85, %add3A_96 : vector<16xi32>
      %select_n3A = arith.select %lt3A, %add3A_97, %broadcast_in_dim3A_85 : vector<16xi1>, vector<16xi32>
      %lt3A_98 = arith.cmpi slt, %gather3A_94, %get3A_84 : vector<16xi32>
      %add3A_99 = arith.constant 8192 : i32
      %add3A_100 = vector.broadcast %add3A_99 : i32 to vector<16xi32>
      %add3A_101 = arith.addi %broadcast_in_dim3A_87, %add3A_100 : vector<16xi32>
      %select_n3A_102 = arith.select %lt3A_98, %add3A_101, %broadcast_in_dim3A_87 : vector<16xi1>, vector<16xi32>
      %add3A_103 = arith.constant 4095 : i32
      %add3A_104 = vector.broadcast %add3A_103 : i32 to vector<16xi32>
      %add3A_105 = arith.addi %select_n3A, %add3A_104 : vector<16xi32>
      %gather3A_106 = tpu.vector_load_idx %arg11[%add3A_105] : memref<16384xi32, #tpu.memory_space<vmem>>[vector<16xi32>], vector<16xi32>,
      %add3A_107 = arith.constant 4095 : i32
      %add3A_108 = vector.broadcast %add3A_107 : i32 to vector<16xi32>
      %add3A_109 = arith.addi %select_n3A_102, %add3A_108 : vector<16xi32>
      %gather3A_110 = tpu.vector_load_idx %arg11[%add3A_109] : memref<16384xi32, #tpu.memory_space<vmem>>[vector<16xi32>], vector<16xi32>,
      %lt3A_111 = arith.cmpi slt, %gather3A_106, %get3A_76 : vector<16xi32>
      %add3A_112 = arith.constant 4096 : i32
      %add3A_113 = vector.broadcast %add3A_112 : i32 to vector<16xi32>
      %add3A_114 = arith.addi %select_n3A, %add3A_113 : vector<16xi32>
      %select_n3A_115 = arith.select %lt3A_111, %add3A_114, %select_n3A : vector<16xi1>, vector<16xi32>
      %lt3A_116 = arith.cmpi slt, %gather3A_110, %get3A_84 : vector<16xi32>
      %add3A_117 = arith.constant 4096 : i32
      %add3A_118 = vector.broadcast %add3A_117 : i32 to vector<16xi32>
      %add3A_119 = arith.addi %select_n3A_102, %add3A_118 : vector<16xi32>
      %select_n3A_120 = arith.select %lt3A_116, %add3A_119, %select_n3A_102 : vector<16xi1>, vector<16xi32>
      %add3A_121 = arith.constant 2047 : i32
      %add3A_122 = vector.broadcast %add3A_121 : i32 to vector<16xi32>
      %add3A_123 = arith.addi %select_n3A_115, %add3A_122 : vector<16xi32>
      %gather3A_124 = tpu.vector_load_idx %arg11[%add3A_123] : memref<16384xi32, #tpu.memory_space<vmem>>[vector<16xi32>], vector<16xi32>,
      %add3A_125 = arith.constant 2047 : i32
      %add3A_126 = vector.broadcast %add3A_125 : i32 to vector<16xi32>
      %add3A_127 = arith.addi %select_n3A_120, %add3A_126 : vector<16xi32>
      %gather3A_128 = tpu.vector_load_idx %arg11[%add3A_127] : memref<16384xi32, #tpu.memory_space<vmem>>[vector<16xi32>], vector<16xi32>,
      %lt3A_129 = arith.cmpi slt, %gather3A_124, %get3A_76 : vector<16xi32>
      %add3A_130 = arith.constant 2048 : i32
      %add3A_131 = vector.broadcast %add3A_130 : i32 to vector<16xi32>
      %add3A_132 = arith.addi %select_n3A_115, %add3A_131 : vector<16xi32>
      %select_n3A_133 = arith.select %lt3A_129, %add3A_132, %select_n3A_115 : vector<16xi1>, vector<16xi32>
      %lt3A_134 = arith.cmpi slt, %gather3A_128, %get3A_84 : vector<16xi32>
      %add3A_135 = arith.constant 2048 : i32
      %add3A_136 = vector.broadcast %add3A_135 : i32 to vector<16xi32>
      %add3A_137 = arith.addi %select_n3A_120, %add3A_136 : vector<16xi32>
      %select_n3A_138 = arith.select %lt3A_134, %add3A_137, %select_n3A_120 : vector<16xi1>, vector<16xi32>
      %add3A_139 = arith.constant 1023 : i32
      %add3A_140 = vector.broadcast %add3A_139 : i32 to vector<16xi32>
      %add3A_141 = arith.addi %select_n3A_133, %add3A_140 : vector<16xi32>
      %gather3A_142 = tpu.vector_load_idx %arg11[%add3A_141] : memref<16384xi32, #tpu.memory_space<vmem>>[vector<16xi32>], vector<16xi32>,
      %add3A_143 = arith.constant 1023 : i32
      %add3A_144 = vector.broadcast %add3A_143 : i32 to vector<16xi32>
      %add3A_145 = arith.addi %select_n3A_138, %add3A_144 : vector<16xi32>
      %gather3A_146 = tpu.vector_load_idx %arg11[%add3A_145] : memref<16384xi32, #tpu.memory_space<vmem>>[vector<16xi32>], vector<16xi32>,
      %lt3A_147 = arith.cmpi slt, %gather3A_142, %get3A_76 : vector<16xi32>
      %add3A_148 = arith.constant 1024 : i32
      %add3A_149 = vector.broadcast %add3A_148 : i32 to vector<16xi32>
      %add3A_150 = arith.addi %select_n3A_133, %add3A_149 : vector<16xi32>
      %select_n3A_151 = arith.select %lt3A_147, %add3A_150, %select_n3A_133 : vector<16xi1>, vector<16xi32>
      %lt3A_152 = arith.cmpi slt, %gather3A_146, %get3A_84 : vector<16xi32>
      %add3A_153 = arith.constant 1024 : i32
      %add3A_154 = vector.broadcast %add3A_153 : i32 to vector<16xi32>
      %add3A_155 = arith.addi %select_n3A_138, %add3A_154 : vector<16xi32>
      %select_n3A_156 = arith.select %lt3A_152, %add3A_155, %select_n3A_138 : vector<16xi1>, vector<16xi32>
      %add3A_157 = arith.constant 511 : i32
      %add3A_158 = vector.broadcast %add3A_157 : i32 to vector<16xi32>
      %add3A_159 = arith.addi %select_n3A_151, %add3A_158 : vector<16xi32>
      %gather3A_160 = tpu.vector_load_idx %arg11[%add3A_159] : memref<16384xi32, #tpu.memory_space<vmem>>[vector<16xi32>], vector<16xi32>,
      %add3A_161 = arith.constant 511 : i32
      %add3A_162 = vector.broadcast %add3A_161 : i32 to vector<16xi32>
      %add3A_163 = arith.addi %select_n3A_156, %add3A_162 : vector<16xi32>
      %gather3A_164 = tpu.vector_load_idx %arg11[%add3A_163] : memref<16384xi32, #tpu.memory_space<vmem>>[vector<16xi32>], vector<16xi32>,
      %lt3A_165 = arith.cmpi slt, %gather3A_160, %get3A_76 : vector<16xi32>
      %add3A_166 = arith.constant 512 : i32
      %add3A_167 = vector.broadcast %add3A_166 : i32 to vector<16xi32>
      %add3A_168 = arith.addi %select_n3A_151, %add3A_167 : vector<16xi32>
      %select_n3A_169 = arith.select %lt3A_165, %add3A_168, %select_n3A_151 : vector<16xi1>, vector<16xi32>
      %lt3A_170 = arith.cmpi slt, %gather3A_164, %get3A_84 : vector<16xi32>
      %add3A_171 = arith.constant 512 : i32
      %add3A_172 = vector.broadcast %add3A_171 : i32 to vector<16xi32>
      %add3A_173 = arith.addi %select_n3A_156, %add3A_172 : vector<16xi32>
      %select_n3A_174 = arith.select %lt3A_170, %add3A_173, %select_n3A_156 : vector<16xi1>, vector<16xi32>
      %add3A_175 = arith.constant 255 : i32
      %add3A_176 = vector.broadcast %add3A_175 : i32 to vector<16xi32>
      %add3A_177 = arith.addi %select_n3A_169, %add3A_176 : vector<16xi32>
      %gather3A_178 = tpu.vector_load_idx %arg11[%add3A_177] : memref<16384xi32, #tpu.memory_space<vmem>>[vector<16xi32>], vector<16xi32>,
      %add3A_179 = arith.constant 255 : i32
      %add3A_180 = vector.broadcast %add3A_179 : i32 to vector<16xi32>
      %add3A_181 = arith.addi %select_n3A_174, %add3A_180 : vector<16xi32>
      %gather3A_182 = tpu.vector_load_idx %arg11[%add3A_181] : memref<16384xi32, #tpu.memory_space<vmem>>[vector<16xi32>], vector<16xi32>,
      %lt3A_183 = arith.cmpi slt, %gather3A_178, %get3A_76 : vector<16xi32>
      %add3A_184 = arith.constant 256 : i32
      %add3A_185 = vector.broadcast %add3A_184 : i32 to vector<16xi32>
      %add3A_186 = arith.addi %select_n3A_169, %add3A_185 : vector<16xi32>
      %select_n3A_187 = arith.select %lt3A_183, %add3A_186, %select_n3A_169 : vector<16xi1>, vector<16xi32>
      %lt3A_188 = arith.cmpi slt, %gather3A_182, %get3A_84 : vector<16xi32>
      %add3A_189 = arith.constant 256 : i32
      %add3A_190 = vector.broadcast %add3A_189 : i32 to vector<16xi32>
      %add3A_191 = arith.addi %select_n3A_174, %add3A_190 : vector<16xi32>
      %select_n3A_192 = arith.select %lt3A_188, %add3A_191, %select_n3A_174 : vector<16xi1>, vector<16xi32>
      %add3A_193 = arith.constant 127 : i32
      %add3A_194 = vector.broadcast %add3A_193 : i32 to vector<16xi32>
      %add3A_195 = arith.addi %select_n3A_187, %add3A_194 : vector<16xi32>
      %gather3A_196 = tpu.vector_load_idx %arg11[%add3A_195] : memref<16384xi32, #tpu.memory_space<vmem>>[vector<16xi32>], vector<16xi32>,
      %add3A_197 = arith.constant 127 : i32
      %add3A_198 = vector.broadcast %add3A_197 : i32 to vector<16xi32>
      %add3A_199 = arith.addi %select_n3A_192, %add3A_198 : vector<16xi32>
      %gather3A_200 = tpu.vector_load_idx %arg11[%add3A_199] : memref<16384xi32, #tpu.memory_space<vmem>>[vector<16xi32>], vector<16xi32>,
      %lt3A_201 = arith.cmpi slt, %gather3A_196, %get3A_76 : vector<16xi32>
      %add3A_202 = arith.constant 128 : i32
      %add3A_203 = vector.broadcast %add3A_202 : i32 to vector<16xi32>
      %add3A_204 = arith.addi %select_n3A_187, %add3A_203 : vector<16xi32>
      %select_n3A_205 = arith.select %lt3A_201, %add3A_204, %select_n3A_187 : vector<16xi1>, vector<16xi32>
      %lt3A_206 = arith.cmpi slt, %gather3A_200, %get3A_84 : vector<16xi32>
      %add3A_207 = arith.constant 128 : i32
      %add3A_208 = vector.broadcast %add3A_207 : i32 to vector<16xi32>
      %add3A_209 = arith.addi %select_n3A_192, %add3A_208 : vector<16xi32>
      %select_n3A_210 = arith.select %lt3A_206, %add3A_209, %select_n3A_192 : vector<16xi1>, vector<16xi32>
      %add3A_211 = arith.constant 63 : i32
      %add3A_212 = vector.broadcast %add3A_211 : i32 to vector<16xi32>
      %add3A_213 = arith.addi %select_n3A_205, %add3A_212 : vector<16xi32>
      %gather3A_214 = tpu.vector_load_idx %arg11[%add3A_213] : memref<16384xi32, #tpu.memory_space<vmem>>[vector<16xi32>], vector<16xi32>,
      %add3A_215 = arith.constant 63 : i32
      %add3A_216 = vector.broadcast %add3A_215 : i32 to vector<16xi32>
      %add3A_217 = arith.addi %select_n3A_210, %add3A_216 : vector<16xi32>
      %gather3A_218 = tpu.vector_load_idx %arg11[%add3A_217] : memref<16384xi32, #tpu.memory_space<vmem>>[vector<16xi32>], vector<16xi32>,
      %lt3A_219 = arith.cmpi slt, %gather3A_214, %get3A_76 : vector<16xi32>
      %add3A_220 = arith.constant 64 : i32
      %add3A_221 = vector.broadcast %add3A_220 : i32 to vector<16xi32>
      %add3A_222 = arith.addi %select_n3A_205, %add3A_221 : vector<16xi32>
      %select_n3A_223 = arith.select %lt3A_219, %add3A_222, %select_n3A_205 : vector<16xi1>, vector<16xi32>
      %lt3A_224 = arith.cmpi slt, %gather3A_218, %get3A_84 : vector<16xi32>
      %add3A_225 = arith.constant 64 : i32
      %add3A_226 = vector.broadcast %add3A_225 : i32 to vector<16xi32>
      %add3A_227 = arith.addi %select_n3A_210, %add3A_226 : vector<16xi32>
      %select_n3A_228 = arith.select %lt3A_224, %add3A_227, %select_n3A_210 : vector<16xi1>, vector<16xi32>
      %add3A_229 = arith.constant 31 : i32
      %add3A_230 = vector.broadcast %add3A_229 : i32 to vector<16xi32>
      %add3A_231 = arith.addi %select_n3A_223, %add3A_230 : vector<16xi32>
      %gather3A_232 = tpu.vector_load_idx %arg11[%add3A_231] : memref<16384xi32, #tpu.memory_space<vmem>>[vector<16xi32>], vector<16xi32>,
      %add3A_233 = arith.constant 31 : i32
      %add3A_234 = vector.broadcast %add3A_233 : i32 to vector<16xi32>
      %add3A_235 = arith.addi %select_n3A_228, %add3A_234 : vector<16xi32>
      %gather3A_236 = tpu.vector_load_idx %arg11[%add3A_235] : memref<16384xi32, #tpu.memory_space<vmem>>[vector<16xi32>], vector<16xi32>,
      %lt3A_237 = arith.cmpi slt, %gather3A_232, %get3A_76 : vector<16xi32>
      %add3A_238 = arith.constant 32 : i32
      %add3A_239 = vector.broadcast %add3A_238 : i32 to vector<16xi32>
      %add3A_240 = arith.addi %select_n3A_223, %add3A_239 : vector<16xi32>
      %select_n3A_241 = arith.select %lt3A_237, %add3A_240, %select_n3A_223 : vector<16xi1>, vector<16xi32>
      %lt3A_242 = arith.cmpi slt, %gather3A_236, %get3A_84 : vector<16xi32>
      %add3A_243 = arith.constant 32 : i32
      %add3A_244 = vector.broadcast %add3A_243 : i32 to vector<16xi32>
      %add3A_245 = arith.addi %select_n3A_228, %add3A_244 : vector<16xi32>
      %select_n3A_246 = arith.select %lt3A_242, %add3A_245, %select_n3A_228 : vector<16xi1>, vector<16xi32>
      %add3A_247 = arith.constant 15 : i32
      %add3A_248 = vector.broadcast %add3A_247 : i32 to vector<16xi32>
      %add3A_249 = arith.addi %select_n3A_241, %add3A_248 : vector<16xi32>
      %gather3A_250 = tpu.vector_load_idx %arg11[%add3A_249] : memref<16384xi32, #tpu.memory_space<vmem>>[vector<16xi32>], vector<16xi32>,
      %add3A_251 = arith.constant 15 : i32
      %add3A_252 = vector.broadcast %add3A_251 : i32 to vector<16xi32>
      %add3A_253 = arith.addi %select_n3A_246, %add3A_252 : vector<16xi32>
      %gather3A_254 = tpu.vector_load_idx %arg11[%add3A_253] : memref<16384xi32, #tpu.memory_space<vmem>>[vector<16xi32>], vector<16xi32>,
      %lt3A_255 = arith.cmpi slt, %gather3A_250, %get3A_76 : vector<16xi32>
      %add3A_256 = arith.constant 16 : i32
      %add3A_257 = vector.broadcast %add3A_256 : i32 to vector<16xi32>
      %add3A_258 = arith.addi %select_n3A_241, %add3A_257 : vector<16xi32>
      %select_n3A_259 = arith.select %lt3A_255, %add3A_258, %select_n3A_241 : vector<16xi1>, vector<16xi32>
      %lt3A_260 = arith.cmpi slt, %gather3A_254, %get3A_84 : vector<16xi32>
      %add3A_261 = arith.constant 16 : i32
      %add3A_262 = vector.broadcast %add3A_261 : i32 to vector<16xi32>
      %add3A_263 = arith.addi %select_n3A_246, %add3A_262 : vector<16xi32>
      %select_n3A_264 = arith.select %lt3A_260, %add3A_263, %select_n3A_246 : vector<16xi1>, vector<16xi32>
      %add3A_265 = arith.constant 7 : i32
      %add3A_266 = vector.broadcast %add3A_265 : i32 to vector<16xi32>
      %add3A_267 = arith.addi %select_n3A_259, %add3A_266 : vector<16xi32>
      %gather3A_268 = tpu.vector_load_idx %arg11[%add3A_267] : memref<16384xi32, #tpu.memory_space<vmem>>[vector<16xi32>], vector<16xi32>,
      %add3A_269 = arith.constant 7 : i32
      %add3A_270 = vector.broadcast %add3A_269 : i32 to vector<16xi32>
      %add3A_271 = arith.addi %select_n3A_264, %add3A_270 : vector<16xi32>
      %gather3A_272 = tpu.vector_load_idx %arg11[%add3A_271] : memref<16384xi32, #tpu.memory_space<vmem>>[vector<16xi32>], vector<16xi32>,
      %lt3A_273 = arith.cmpi slt, %gather3A_268, %get3A_76 : vector<16xi32>
      %add3A_274 = arith.constant 8 : i32
      %add3A_275 = vector.broadcast %add3A_274 : i32 to vector<16xi32>
      %add3A_276 = arith.addi %select_n3A_259, %add3A_275 : vector<16xi32>
      %select_n3A_277 = arith.select %lt3A_273, %add3A_276, %select_n3A_259 : vector<16xi1>, vector<16xi32>
      %lt3A_278 = arith.cmpi slt, %gather3A_272, %get3A_84 : vector<16xi32>
      %add3A_279 = arith.constant 8 : i32
      %add3A_280 = vector.broadcast %add3A_279 : i32 to vector<16xi32>
      %add3A_281 = arith.addi %select_n3A_264, %add3A_280 : vector<16xi32>
      %select_n3A_282 = arith.select %lt3A_278, %add3A_281, %select_n3A_264 : vector<16xi1>, vector<16xi32>
      %add3A_283 = arith.constant 3 : i32
      %add3A_284 = vector.broadcast %add3A_283 : i32 to vector<16xi32>
      %add3A_285 = arith.addi %select_n3A_277, %add3A_284 : vector<16xi32>
      %gather3A_286 = tpu.vector_load_idx %arg11[%add3A_285] : memref<16384xi32, #tpu.memory_space<vmem>>[vector<16xi32>], vector<16xi32>,
      %add3A_287 = arith.constant 3 : i32
      %add3A_288 = vector.broadcast %add3A_287 : i32 to vector<16xi32>
      %add3A_289 = arith.addi %select_n3A_282, %add3A_288 : vector<16xi32>
      %gather3A_290 = tpu.vector_load_idx %arg11[%add3A_289] : memref<16384xi32, #tpu.memory_space<vmem>>[vector<16xi32>], vector<16xi32>,
      %lt3A_291 = arith.cmpi slt, %gather3A_286, %get3A_76 : vector<16xi32>
      %add3A_292 = arith.constant 4 : i32
      %add3A_293 = vector.broadcast %add3A_292 : i32 to vector<16xi32>
      %add3A_294 = arith.addi %select_n3A_277, %add3A_293 : vector<16xi32>
      %select_n3A_295 = arith.select %lt3A_291, %add3A_294, %select_n3A_277 : vector<16xi1>, vector<16xi32>
      %lt3A_296 = arith.cmpi slt, %gather3A_290, %get3A_84 : vector<16xi32>
      %add3A_297 = arith.constant 4 : i32
      %add3A_298 = vector.broadcast %add3A_297 : i32 to vector<16xi32>
      %add3A_299 = arith.addi %select_n3A_282, %add3A_298 : vector<16xi32>
      %select_n3A_300 = arith.select %lt3A_296, %add3A_299, %select_n3A_282 : vector<16xi1>, vector<16xi32>
      %add3A_301 = arith.constant 1 : i32
      %add3A_302 = vector.broadcast %add3A_301 : i32 to vector<16xi32>
      %add3A_303 = arith.addi %select_n3A_295, %add3A_302 : vector<16xi32>
      %gather3A_304 = tpu.vector_load_idx %arg11[%add3A_303] : memref<16384xi32, #tpu.memory_space<vmem>>[vector<16xi32>], vector<16xi32>,
      %add3A_305 = arith.constant 1 : i32
      %add3A_306 = vector.broadcast %add3A_305 : i32 to vector<16xi32>
      %add3A_307 = arith.addi %select_n3A_300, %add3A_306 : vector<16xi32>
      %gather3A_308 = tpu.vector_load_idx %arg11[%add3A_307] : memref<16384xi32, #tpu.memory_space<vmem>>[vector<16xi32>], vector<16xi32>,
      %lt3A_309 = arith.cmpi slt, %gather3A_304, %get3A_76 : vector<16xi32>
      %add3A_310 = arith.constant 2 : i32
      %add3A_311 = vector.broadcast %add3A_310 : i32 to vector<16xi32>
      %add3A_312 = arith.addi %select_n3A_295, %add3A_311 : vector<16xi32>
      %select_n3A_313 = arith.select %lt3A_309, %add3A_312, %select_n3A_295 : vector<16xi1>, vector<16xi32>
      %lt3A_314 = arith.cmpi slt, %gather3A_308, %get3A_84 : vector<16xi32>
      %add3A_315 = arith.constant 2 : i32
      %add3A_316 = vector.broadcast %add3A_315 : i32 to vector<16xi32>
      %add3A_317 = arith.addi %select_n3A_300, %add3A_316 : vector<16xi32>
      %select_n3A_318 = arith.select %lt3A_314, %add3A_317, %select_n3A_300 : vector<16xi1>, vector<16xi32>
      %add3A_319 = arith.constant 0 : i32
      %add3A_320 = vector.broadcast %add3A_319 : i32 to vector<16xi32>
      %add3A_321 = arith.addi %select_n3A_313, %add3A_320 : vector<16xi32>
      %gather3A_322 = tpu.vector_load_idx %arg11[%add3A_321] : memref<16384xi32, #tpu.memory_space<vmem>>[vector<16xi32>], vector<16xi32>,
      %add3A_323 = arith.constant 0 : i32
      %add3A_324 = vector.broadcast %add3A_323 : i32 to vector<16xi32>
      %add3A_325 = arith.addi %select_n3A_318, %add3A_324 : vector<16xi32>
      %gather3A_326 = tpu.vector_load_idx %arg11[%add3A_325] : memref<16384xi32, #tpu.memory_space<vmem>>[vector<16xi32>], vector<16xi32>,
      %lt3A_327 = arith.cmpi slt, %gather3A_322, %get3A_76 : vector<16xi32>
      %add3A_328 = arith.constant 1 : i32
      %add3A_329 = vector.broadcast %add3A_328 : i32 to vector<16xi32>
      %add3A_330 = arith.addi %select_n3A_313, %add3A_329 : vector<16xi32>
      %select_n3A_331 = arith.select %lt3A_327, %add3A_330, %select_n3A_313 : vector<16xi1>, vector<16xi32>
      %lt3A_332 = arith.cmpi slt, %gather3A_326, %get3A_84 : vector<16xi32>
      %add3A_333 = arith.constant 1 : i32
      %add3A_334 = vector.broadcast %add3A_333 : i32 to vector<16xi32>
      %add3A_335 = arith.addi %select_n3A_318, %add3A_334 : vector<16xi32>
      %select_n3A_336 = arith.select %lt3A_332, %add3A_335, %select_n3A_318 : vector<16xi1>, vector<16xi32>
      %gather3A_337 = tpu.vector_load_idx %arg11[%select_n3A_331] : memref<16384xi32, #tpu.memory_space<vmem>>[vector<16xi32>], vector<16xi32>,
      %gather3A_338 = tpu.vector_load_idx %arg11[%select_n3A_336] : memref<16384xi32, #tpu.memory_space<vmem>>[vector<16xi32>], vector<16xi32>,
      %lt3A_339 = arith.cmpi slt, %gather3A_337, %get3A_76 : vector<16xi32>
      %jit3A = arith.constant 1 : i32
      %jit3A_340 = arith.constant 0 : i32
      %broadcast_in_dim3A_341 = vector.broadcast %jit3A : i32 to vector<16xi32>
      %broadcast_in_dim3A_342 = vector.broadcast %jit3A_340 : i32 to vector<16xi32>
      %select_n3A_343 = arith.select %lt3A_339, %broadcast_in_dim3A_341, %broadcast_in_dim3A_342 : vector<16xi1>, vector<16xi32>
      %add3A_344 = arith.addi %select_n3A_331, %select_n3A_343 : vector<16xi32>
      %min3A = arith.constant 16383 : i32
      %min3A_345 = vector.broadcast %min3A : i32 to vector<16xi32>
      %min3A_346 = arith.minsi %add3A_344, %min3A_345 : vector<16xi32>
      %lt3A_347 = arith.cmpi slt, %gather3A_338, %get3A_84 : vector<16xi32>
      %jit3A_348 = arith.constant 1 : i32
      %jit3A_349 = arith.constant 0 : i32
      %broadcast_in_dim3A_350 = vector.broadcast %jit3A_348 : i32 to vector<16xi32>
      %broadcast_in_dim3A_351 = vector.broadcast %jit3A_349 : i32 to vector<16xi32>
      %select_n3A_352 = arith.select %lt3A_347, %broadcast_in_dim3A_350, %broadcast_in_dim3A_351 : vector<16xi1>, vector<16xi32>
      %add3A_353 = arith.addi %select_n3A_336, %select_n3A_352 : vector<16xi32>
      %min3A_354 = arith.constant 16383 : i32
      %min3A_355 = vector.broadcast %min3A_354 : i32 to vector<16xi32>
      %min3A_356 = arith.minsi %add3A_353, %min3A_355 : vector<16xi32>
      %gather3A_357 = tpu.vector_load_idx %arg11[%min3A_346] : memref<16384xi32, #tpu.memory_space<vmem>>[vector<16xi32>], vector<16xi32>,
      %gather3A_358 = tpu.vector_load_idx %arg11[%min3A_356] : memref<16384xi32, #tpu.memory_space<vmem>>[vector<16xi32>], vector<16xi32>,
      %eq3A = arith.cmpi eq, %gather3A_357, %get3A_76 : vector<16xi32>
      %eq3A_359 = arith.cmpi eq, %gather3A_358, %get3A_84 : vector<16xi32>
      %mul3A_360 = arith.constant 2 : i32
      %mul3A_361 = arith.muli %mul3A_360, %scan3A_70 : i32
      %mul3A_362 = arith.constant 16 : i32
      %mul3A_363 = arith.muli %mul3A_361, %mul3A_362 : i32
      %add3A_364 = vector.broadcast %mul3A_363 : i32 to vector<16xi32>
      %add3A_365 = arith.addi %add3A_364, %iota3A : vector<16xi32>
      %swap3A = arith.index_cast %scan3A_71 : i32 to index
      %swap3A_366 = tpu.vector_load %arg13[%swap3A] masked %eq3A {strides = array<i32>} : memref<528xi32, #tpu.memory_space<vmem>>, vector<16xi32>, vector<16xi1>
      tpu.vector_store %arg13[%swap3A], %add3A_365 masked %eq3A {strides = array<i32>} : memref<528xi32, #tpu.memory_space<vmem>>, vector<16xi32>, vector<16xi1>
      %swap3A_367 = arith.index_cast %scan3A_71 : i32 to index
      %swap3A_368 = tpu.vector_load %arg14[%swap3A_367] masked %eq3A {strides = array<i32>} : memref<528xi32, #tpu.memory_space<vmem>>, vector<16xi32>, vector<16xi1>
      tpu.vector_store %arg14[%swap3A_367], %min3A_346 masked %eq3A {strides = array<i32>} : memref<528xi32, #tpu.memory_space<vmem>>, vector<16xi32>, vector<16xi1>
      %all_reduce_population_count3A = tpu.all_reduce %eq3A {dim = 0 : i64, kind = #tpu.reduction_kind<sum>} : vector<16xi1> -> vector<16xi32>
      %slice3A = vector.extract_strided_slice %all_reduce_population_count3A {offsets = [0], sizes = [1], strides = [1]} : vector<16xi32> to vector<1xi32>
      %squeeze3A = vector.extract %slice3A[0] : i32 from vector<1xi32>
      %add3A_369 = arith.addi %scan3A_71, %squeeze3A : i32
      %mul3A_370 = arith.constant 2 : i32
      %mul3A_371 = arith.muli %mul3A_370, %scan3A_70 : i32
      %add3A_372 = arith.constant 1 : i32
      %add3A_373 = arith.addi %mul3A_371, %add3A_372 : i32
      %mul3A_374 = arith.constant 16 : i32
      %mul3A_375 = arith.muli %add3A_373, %mul3A_374 : i32
      %add3A_376 = vector.broadcast %mul3A_375 : i32 to vector<16xi32>
      %add3A_377 = arith.addi %add3A_376, %iota3A : vector<16xi32>
      %swap3A_378 = arith.index_cast %add3A_369 : i32 to index
      %swap3A_379 = tpu.vector_load %arg13[%swap3A_378] masked %eq3A_359 {strides = array<i32>} : memref<528xi32, #tpu.memory_space<vmem>>, vector<16xi32>, vector<16xi1>
      tpu.vector_store %arg13[%swap3A_378], %add3A_377 masked %eq3A_359 {strides = array<i32>} : memref<528xi32, #tpu.memory_space<vmem>>, vector<16xi32>, vector<16xi1>
      %swap3A_380 = arith.index_cast %add3A_369 : i32 to index
      %swap3A_381 = tpu.vector_load %arg14[%swap3A_380] masked %eq3A_359 {strides = array<i32>} : memref<528xi32, #tpu.memory_space<vmem>>, vector<16xi32>, vector<16xi1>
      tpu.vector_store %arg14[%swap3A_380], %min3A_356 masked %eq3A_359 {strides = array<i32>} : memref<528xi32, #tpu.memory_space<vmem>>, vector<16xi32>, vector<16xi1>
      %all_reduce_population_count3A_382 = tpu.all_reduce %eq3A_359 {dim = 0 : i64, kind = #tpu.reduction_kind<sum>} : vector<16xi1> -> vector<16xi32>
      %slice3A_383 = vector.extract_strided_slice %all_reduce_population_count3A_382 {offsets = [0], sizes = [1], strides = [1]} : vector<16xi32> to vector<1xi32>
      %squeeze3A_384 = vector.extract %slice3A_383[0] : i32 from vector<1xi32>
      %add3A_385 = arith.addi %add3A_369, %squeeze3A_384 : i32
      scf.yield %add3A_385 : i32
    }
    %scan3A_23 = arith.constant 16 : i32
    %dma_wait3A_24 = arith.constant 0 : i32
    %dma_wait3A_25 = arith.constant 0 : i32
    %dma_wait3A_26 = tpu.memref_slice %arg4[%dma_wait3A_24, %mul3A_2, %dma_wait3A_25] : memref<1x16384x2xf32, #tpu.memory_space<hbm>> -> memref<1x512x2xf32, #tpu.memory_space<hbm>>
    %dma_wait3A_27 = tpu.memref_squeeze %dma_wait3A_26 : memref<1x512x2xf32, #tpu.memory_space<hbm>> -> memref<512x2xf32, #tpu.memory_space<hbm>>
    %dma_wait3A_28 = arith.constant 0 : i32
    %dma_wait3A_29 = tpu.memref_slice %arg4[%dma_wait3A_24, %mul3A_2, %dma_wait3A_28] : memref<1x16384x2xf32, #tpu.memory_space<hbm>> -> memref<1x512x2xf32, #tpu.memory_space<hbm>>
    %dma_wait3A_30 = tpu.memref_squeeze %dma_wait3A_29 : memref<1x512x2xf32, #tpu.memory_space<hbm>> -> memref<512x2xf32, #tpu.memory_space<hbm>>
    tpu.wait_dma2 semaphore(%arg23 : memref<!tpu.dma_semaphore, #tpu.memory_space<semaphore_mem>>) src(%dma_wait3A_30 : memref<512x2xf32, #tpu.memory_space<hbm>>) dst(%arg15 : memref<512x2xf32, #tpu.memory_space<vmem>>)
    %add3A_31 = arith.constant 16 : i32
    %add3A_32 = arith.addi %scan3A_22, %add3A_31 : i32
    %sub3A = arith.constant 1 : i32
    %sub3A_33 = arith.subi %add3A_32, %sub3A : i32
    %div3A = arith.constant 16 : i32
    %div3A_34 = arith.divsi %sub3A_33, %div3A : i32
    %while3A = arith.constant 0 : i32
    %while3A_35 = arith.constant 0 : i32
    %while3A_36 = arith.subi %div3A_34, %while3A_35 : i32
    %while3A_37 = arith.addi %while3A_35, %while3A_36 : i32
    %while3A_38 = arith.constant 1 : i32
    %while3A_39 = arith.divsi %while3A_36, %while3A_38 : i32
    %while3A_40 = arith.muli %while3A_39, %while3A_38 : i32
    %while3A_41 = arith.addi %while3A_35, %while3A_40 : i32
    %while3A_42 = arith.constant 1 : i32
    scf.for %while3A_70 = %while3A_35 to %while3A_41 step %while3A_42  : i32 {
      %mul3A_71 = arith.constant 16 : i32
      %mul3A_72 = arith.muli %while3A_70, %mul3A_71 : i32
      %sub3A_73 = arith.subi %scan3A_22, %mul3A_72 : i32
      %min3A = arith.constant 16 : i32
      %min3A_74 = arith.minsi %sub3A_73, %min3A : i32
      %while3A_75 = arith.constant 0 : i32
      %while3A_76 = arith.constant 0 : i32
      %while3A_77 = arith.subi %min3A_74, %while3A_76 : i32
      %while3A_78 = arith.addi %while3A_76, %while3A_77 : i32
      %while3A_79 = arith.constant 1 : i32
      %while3A_80 = arith.divsi %while3A_77, %while3A_79 : i32
      %while3A_81 = arith.muli %while3A_80, %while3A_79 : i32
      %while3A_82 = arith.addi %while3A_76, %while3A_81 : i32
      %while3A_83 = arith.constant 1 : i32
      scf.for %while3A_105 = %while3A_76 to %while3A_82 step %while3A_83  : i32 {
        %add3A_106 = arith.addi %mul3A_72, %while3A_105 : i32
        %get3A = arith.index_cast %add3A_106 : i32 to index
        %get3A_107 = tpu.vector_load %arg14[%get3A] {strides = array<i32>} : memref<528xi32, #tpu.memory_space<vmem>>, vector<16xi32>,
        %slice3A = vector.extract_strided_slice %get3A_107 {offsets = [0], sizes = [1], strides = [1]} : vector<16xi32> to vector<1xi32>
        %squeeze3A = vector.extract %slice3A[0] : i32 from vector<1xi32>
        %dma_start3A_108 = arith.constant 0 : i32
        %dma_start3A_109 = tpu.memref_slice %arg20[%while3A_105, %dma_start3A_108] : memref<16x8xf32, #tpu.memory_space<vmem>> -> memref<1x8xf32, #tpu.memory_space<vmem>>
        %dma_start3A_110 = arith.constant 0 : i32
        %dma_start3A_111 = tpu.memref_slice %arg5[%squeeze3A, %dma_start3A_110] : memref<16384x8xf32, #tpu.memory_space<hbm>> -> memref<1x8xf32, #tpu.memory_space<hbm>>
        %dma_start3A_112 = arith.constant 0 : i32
        %dma_start3A_113 = tpu.memref_slice %arg20[%while3A_105, %dma_start3A_112] : memref<16x8xf32, #tpu.memory_space<vmem>> -> memref<1x8xf32, #tpu.memory_space<vmem>>
        %dma_start3A_114 = arith.constant 0 : i32
        %dma_start3A_115 = tpu.memref_slice %arg5[%squeeze3A, %dma_start3A_114] : memref<16384x8xf32, #tpu.memory_space<hbm>> -> memref<1x8xf32, #tpu.memory_space<hbm>>
        tpu.enqueue_dma source(%dma_start3A_115 : memref<1x8xf32, #tpu.memory_space<hbm>>) target(%dma_start3A_113 : memref<1x8xf32, #tpu.memory_space<vmem>>) target_semaphore(%arg25 : memref<!tpu.dma_semaphore, #tpu.memory_space<semaphore_mem>>)
      }
      %while3A_84 = arith.constant 1 : i32
      scf.for %while3A_105 = %while3A_82 to %while3A_78 step %while3A_84  : i32 {
        %add3A_106 = arith.addi %mul3A_72, %while3A_105 : i32
        %get3A = arith.index_cast %add3A_106 : i32 to index
        %get3A_107 = tpu.vector_load %arg14[%get3A] {strides = array<i32>} : memref<528xi32, #tpu.memory_space<vmem>>, vector<16xi32>,
        %slice3A = vector.extract_strided_slice %get3A_107 {offsets = [0], sizes = [1], strides = [1]} : vector<16xi32> to vector<1xi32>
        %squeeze3A = vector.extract %slice3A[0] : i32 from vector<1xi32>
        %dma_start3A_108 = arith.constant 0 : i32
        %dma_start3A_109 = tpu.memref_slice %arg20[%while3A_105, %dma_start3A_108] : memref<16x8xf32, #tpu.memory_space<vmem>> -> memref<1x8xf32, #tpu.memory_space<vmem>>
        %dma_start3A_110 = arith.constant 0 : i32
        %dma_start3A_111 = tpu.memref_slice %arg5[%squeeze3A, %dma_start3A_110] : memref<16384x8xf32, #tpu.memory_space<hbm>> -> memref<1x8xf32, #tpu.memory_space<hbm>>
        %dma_start3A_112 = arith.constant 0 : i32
        %dma_start3A_113 = tpu.memref_slice %arg20[%while3A_105, %dma_start3A_112] : memref<16x8xf32, #tpu.memory_space<vmem>> -> memref<1x8xf32, #tpu.memory_space<vmem>>
        %dma_start3A_114 = arith.constant 0 : i32
        %dma_start3A_115 = tpu.memref_slice %arg5[%squeeze3A, %dma_start3A_114] : memref<16384x8xf32, #tpu.memory_space<hbm>> -> memref<1x8xf32, #tpu.memory_space<hbm>>
        tpu.enqueue_dma source(%dma_start3A_115 : memref<1x8xf32, #tpu.memory_space<hbm>>) target(%dma_start3A_113 : memref<1x8xf32, #tpu.memory_space<vmem>>) target_semaphore(%arg25 : memref<!tpu.dma_semaphore, #tpu.memory_space<semaphore_mem>>)
      }
      %while3A_85 = arith.constant 0 : i32
      %while3A_86 = arith.constant 0 : i32
      %while3A_87 = arith.subi %min3A_74, %while3A_86 : i32
      %while3A_88 = arith.addi %while3A_86, %while3A_87 : i32
      %while3A_89 = arith.constant 1 : i32
      %while3A_90 = arith.divsi %while3A_87, %while3A_89 : i32
      %while3A_91 = arith.muli %while3A_90, %while3A_89 : i32
      %while3A_92 = arith.addi %while3A_86, %while3A_91 : i32
      %while3A_93 = arith.constant 1 : i32
      scf.for %while3A_105 = %while3A_86 to %while3A_92 step %while3A_93  : i32 {
        %dma_wait3A_106 = arith.constant 0 : i32
        %dma_wait3A_107 = arith.constant 0 : i32
        %dma_wait3A_108 = tpu.memref_slice %arg20[%dma_wait3A_106, %dma_wait3A_107] : memref<16x8xf32, #tpu.memory_space<vmem>> -> memref<1x8xf32, #tpu.memory_space<vmem>>
        %dma_wait3A_109 = arith.constant 0 : i32
        %dma_wait3A_110 = arith.constant 0 : i32
        %dma_wait3A_111 = tpu.memref_slice %arg5[%dma_wait3A_109, %dma_wait3A_110] : memref<16384x8xf32, #tpu.memory_space<hbm>> -> memref<1x8xf32, #tpu.memory_space<hbm>>
        %dma_wait3A_112 = arith.constant 0 : i32
        %dma_wait3A_113 = arith.constant 0 : i32
        %dma_wait3A_114 = tpu.memref_slice %arg20[%dma_wait3A_112, %dma_wait3A_113] : memref<16x8xf32, #tpu.memory_space<vmem>> -> memref<1x8xf32, #tpu.memory_space<vmem>>
        %dma_wait3A_115 = arith.constant 0 : i32
        %dma_wait3A_116 = arith.constant 0 : i32
        %dma_wait3A_117 = tpu.memref_slice %arg5[%dma_wait3A_115, %dma_wait3A_116] : memref<16384x8xf32, #tpu.memory_space<hbm>> -> memref<1x8xf32, #tpu.memory_space<hbm>>
        tpu.wait_dma2 semaphore(%arg25 : memref<!tpu.dma_semaphore, #tpu.memory_space<semaphore_mem>>) src(%dma_wait3A_117 : memref<1x8xf32, #tpu.memory_space<hbm>>) dst(%dma_wait3A_114 : memref<1x8xf32, #tpu.memory_space<vmem>>)
      }
      %while3A_94 = arith.constant 1 : i32
      scf.for %while3A_105 = %while3A_92 to %while3A_88 step %while3A_94  : i32 {
        %dma_wait3A_106 = arith.constant 0 : i32
        %dma_wait3A_107 = arith.constant 0 : i32
        %dma_wait3A_108 = tpu.memref_slice %arg20[%dma_wait3A_106, %dma_wait3A_107] : memref<16x8xf32, #tpu.memory_space<vmem>> -> memref<1x8xf32, #tpu.memory_space<vmem>>
        %dma_wait3A_109 = arith.constant 0 : i32
        %dma_wait3A_110 = arith.constant 0 : i32
        %dma_wait3A_111 = tpu.memref_slice %arg5[%dma_wait3A_109, %dma_wait3A_110] : memref<16384x8xf32, #tpu.memory_space<hbm>> -> memref<1x8xf32, #tpu.memory_space<hbm>>
        %dma_wait3A_112 = arith.constant 0 : i32
        %dma_wait3A_113 = arith.constant 0 : i32
        %dma_wait3A_114 = tpu.memref_slice %arg20[%dma_wait3A_112, %dma_wait3A_113] : memref<16x8xf32, #tpu.memory_space<vmem>> -> memref<1x8xf32, #tpu.memory_space<vmem>>
        %dma_wait3A_115 = arith.constant 0 : i32
        %dma_wait3A_116 = arith.constant 0 : i32
        %dma_wait3A_117 = tpu.memref_slice %arg5[%dma_wait3A_115, %dma_wait3A_116] : memref<16384x8xf32, #tpu.memory_space<hbm>> -> memref<1x8xf32, #tpu.memory_space<hbm>>
        tpu.wait_dma2 semaphore(%arg25 : memref<!tpu.dma_semaphore, #tpu.memory_space<semaphore_mem>>) src(%dma_wait3A_117 : memref<1x8xf32, #tpu.memory_space<hbm>>) dst(%dma_wait3A_114 : memref<1x8xf32, #tpu.memory_space<vmem>>)
      }
      %while3A_95 = arith.constant 0 : i32
      %while3A_96 = arith.constant 0 : i32
      %while3A_97 = arith.subi %min3A_74, %while3A_96 : i32
      %while3A_98 = arith.addi %while3A_96, %while3A_97 : i32
      %while3A_99 = arith.constant 1 : i32
      %while3A_100 = arith.divsi %while3A_97, %while3A_99 : i32
      %while3A_101 = arith.muli %while3A_100, %while3A_99 : i32
      %while3A_102 = arith.addi %while3A_96, %while3A_101 : i32
      %while3A_103 = arith.constant 1 : i32
      scf.for %while3A_105 = %while3A_96 to %while3A_102 step %while3A_103  : i32 {
        %add3A_106 = arith.addi %mul3A_72, %while3A_105 : i32
        %get3A = arith.index_cast %add3A_106 : i32 to index
        %get3A_107 = tpu.vector_load %arg13[%get3A] {strides = array<i32>} : memref<528xi32, #tpu.memory_space<vmem>>, vector<16xi32>,
        %slice3A = vector.extract_strided_slice %get3A_107 {offsets = [0], sizes = [1], strides = [1]} : vector<16xi32> to vector<1xi32>
        %squeeze3A = vector.extract %slice3A[0] : i32 from vector<1xi32>
        %broadcast_in_dim3A = arith.constant 1 : i32
        %broadcast_in_dim3A_108 = vector.broadcast %broadcast_in_dim3A : i32 to vector<16xi32>
        %mul3A_109 = vector.broadcast %while3A_105 : i32 to vector<16xi32>
        %mul3A_110 = arith.muli %broadcast_in_dim3A_108, %mul3A_109 : vector<16xi32>
        %min3A_111 = arith.constant 7 : i32
        %min3A_112 = vector.broadcast %min3A_111 : i32 to vector<16xi32>
        %min3A_113 = arith.minsi %iota3A, %min3A_112 : vector<16xi32>
        %gather3A = tpu.vector_load_idx %arg20[%mul3A_110, %min3A_113] : memref<16x8xf32, #tpu.memory_space<vmem>>[vector<16xi32>, vector<16xi32>], vector<16xf32>,
        %broadcast_in_dim3A_114 = arith.constant 1 : i32
        %broadcast_in_dim3A_115 = vector.broadcast %broadcast_in_dim3A_114 : i32 to vector<16xi32>
        %mul3A_116 = vector.broadcast %squeeze3A : i32 to vector<16xi32>
        %mul3A_117 = arith.muli %broadcast_in_dim3A_115, %mul3A_116 : vector<16xi32>
        %min3A_118 = arith.constant 1 : i32
        %min3A_119 = vector.broadcast %min3A_118 : i32 to vector<16xi32>
        %min3A_120 = arith.minsi %iota3A, %min3A_119 : vector<16xi32>
        %lt3A = arith.constant 2 : i32
        %lt3A_121 = vector.broadcast %lt3A : i32 to vector<16xi32>
        %lt3A_122 = arith.cmpi slt, %iota3A, %lt3A_121 : vector<16xi32>
        tpu.vector_store_idx %arg15[%mul3A_117, %min3A_120], %gather3A masked %lt3A_122 : memref<512x2xf32, #tpu.memory_space<vmem>>[vector<16xi32>, vector<16xi32>], vector<16xf32>, vector<16xi1>
        %eq3A = arith.constant 2 : i32
        %eq3A_123 = vector.broadcast %eq3A : i32 to vector<16xi32>
        %eq3A_124 = arith.cmpi eq, %iota3A, %eq3A_123 : vector<16xi32>
        tpu.vector_store_idx %arg16[%mul3A_117], %gather3A masked %eq3A_124 : memref<512xf32, #tpu.memory_space<vmem>>[vector<16xi32>], vector<16xf32>, vector<16xi1>
        %eq3A_125 = arith.constant 3 : i32
        %eq3A_126 = vector.broadcast %eq3A_125 : i32 to vector<16xi32>
        %eq3A_127 = arith.cmpi eq, %iota3A, %eq3A_126 : vector<16xi32>
        tpu.vector_store_idx %arg17[%mul3A_117], %gather3A masked %eq3A_127 : memref<512xf32, #tpu.memory_space<vmem>>[vector<16xi32>], vector<16xf32>, vector<16xi1>
        %mul3A_128 = arith.constant 2 : i32
        %mul3A_129 = arith.muli %mul3A_128, %squeeze3A : i32
        %sub3A_130 = arith.constant 4 : i32
        %sub3A_131 = vector.broadcast %sub3A_130 : i32 to vector<16xi32>
        %sub3A_132 = arith.subi %iota3A, %sub3A_131 : vector<16xi32>
        %jit3A = arith.constant 0 : i32
        %jit3A_133 = arith.constant 1 : i32
        %max3A = vector.broadcast %jit3A : i32 to vector<16xi32>
        %max3A_134 = arith.maxsi %max3A, %sub3A_132 : vector<16xi32>
        %min3A_135 = vector.broadcast %jit3A_133 : i32 to vector<16xi32>
        %min3A_136 = arith.minsi %min3A_135, %max3A_134 : vector<16xi32>
        %add3A_137 = vector.broadcast %mul3A_129 : i32 to vector<16xi32>
        %add3A_138 = arith.addi %add3A_137, %min3A_136 : vector<16xi32>
        %ge3A = arith.constant 4 : i32
        %ge3A_139 = vector.broadcast %ge3A : i32 to vector<16xi32>
        %ge3A_140 = arith.cmpi sge, %iota3A, %ge3A_139 : vector<16xi32>
        %lt3A_141 = arith.constant 6 : i32
        %lt3A_142 = vector.broadcast %lt3A_141 : i32 to vector<16xi32>
        %lt3A_143 = arith.cmpi slt, %iota3A, %lt3A_142 : vector<16xi32>
        %and3A = arith.andi %ge3A_140, %lt3A_143 : vector<16xi1>
        tpu.vector_store_idx %arg18[%add3A_138], %gather3A masked %and3A : memref<1024xf32, #tpu.memory_space<vmem>>[vector<16xi32>], vector<16xf32>, vector<16xi1>
        %eq3A_144 = arith.constant 6 : i32
        %eq3A_145 = vector.broadcast %eq3A_144 : i32 to vector<16xi32>
        %eq3A_146 = arith.cmpi eq, %iota3A, %eq3A_145 : vector<16xi32>
        tpu.vector_store_idx %arg19[%mul3A_117], %gather3A masked %eq3A_146 : memref<512xf32, #tpu.memory_space<vmem>>[vector<16xi32>], vector<16xf32>, vector<16xi1>
      }
      %while3A_104 = arith.constant 1 : i32
      scf.for %while3A_105 = %while3A_102 to %while3A_98 step %while3A_104  : i32 {
        %add3A_106 = arith.addi %mul3A_72, %while3A_105 : i32
        %get3A = arith.index_cast %add3A_106 : i32 to index
        %get3A_107 = tpu.vector_load %arg13[%get3A] {strides = array<i32>} : memref<528xi32, #tpu.memory_space<vmem>>, vector<16xi32>,
        %slice3A = vector.extract_strided_slice %get3A_107 {offsets = [0], sizes = [1], strides = [1]} : vector<16xi32> to vector<1xi32>
        %squeeze3A = vector.extract %slice3A[0] : i32 from vector<1xi32>
        %broadcast_in_dim3A = arith.constant 1 : i32
        %broadcast_in_dim3A_108 = vector.broadcast %broadcast_in_dim3A : i32 to vector<16xi32>
        %mul3A_109 = vector.broadcast %while3A_105 : i32 to vector<16xi32>
        %mul3A_110 = arith.muli %broadcast_in_dim3A_108, %mul3A_109 : vector<16xi32>
        %min3A_111 = arith.constant 7 : i32
        %min3A_112 = vector.broadcast %min3A_111 : i32 to vector<16xi32>
        %min3A_113 = arith.minsi %iota3A, %min3A_112 : vector<16xi32>
        %gather3A = tpu.vector_load_idx %arg20[%mul3A_110, %min3A_113] : memref<16x8xf32, #tpu.memory_space<vmem>>[vector<16xi32>, vector<16xi32>], vector<16xf32>,
        %broadcast_in_dim3A_114 = arith.constant 1 : i32
        %broadcast_in_dim3A_115 = vector.broadcast %broadcast_in_dim3A_114 : i32 to vector<16xi32>
        %mul3A_116 = vector.broadcast %squeeze3A : i32 to vector<16xi32>
        %mul3A_117 = arith.muli %broadcast_in_dim3A_115, %mul3A_116 : vector<16xi32>
        %min3A_118 = arith.constant 1 : i32
        %min3A_119 = vector.broadcast %min3A_118 : i32 to vector<16xi32>
        %min3A_120 = arith.minsi %iota3A, %min3A_119 : vector<16xi32>
        %lt3A = arith.constant 2 : i32
        %lt3A_121 = vector.broadcast %lt3A : i32 to vector<16xi32>
        %lt3A_122 = arith.cmpi slt, %iota3A, %lt3A_121 : vector<16xi32>
        tpu.vector_store_idx %arg15[%mul3A_117, %min3A_120], %gather3A masked %lt3A_122 : memref<512x2xf32, #tpu.memory_space<vmem>>[vector<16xi32>, vector<16xi32>], vector<16xf32>, vector<16xi1>
        %eq3A = arith.constant 2 : i32
        %eq3A_123 = vector.broadcast %eq3A : i32 to vector<16xi32>
        %eq3A_124 = arith.cmpi eq, %iota3A, %eq3A_123 : vector<16xi32>
        tpu.vector_store_idx %arg16[%mul3A_117], %gather3A masked %eq3A_124 : memref<512xf32, #tpu.memory_space<vmem>>[vector<16xi32>], vector<16xf32>, vector<16xi1>
        %eq3A_125 = arith.constant 3 : i32
        %eq3A_126 = vector.broadcast %eq3A_125 : i32 to vector<16xi32>
        %eq3A_127 = arith.cmpi eq, %iota3A, %eq3A_126 : vector<16xi32>
        tpu.vector_store_idx %arg17[%mul3A_117], %gather3A masked %eq3A_127 : memref<512xf32, #tpu.memory_space<vmem>>[vector<16xi32>], vector<16xf32>, vector<16xi1>
        %mul3A_128 = arith.constant 2 : i32
        %mul3A_129 = arith.muli %mul3A_128, %squeeze3A : i32
        %sub3A_130 = arith.constant 4 : i32
        %sub3A_131 = vector.broadcast %sub3A_130 : i32 to vector<16xi32>
        %sub3A_132 = arith.subi %iota3A, %sub3A_131 : vector<16xi32>
        %jit3A = arith.constant 0 : i32
        %jit3A_133 = arith.constant 1 : i32
        %max3A = vector.broadcast %jit3A : i32 to vector<16xi32>
        %max3A_134 = arith.maxsi %max3A, %sub3A_132 : vector<16xi32>
        %min3A_135 = vector.broadcast %jit3A_133 : i32 to vector<16xi32>
        %min3A_136 = arith.minsi %min3A_135, %max3A_134 : vector<16xi32>
        %add3A_137 = vector.broadcast %mul3A_129 : i32 to vector<16xi32>
        %add3A_138 = arith.addi %add3A_137, %min3A_136 : vector<16xi32>
        %ge3A = arith.constant 4 : i32
        %ge3A_139 = vector.broadcast %ge3A : i32 to vector<16xi32>
        %ge3A_140 = arith.cmpi sge, %iota3A, %ge3A_139 : vector<16xi32>
        %lt3A_141 = arith.constant 6 : i32
        %lt3A_142 = vector.broadcast %lt3A_141 : i32 to vector<16xi32>
        %lt3A_143 = arith.cmpi slt, %iota3A, %lt3A_142 : vector<16xi32>
        %and3A = arith.andi %ge3A_140, %lt3A_143 : vector<16xi1>
        tpu.vector_store_idx %arg18[%add3A_138], %gather3A masked %and3A : memref<1024xf32, #tpu.memory_space<vmem>>[vector<16xi32>], vector<16xf32>, vector<16xi1>
        %eq3A_144 = arith.constant 6 : i32
        %eq3A_145 = vector.broadcast %eq3A_144 : i32 to vector<16xi32>
        %eq3A_146 = arith.cmpi eq, %iota3A, %eq3A_145 : vector<16xi32>
        tpu.vector_store_idx %arg19[%mul3A_117], %gather3A masked %eq3A_146 : memref<512xf32, #tpu.memory_space<vmem>>[vector<16xi32>], vector<16xf32>, vector<16xi1>
      }
    }
    %while3A_43 = arith.constant 1 : i32
    scf.for %while3A_70 = %while3A_41 to %while3A_37 step %while3A_43  : i32 {
      %mul3A_71 = arith.constant 16 : i32
      %mul3A_72 = arith.muli %while3A_70, %mul3A_71 : i32
      %sub3A_73 = arith.subi %scan3A_22, %mul3A_72 : i32
      %min3A = arith.constant 16 : i32
      %min3A_74 = arith.minsi %sub3A_73, %min3A : i32
      %while3A_75 = arith.constant 0 : i32
      %while3A_76 = arith.constant 0 : i32
      %while3A_77 = arith.subi %min3A_74, %while3A_76 : i32
      %while3A_78 = arith.addi %while3A_76, %while3A_77 : i32
      %while3A_79 = arith.constant 1 : i32
      %while3A_80 = arith.divsi %while3A_77, %while3A_79 : i32
      %while3A_81 = arith.muli %while3A_80, %while3A_79 : i32
      %while3A_82 = arith.addi %while3A_76, %while3A_81 : i32
      %while3A_83 = arith.constant 1 : i32
      scf.for %while3A_105 = %while3A_76 to %while3A_82 step %while3A_83  : i32 {
        %add3A_106 = arith.addi %mul3A_72, %while3A_105 : i32
        %get3A = arith.index_cast %add3A_106 : i32 to index
        %get3A_107 = tpu.vector_load %arg14[%get3A] {strides = array<i32>} : memref<528xi32, #tpu.memory_space<vmem>>, vector<16xi32>,
        %slice3A = vector.extract_strided_slice %get3A_107 {offsets = [0], sizes = [1], strides = [1]} : vector<16xi32> to vector<1xi32>
        %squeeze3A = vector.extract %slice3A[0] : i32 from vector<1xi32>
        %dma_start3A_108 = arith.constant 0 : i32
        %dma_start3A_109 = tpu.memref_slice %arg20[%while3A_105, %dma_start3A_108] : memref<16x8xf32, #tpu.memory_space<vmem>> -> memref<1x8xf32, #tpu.memory_space<vmem>>
        %dma_start3A_110 = arith.constant 0 : i32
        %dma_start3A_111 = tpu.memref_slice %arg5[%squeeze3A, %dma_start3A_110] : memref<16384x8xf32, #tpu.memory_space<hbm>> -> memref<1x8xf32, #tpu.memory_space<hbm>>
        %dma_start3A_112 = arith.constant 0 : i32
        %dma_start3A_113 = tpu.memref_slice %arg20[%while3A_105, %dma_start3A_112] : memref<16x8xf32, #tpu.memory_space<vmem>> -> memref<1x8xf32, #tpu.memory_space<vmem>>
        %dma_start3A_114 = arith.constant 0 : i32
        %dma_start3A_115 = tpu.memref_slice %arg5[%squeeze3A, %dma_start3A_114] : memref<16384x8xf32, #tpu.memory_space<hbm>> -> memref<1x8xf32, #tpu.memory_space<hbm>>
        tpu.enqueue_dma source(%dma_start3A_115 : memref<1x8xf32, #tpu.memory_space<hbm>>) target(%dma_start3A_113 : memref<1x8xf32, #tpu.memory_space<vmem>>) target_semaphore(%arg25 : memref<!tpu.dma_semaphore, #tpu.memory_space<semaphore_mem>>)
      }
      %while3A_84 = arith.constant 1 : i32
      scf.for %while3A_105 = %while3A_82 to %while3A_78 step %while3A_84  : i32 {
        %add3A_106 = arith.addi %mul3A_72, %while3A_105 : i32
        %get3A = arith.index_cast %add3A_106 : i32 to index
        %get3A_107 = tpu.vector_load %arg14[%get3A] {strides = array<i32>} : memref<528xi32, #tpu.memory_space<vmem>>, vector<16xi32>,
        %slice3A = vector.extract_strided_slice %get3A_107 {offsets = [0], sizes = [1], strides = [1]} : vector<16xi32> to vector<1xi32>
        %squeeze3A = vector.extract %slice3A[0] : i32 from vector<1xi32>
        %dma_start3A_108 = arith.constant 0 : i32
        %dma_start3A_109 = tpu.memref_slice %arg20[%while3A_105, %dma_start3A_108] : memref<16x8xf32, #tpu.memory_space<vmem>> -> memref<1x8xf32, #tpu.memory_space<vmem>>
        %dma_start3A_110 = arith.constant 0 : i32
        %dma_start3A_111 = tpu.memref_slice %arg5[%squeeze3A, %dma_start3A_110] : memref<16384x8xf32, #tpu.memory_space<hbm>> -> memref<1x8xf32, #tpu.memory_space<hbm>>
        %dma_start3A_112 = arith.constant 0 : i32
        %dma_start3A_113 = tpu.memref_slice %arg20[%while3A_105, %dma_start3A_112] : memref<16x8xf32, #tpu.memory_space<vmem>> -> memref<1x8xf32, #tpu.memory_space<vmem>>
        %dma_start3A_114 = arith.constant 0 : i32
        %dma_start3A_115 = tpu.memref_slice %arg5[%squeeze3A, %dma_start3A_114] : memref<16384x8xf32, #tpu.memory_space<hbm>> -> memref<1x8xf32, #tpu.memory_space<hbm>>
        tpu.enqueue_dma source(%dma_start3A_115 : memref<1x8xf32, #tpu.memory_space<hbm>>) target(%dma_start3A_113 : memref<1x8xf32, #tpu.memory_space<vmem>>) target_semaphore(%arg25 : memref<!tpu.dma_semaphore, #tpu.memory_space<semaphore_mem>>)
      }
      %while3A_85 = arith.constant 0 : i32
      %while3A_86 = arith.constant 0 : i32
      %while3A_87 = arith.subi %min3A_74, %while3A_86 : i32
      %while3A_88 = arith.addi %while3A_86, %while3A_87 : i32
      %while3A_89 = arith.constant 1 : i32
      %while3A_90 = arith.divsi %while3A_87, %while3A_89 : i32
      %while3A_91 = arith.muli %while3A_90, %while3A_89 : i32
      %while3A_92 = arith.addi %while3A_86, %while3A_91 : i32
      %while3A_93 = arith.constant 1 : i32
      scf.for %while3A_105 = %while3A_86 to %while3A_92 step %while3A_93  : i32 {
        %dma_wait3A_106 = arith.constant 0 : i32
        %dma_wait3A_107 = arith.constant 0 : i32
        %dma_wait3A_108 = tpu.memref_slice %arg20[%dma_wait3A_106, %dma_wait3A_107] : memref<16x8xf32, #tpu.memory_space<vmem>> -> memref<1x8xf32, #tpu.memory_space<vmem>>
        %dma_wait3A_109 = arith.constant 0 : i32
        %dma_wait3A_110 = arith.constant 0 : i32
        %dma_wait3A_111 = tpu.memref_slice %arg5[%dma_wait3A_109, %dma_wait3A_110] : memref<16384x8xf32, #tpu.memory_space<hbm>> -> memref<1x8xf32, #tpu.memory_space<hbm>>
        %dma_wait3A_112 = arith.constant 0 : i32
        %dma_wait3A_113 = arith.constant 0 : i32
        %dma_wait3A_114 = tpu.memref_slice %arg20[%dma_wait3A_112, %dma_wait3A_113] : memref<16x8xf32, #tpu.memory_space<vmem>> -> memref<1x8xf32, #tpu.memory_space<vmem>>
        %dma_wait3A_115 = arith.constant 0 : i32
        %dma_wait3A_116 = arith.constant 0 : i32
        %dma_wait3A_117 = tpu.memref_slice %arg5[%dma_wait3A_115, %dma_wait3A_116] : memref<16384x8xf32, #tpu.memory_space<hbm>> -> memref<1x8xf32, #tpu.memory_space<hbm>>
        tpu.wait_dma2 semaphore(%arg25 : memref<!tpu.dma_semaphore, #tpu.memory_space<semaphore_mem>>) src(%dma_wait3A_117 : memref<1x8xf32, #tpu.memory_space<hbm>>) dst(%dma_wait3A_114 : memref<1x8xf32, #tpu.memory_space<vmem>>)
      }
      %while3A_94 = arith.constant 1 : i32
      scf.for %while3A_105 = %while3A_92 to %while3A_88 step %while3A_94  : i32 {
        %dma_wait3A_106 = arith.constant 0 : i32
        %dma_wait3A_107 = arith.constant 0 : i32
        %dma_wait3A_108 = tpu.memref_slice %arg20[%dma_wait3A_106, %dma_wait3A_107] : memref<16x8xf32, #tpu.memory_space<vmem>> -> memref<1x8xf32, #tpu.memory_space<vmem>>
        %dma_wait3A_109 = arith.constant 0 : i32
        %dma_wait3A_110 = arith.constant 0 : i32
        %dma_wait3A_111 = tpu.memref_slice %arg5[%dma_wait3A_109, %dma_wait3A_110] : memref<16384x8xf32, #tpu.memory_space<hbm>> -> memref<1x8xf32, #tpu.memory_space<hbm>>
        %dma_wait3A_112 = arith.constant 0 : i32
        %dma_wait3A_113 = arith.constant 0 : i32
        %dma_wait3A_114 = tpu.memref_slice %arg20[%dma_wait3A_112, %dma_wait3A_113] : memref<16x8xf32, #tpu.memory_space<vmem>> -> memref<1x8xf32, #tpu.memory_space<vmem>>
        %dma_wait3A_115 = arith.constant 0 : i32
        %dma_wait3A_116 = arith.constant 0 : i32
        %dma_wait3A_117 = tpu.memref_slice %arg5[%dma_wait3A_115, %dma_wait3A_116] : memref<16384x8xf32, #tpu.memory_space<hbm>> -> memref<1x8xf32, #tpu.memory_space<hbm>>
        tpu.wait_dma2 semaphore(%arg25 : memref<!tpu.dma_semaphore, #tpu.memory_space<semaphore_mem>>) src(%dma_wait3A_117 : memref<1x8xf32, #tpu.memory_space<hbm>>) dst(%dma_wait3A_114 : memref<1x8xf32, #tpu.memory_space<vmem>>)
      }
      %while3A_95 = arith.constant 0 : i32
      %while3A_96 = arith.constant 0 : i32
      %while3A_97 = arith.subi %min3A_74, %while3A_96 : i32
      %while3A_98 = arith.addi %while3A_96, %while3A_97 : i32
      %while3A_99 = arith.constant 1 : i32
      %while3A_100 = arith.divsi %while3A_97, %while3A_99 : i32
      %while3A_101 = arith.muli %while3A_100, %while3A_99 : i32
      %while3A_102 = arith.addi %while3A_96, %while3A_101 : i32
      %while3A_103 = arith.constant 1 : i32
      scf.for %while3A_105 = %while3A_96 to %while3A_102 step %while3A_103  : i32 {
        %add3A_106 = arith.addi %mul3A_72, %while3A_105 : i32
        %get3A = arith.index_cast %add3A_106 : i32 to index
        %get3A_107 = tpu.vector_load %arg13[%get3A] {strides = array<i32>} : memref<528xi32, #tpu.memory_space<vmem>>, vector<16xi32>,
        %slice3A = vector.extract_strided_slice %get3A_107 {offsets = [0], sizes = [1], strides = [1]} : vector<16xi32> to vector<1xi32>
        %squeeze3A = vector.extract %slice3A[0] : i32 from vector<1xi32>
        %broadcast_in_dim3A = arith.constant 1 : i32
        %broadcast_in_dim3A_108 = vector.broadcast %broadcast_in_dim3A : i32 to vector<16xi32>
        %mul3A_109 = vector.broadcast %while3A_105 : i32 to vector<16xi32>
        %mul3A_110 = arith.muli %broadcast_in_dim3A_108, %mul3A_109 : vector<16xi32>
        %min3A_111 = arith.constant 7 : i32
        %min3A_112 = vector.broadcast %min3A_111 : i32 to vector<16xi32>
        %min3A_113 = arith.minsi %iota3A, %min3A_112 : vector<16xi32>
        %gather3A = tpu.vector_load_idx %arg20[%mul3A_110, %min3A_113] : memref<16x8xf32, #tpu.memory_space<vmem>>[vector<16xi32>, vector<16xi32>], vector<16xf32>,
        %broadcast_in_dim3A_114 = arith.constant 1 : i32
        %broadcast_in_dim3A_115 = vector.broadcast %broadcast_in_dim3A_114 : i32 to vector<16xi32>
        %mul3A_116 = vector.broadcast %squeeze3A : i32 to vector<16xi32>
        %mul3A_117 = arith.muli %broadcast_in_dim3A_115, %mul3A_116 : vector<16xi32>
        %min3A_118 = arith.constant 1 : i32
        %min3A_119 = vector.broadcast %min3A_118 : i32 to vector<16xi32>
        %min3A_120 = arith.minsi %iota3A, %min3A_119 : vector<16xi32>
        %lt3A = arith.constant 2 : i32
        %lt3A_121 = vector.broadcast %lt3A : i32 to vector<16xi32>
        %lt3A_122 = arith.cmpi slt, %iota3A, %lt3A_121 : vector<16xi32>
        tpu.vector_store_idx %arg15[%mul3A_117, %min3A_120], %gather3A masked %lt3A_122 : memref<512x2xf32, #tpu.memory_space<vmem>>[vector<16xi32>, vector<16xi32>], vector<16xf32>, vector<16xi1>
        %eq3A = arith.constant 2 : i32
        %eq3A_123 = vector.broadcast %eq3A : i32 to vector<16xi32>
        %eq3A_124 = arith.cmpi eq, %iota3A, %eq3A_123 : vector<16xi32>
        tpu.vector_store_idx %arg16[%mul3A_117], %gather3A masked %eq3A_124 : memref<512xf32, #tpu.memory_space<vmem>>[vector<16xi32>], vector<16xf32>, vector<16xi1>
        %eq3A_125 = arith.constant 3 : i32
        %eq3A_126 = vector.broadcast %eq3A_125 : i32 to vector<16xi32>
        %eq3A_127 = arith.cmpi eq, %iota3A, %eq3A_126 : vector<16xi32>
        tpu.vector_store_idx %arg17[%mul3A_117], %gather3A masked %eq3A_127 : memref<512xf32, #tpu.memory_space<vmem>>[vector<16xi32>], vector<16xf32>, vector<16xi1>
        %mul3A_128 = arith.constant 2 : i32
        %mul3A_129 = arith.muli %mul3A_128, %squeeze3A : i32
        %sub3A_130 = arith.constant 4 : i32
        %sub3A_131 = vector.broadcast %sub3A_130 : i32 to vector<16xi32>
        %sub3A_132 = arith.subi %iota3A, %sub3A_131 : vector<16xi32>
        %jit3A = arith.constant 0 : i32
        %jit3A_133 = arith.constant 1 : i32
        %max3A = vector.broadcast %jit3A : i32 to vector<16xi32>
        %max3A_134 = arith.maxsi %max3A, %sub3A_132 : vector<16xi32>
        %min3A_135 = vector.broadcast %jit3A_133 : i32 to vector<16xi32>
        %min3A_136 = arith.minsi %min3A_135, %max3A_134 : vector<16xi32>
        %add3A_137 = vector.broadcast %mul3A_129 : i32 to vector<16xi32>
        %add3A_138 = arith.addi %add3A_137, %min3A_136 : vector<16xi32>
        %ge3A = arith.constant 4 : i32
        %ge3A_139 = vector.broadcast %ge3A : i32 to vector<16xi32>
        %ge3A_140 = arith.cmpi sge, %iota3A, %ge3A_139 : vector<16xi32>
        %lt3A_141 = arith.constant 6 : i32
        %lt3A_142 = vector.broadcast %lt3A_141 : i32 to vector<16xi32>
        %lt3A_143 = arith.cmpi slt, %iota3A, %lt3A_142 : vector<16xi32>
        %and3A = arith.andi %ge3A_140, %lt3A_143 : vector<16xi1>
        tpu.vector_store_idx %arg18[%add3A_138], %gather3A masked %and3A : memref<1024xf32, #tpu.memory_space<vmem>>[vector<16xi32>], vector<16xf32>, vector<16xi1>
        %eq3A_144 = arith.constant 6 : i32
        %eq3A_145 = vector.broadcast %eq3A_144 : i32 to vector<16xi32>
        %eq3A_146 = arith.cmpi eq, %iota3A, %eq3A_145 : vector<16xi32>
        tpu.vector_store_idx %arg19[%mul3A_117], %gather3A masked %eq3A_146 : memref<512xf32, #tpu.memory_space<vmem>>[vector<16xi32>], vector<16xf32>, vector<16xi1>
      }
      %while3A_104 = arith.constant 1 : i32
      scf.for %while3A_105 = %while3A_102 to %while3A_98 step %while3A_104  : i32 {
        %add3A_106 = arith.addi %mul3A_72, %while3A_105 : i32
        %get3A = arith.index_cast %add3A_106 : i32 to index
        %get3A_107 = tpu.vector_load %arg13[%get3A] {strides = array<i32>} : memref<528xi32, #tpu.memory_space<vmem>>, vector<16xi32>,
        %slice3A = vector.extract_strided_slice %get3A_107 {offsets = [0], sizes = [1], strides = [1]} : vector<16xi32> to vector<1xi32>
        %squeeze3A = vector.extract %slice3A[0] : i32 from vector<1xi32>
        %broadcast_in_dim3A = arith.constant 1 : i32
        %broadcast_in_dim3A_108 = vector.broadcast %broadcast_in_dim3A : i32 to vector<16xi32>
        %mul3A_109 = vector.broadcast %while3A_105 : i32 to vector<16xi32>
        %mul3A_110 = arith.muli %broadcast_in_dim3A_108, %mul3A_109 : vector<16xi32>
        %min3A_111 = arith.constant 7 : i32
        %min3A_112 = vector.broadcast %min3A_111 : i32 to vector<16xi32>
        %min3A_113 = arith.minsi %iota3A, %min3A_112 : vector<16xi32>
        %gather3A = tpu.vector_load_idx %arg20[%mul3A_110, %min3A_113] : memref<16x8xf32, #tpu.memory_space<vmem>>[vector<16xi32>, vector<16xi32>], vector<16xf32>,
        %broadcast_in_dim3A_114 = arith.constant 1 : i32
        %broadcast_in_dim3A_115 = vector.broadcast %broadcast_in_dim3A_114 : i32 to vector<16xi32>
        %mul3A_116 = vector.broadcast %squeeze3A : i32 to vector<16xi32>
        %mul3A_117 = arith.muli %broadcast_in_dim3A_115, %mul3A_116 : vector<16xi32>
        %min3A_118 = arith.constant 1 : i32
        %min3A_119 = vector.broadcast %min3A_118 : i32 to vector<16xi32>
        %min3A_120 = arith.minsi %iota3A, %min3A_119 : vector<16xi32>
        %lt3A = arith.constant 2 : i32
        %lt3A_121 = vector.broadcast %lt3A : i32 to vector<16xi32>
        %lt3A_122 = arith.cmpi slt, %iota3A, %lt3A_121 : vector<16xi32>
        tpu.vector_store_idx %arg15[%mul3A_117, %min3A_120], %gather3A masked %lt3A_122 : memref<512x2xf32, #tpu.memory_space<vmem>>[vector<16xi32>, vector<16xi32>], vector<16xf32>, vector<16xi1>
        %eq3A = arith.constant 2 : i32
        %eq3A_123 = vector.broadcast %eq3A : i32 to vector<16xi32>
        %eq3A_124 = arith.cmpi eq, %iota3A, %eq3A_123 : vector<16xi32>
        tpu.vector_store_idx %arg16[%mul3A_117], %gather3A masked %eq3A_124 : memref<512xf32, #tpu.memory_space<vmem>>[vector<16xi32>], vector<16xf32>, vector<16xi1>
        %eq3A_125 = arith.constant 3 : i32
        %eq3A_126 = vector.broadcast %eq3A_125 : i32 to vector<16xi32>
        %eq3A_127 = arith.cmpi eq, %iota3A, %eq3A_126 : vector<16xi32>
        tpu.vector_store_idx %arg17[%mul3A_117], %gather3A masked %eq3A_127 : memref<512xf32, #tpu.memory_space<vmem>>[vector<16xi32>], vector<16xf32>, vector<16xi1>
        %mul3A_128 = arith.constant 2 : i32
        %mul3A_129 = arith.muli %mul3A_128, %squeeze3A : i32
        %sub3A_130 = arith.constant 4 : i32
        %sub3A_131 = vector.broadcast %sub3A_130 : i32 to vector<16xi32>
        %sub3A_132 = arith.subi %iota3A, %sub3A_131 : vector<16xi32>
        %jit3A = arith.constant 0 : i32
        %jit3A_133 = arith.constant 1 : i32
        %max3A = vector.broadcast %jit3A : i32 to vector<16xi32>
        %max3A_134 = arith.maxsi %max3A, %sub3A_132 : vector<16xi32>
        %min3A_135 = vector.broadcast %jit3A_133 : i32 to vector<16xi32>
        %min3A_136 = arith.minsi %min3A_135, %max3A_134 : vector<16xi32>
        %add3A_137 = vector.broadcast %mul3A_129 : i32 to vector<16xi32>
        %add3A_138 = arith.addi %add3A_137, %min3A_136 : vector<16xi32>
        %ge3A = arith.constant 4 : i32
        %ge3A_139 = vector.broadcast %ge3A : i32 to vector<16xi32>
        %ge3A_140 = arith.cmpi sge, %iota3A, %ge3A_139 : vector<16xi32>
        %lt3A_141 = arith.constant 6 : i32
        %lt3A_142 = vector.broadcast %lt3A_141 : i32 to vector<16xi32>
        %lt3A_143 = arith.cmpi slt, %iota3A, %lt3A_142 : vector<16xi32>
        %and3A = arith.andi %ge3A_140, %lt3A_143 : vector<16xi1>
        tpu.vector_store_idx %arg18[%add3A_138], %gather3A masked %and3A : memref<1024xf32, #tpu.memory_space<vmem>>[vector<16xi32>], vector<16xf32>, vector<16xi1>
        %eq3A_144 = arith.constant 6 : i32
        %eq3A_145 = vector.broadcast %eq3A_144 : i32 to vector<16xi32>
        %eq3A_146 = arith.cmpi eq, %iota3A, %eq3A_145 : vector<16xi32>
        tpu.vector_store_idx %arg19[%mul3A_117], %gather3A masked %eq3A_146 : memref<512xf32, #tpu.memory_space<vmem>>[vector<16xi32>], vector<16xf32>, vector<16xi1>
      }
    }
    %dma_start3A_44 = arith.constant 0 : i32
    %dma_start3A_45 = tpu.memref_slice %arg6[%mul3A_2, %dma_start3A_44] : memref<16384x2xf32, #tpu.memory_space<hbm>> -> memref<512x2xf32, #tpu.memory_space<hbm>>
    %dma_start3A_46 = arith.constant 0 : i32
    %dma_start3A_47 = tpu.memref_slice %arg6[%mul3A_2, %dma_start3A_46] : memref<16384x2xf32, #tpu.memory_space<hbm>> -> memref<512x2xf32, #tpu.memory_space<hbm>>
    tpu.enqueue_dma source(%arg15 : memref<512x2xf32, #tpu.memory_space<vmem>>) target(%dma_start3A_47 : memref<512x2xf32, #tpu.memory_space<hbm>>) target_semaphore(%arg24 : memref<!tpu.dma_semaphore, #tpu.memory_space<semaphore_mem>>)
    %dma_start3A_48 = tpu.memref_slice %arg7[%mul3A_2] : memref<16384xf32, #tpu.memory_space<hbm>> -> memref<512xf32, #tpu.memory_space<hbm>>
    %dma_start3A_49 = tpu.memref_slice %arg7[%mul3A_2] : memref<16384xf32, #tpu.memory_space<hbm>> -> memref<512xf32, #tpu.memory_space<hbm>>
    tpu.enqueue_dma source(%arg16 : memref<512xf32, #tpu.memory_space<vmem>>) target(%dma_start3A_49 : memref<512xf32, #tpu.memory_space<hbm>>) target_semaphore(%arg24 : memref<!tpu.dma_semaphore, #tpu.memory_space<semaphore_mem>>)
    %dma_start3A_50 = tpu.memref_slice %arg8[%mul3A_2] : memref<16384xf32, #tpu.memory_space<hbm>> -> memref<512xf32, #tpu.memory_space<hbm>>
    %dma_start3A_51 = tpu.memref_slice %arg8[%mul3A_2] : memref<16384xf32, #tpu.memory_space<hbm>> -> memref<512xf32, #tpu.memory_space<hbm>>
    tpu.enqueue_dma source(%arg17 : memref<512xf32, #tpu.memory_space<vmem>>) target(%dma_start3A_51 : memref<512xf32, #tpu.memory_space<hbm>>) target_semaphore(%arg24 : memref<!tpu.dma_semaphore, #tpu.memory_space<semaphore_mem>>)
    %mul3A_52 = arith.constant 2 : i32
    %mul3A_53 = arith.muli %mul3A_52, %mul3A_2 : i32
    %dma_start3A_54 = tpu.memref_slice %arg9[%mul3A_53] : memref<32768xf32, #tpu.memory_space<hbm>> -> memref<1024xf32, #tpu.memory_space<hbm>>
    %dma_start3A_55 = tpu.memref_slice %arg9[%mul3A_53] : memref<32768xf32, #tpu.memory_space<hbm>> -> memref<1024xf32, #tpu.memory_space<hbm>>
    tpu.enqueue_dma source(%arg18 : memref<1024xf32, #tpu.memory_space<vmem>>) target(%dma_start3A_55 : memref<1024xf32, #tpu.memory_space<hbm>>) target_semaphore(%arg24 : memref<!tpu.dma_semaphore, #tpu.memory_space<semaphore_mem>>)
    %dma_start3A_56 = tpu.memref_slice %arg10[%mul3A_2] : memref<16384xf32, #tpu.memory_space<hbm>> -> memref<512xf32, #tpu.memory_space<hbm>>
    %dma_start3A_57 = tpu.memref_slice %arg10[%mul3A_2] : memref<16384xf32, #tpu.memory_space<hbm>> -> memref<512xf32, #tpu.memory_space<hbm>>
    tpu.enqueue_dma source(%arg19 : memref<512xf32, #tpu.memory_space<vmem>>) target(%dma_start3A_57 : memref<512xf32, #tpu.memory_space<hbm>>) target_semaphore(%arg24 : memref<!tpu.dma_semaphore, #tpu.memory_space<semaphore_mem>>)
    %dma_wait3A_58 = arith.constant 0 : i32
    %dma_wait3A_59 = tpu.memref_slice %arg6[%mul3A_2, %dma_wait3A_58] : memref<16384x2xf32, #tpu.memory_space<hbm>> -> memref<512x2xf32, #tpu.memory_space<hbm>>
    %dma_wait3A_60 = arith.constant 0 : i32
    %dma_wait3A_61 = tpu.memref_slice %arg6[%mul3A_2, %dma_wait3A_60] : memref<16384x2xf32, #tpu.memory_space<hbm>> -> memref<512x2xf32, #tpu.memory_space<hbm>>
    tpu.wait_dma2 semaphore(%arg24 : memref<!tpu.dma_semaphore, #tpu.memory_space<semaphore_mem>>) src(%arg15 : memref<512x2xf32, #tpu.memory_space<vmem>>) dst(%dma_wait3A_61 : memref<512x2xf32, #tpu.memory_space<hbm>>)
    %dma_wait3A_62 = tpu.memref_slice %arg7[%mul3A_2] : memref<16384xf32, #tpu.memory_space<hbm>> -> memref<512xf32, #tpu.memory_space<hbm>>
    %dma_wait3A_63 = tpu.memref_slice %arg7[%mul3A_2] : memref<16384xf32, #tpu.memory_space<hbm>> -> memref<512xf32, #tpu.memory_space<hbm>>
    tpu.wait_dma2 semaphore(%arg24 : memref<!tpu.dma_semaphore, #tpu.memory_space<semaphore_mem>>) src(%arg16 : memref<512xf32, #tpu.memory_space<vmem>>) dst(%dma_wait3A_63 : memref<512xf32, #tpu.memory_space<hbm>>)
    %dma_wait3A_64 = tpu.memref_slice %arg8[%mul3A_2] : memref<16384xf32, #tpu.memory_space<hbm>> -> memref<512xf32, #tpu.memory_space<hbm>>
    %dma_wait3A_65 = tpu.memref_slice %arg8[%mul3A_2] : memref<16384xf32, #tpu.memory_space<hbm>> -> memref<512xf32, #tpu.memory_space<hbm>>
    tpu.wait_dma2 semaphore(%arg24 : memref<!tpu.dma_semaphore, #tpu.memory_space<semaphore_mem>>) src(%arg17 : memref<512xf32, #tpu.memory_space<vmem>>) dst(%dma_wait3A_65 : memref<512xf32, #tpu.memory_space<hbm>>)
    %dma_wait3A_66 = tpu.memref_slice %arg9[%mul3A_53] : memref<32768xf32, #tpu.memory_space<hbm>> -> memref<1024xf32, #tpu.memory_space<hbm>>
    %dma_wait3A_67 = tpu.memref_slice %arg9[%mul3A_53] : memref<32768xf32, #tpu.memory_space<hbm>> -> memref<1024xf32, #tpu.memory_space<hbm>>
    tpu.wait_dma2 semaphore(%arg24 : memref<!tpu.dma_semaphore, #tpu.memory_space<semaphore_mem>>) src(%arg18 : memref<1024xf32, #tpu.memory_space<vmem>>) dst(%dma_wait3A_67 : memref<1024xf32, #tpu.memory_space<hbm>>)
    %dma_wait3A_68 = tpu.memref_slice %arg10[%mul3A_2] : memref<16384xf32, #tpu.memory_space<hbm>> -> memref<512xf32, #tpu.memory_space<hbm>>
    %dma_wait3A_69 = tpu.memref_slice %arg10[%mul3A_2] : memref<16384xf32, #tpu.memory_space<hbm>> -> memref<512xf32, #tpu.memory_space<hbm>>
    tpu.wait_dma2 semaphore(%arg24 : memref<!tpu.dma_semaphore, #tpu.memory_space<semaphore_mem>>) src(%arg19 : memref<512xf32, #tpu.memory_space<vmem>>) dst(%dma_wait3A_69 : memref<512xf32, #tpu.memory_space<hbm>>)
    return
  }
}

</mosaic_0001>

<sc_bundles>
// kernel: sc_pips.3.cloned.1.call-start
scs
__scs_entry_jumppad:
0x0: {  	(pc) =	sbr.rel $0x88, $3  }
0x1: {  	(tag) =	ssettag $0x0;
	lr =	simm.s32 $0x1  }
0x2: {  	[smem:$0x3F98] =	sst lr;
	_ =	strace $0xD0000000  }
0x3: {  	_ = 	snop  }
0x4: {  	_ = 	snop  }
0x5: {  	_ = 	snop  }
0x6: {  	_ = 	snop  }
0x7: {  	_ = 	snop  }
__scs_overlays_trampoline_lowered:
0x8: {  	[smem:$0x3FA7] =	sst s0  }
0x9: {  	[smem:$0x3FA8] =	sst s1  }
0xa: {  	[smem:$0x3FA9] =	sst s2  }
0xb: {  	[smem:$0x3FAA] =	sst s3  }
0xc: {  	[smem:$0x3FAB] =	sst s4  }
0xd: {  	[smem:$0x3FAC] =	sst s5  }
0xe: {  	[smem:$0x3FAD] =	sst s6  }
0xf: {  	[smem:$0x3FAE] =	sst s7  }
0x10: {  	[smem:$0x3FAF] =	sst s8  }
0x11: {  	[smem:$0x3FB0] =	sst s9;
	s0 =	simm.s32 @!p0 $0x0  }
0x12: {  	s1 =	sld [smem:$0x3F96];
	s0 =	simm.s32 @p0 $0x1  }
0x13: {  	[smem:$0x3FB1] =	sst s0;
	s0 =	simm.s32 @!p1 $0x0  }
0x14: {  	s2 =	sld [smem:$0x3F95];
	s0 =	simm.s32 @p1 $0x1  }
0x15: {  	[smem:$0x3FB2] =	sst s0;
	s0 =	simm.s32 @!p2 $0x0  }
0x16: {  	s3 =	sld [smem:$0x3FDB];
	s0 =	simm.s32 @p2 $0x1  }
0x17: {  	s4 =	simm.s32 $0x1BF5;
	[smem:$0x3FB4] =	sst s0  }
0x18: {  	s0 =	sld [smem:$0x3F97];
	_ =	swait.ge [sflag:s4], $0x0  }
0x19: {  	s7 =	sld [smem:$0x3F98]  }
0x1a: {  	s8 =	sadd.s32 $0xFFFFE003, lr  }
0x1b: {  	s9 =	sadd.s32 $0xFFFFFEF7, lr;
	s5 =	simm.s32 $0xFFFFFFFF;
	p2 =	slt.u32 s8, $0xFFFFF086  }
0x1c: {  	p1 =	slt.u32 s9, $0xF7A;
	s5 =	simm.s32 @!p2 $0x0  }
0x1d: {  	s5 =	simm.s32 @p1 $0x1;
	p0 =	seq.s32 s7, s2  }
0x1e: {  	s7 =	smul.u32 @!p0 $0xF7A, s2;
	p2 =	seq.s32 @!p0 s5, $0x0  }
0x1f: {  	s9 =	smul.u32 $0xF7A, s1;
	s8 =	simm.s32 @!p0 $0x1BF5;
	p2 =	por !p2, p0  }
0x20: {  	[sflag:s8] =	ssyncset.s32 @!p0 $0xFFFFF086;
	s6 =	sadd.s32 @!p0 s3, s7;
	s7 =	simm.s32 @!p0 $0x108  }
0x21: {  	s3 =	sadd.s32 s3, s9;
	s6 =	sadd.s32 @!p0 $0x88, s6;
	s7 =	simm.s32 @p2 $0x1082  }
0x22: {  	[simem:s7], [sflag:s8] =	dma.local @!p0 [hbm:s6], $0xF7A  }
0x23: {  	s9 =	sor.u32 $0xD0000000, s2;
	s6 =	simm.s32 $0x108;
	_ =	swait.ge @!p0 [sflag:s8], $0x0  }
0x24: {  	s3 =	sadd.s32 $0x88, s3;
	s6 =	simm.s32 @!p1 $0x1082;
	[sflag:s4] =	ssyncset.s32 $0xFFFFF086  }
0x25: {  	[simem:s6], [sflag:s4] =	dma.local [hbm:s3], $0xF7A  }
0x26: {  	[smem:$0x3F98] =	sst s1;
	(tag) =	ssettag s2;
	_ =	strace s9  }
0x27: {  	s1 =	sld [smem:$0x3FA8]  }
0x28: {  	s2 =	sld [smem:$0x3FA9]  }
0x29: {  	s4 =	sld [smem:$0x3FAB]  }
0x2a: {  	p0 =	seq.s32 s5, $0x0;
	s5 =	sld [smem:$0x3FAC]  }
0x2b: {  	s6 =	sld [smem:$0x3FAD]  }
0x2c: {  	s7 =	sld [smem:$0x3FAE]  }
0x2d: {  	s3 =	simm.s32 $0x108;
	s8 =	sld [smem:$0x3FAF]  }
0x2e: {  	s3 =	simm.s32 @!p0 $0x1082;
	s9 =	sld [smem:$0x3FB0]  }
0x2f: {  	lr =	sadd.s32 s0, s3;
	s0 =	sld [smem:$0x3FA7]  }
0x30: {  	s3 =	sld [smem:$0x3FAA]  }
0x31: {  	[smem:$0x3FB3] =	sst s10  }
0x32: {  	s10 =	sld [smem:$0x3FB1];
	_ =	sdelay $0x3  }
0x33: {  	p0 =	seq.s32 s10, $0x1;
	s10 =	sld [smem:$0x3FB3];
	_ =	sdelay $0x3  }
0x34: {  	[smem:$0x3FB3] =	sst s10  }
0x35: {  	s10 =	sld [smem:$0x3FB2];
	_ =	sdelay $0x3  }
0x36: {  	p1 =	seq.s32 s10, $0x1;
	s10 =	sld [smem:$0x3FB3];
	_ =	sdelay $0x3  }
0x37: {  	[smem:$0x3FB3] =	sst s10  }
0x38: {  	s10 =	sld [smem:$0x3FB4]  }
0x39: {  	_ = 	snop;
	(pc) =	sbr.ind lr, $3  }
0x3a: {  	_ = 	snop  }
0x3b: {  	_ = 	snop  }
0x3c: {  	p2 =	seq.s32 s10, $0x1;
	s10 =	sld [smem:$0x3FB3]  }
0x3d: {  	_ =	shalt  }
0x3e: {  	_ =	shalt  }
0x3f: {  	_ =	shalt  }
0x40: {  	_ =	shalt  }
0x41: {  	_ =	shalt  }
0x42: {  	_ =	shalt  }
0x43: {  	_ =	shalt  }
0x44: {  	_ =	shalt  }
0x45: {  	_ =	shalt  }
0x46: {  	_ =	shalt  }
0x47: {  	_ =	shalt  }
0x48: {  	_ =	shalt  }
0x49: {  	_ =	shalt  }
0x4a: {  	_ =	shalt  }
0x4b: {  	_ =	shalt  }
0x4c: {  	_ =	shalt  }
0x4d: {  	_ =	shalt  }
0x4e: {  	_ =	shalt  }
0x4f: {  	_ =	shalt  }
0x50: {  	_ =	shalt  }
0x51: {  	_ =	shalt  }
0x52: {  	_ =	shalt  }
0x53: {  	_ =	shalt  }
0x54: {  	_ =	shalt  }
0x55: {  	_ =	shalt  }
0x56: {  	_ =	shalt  }
0x57: {  	_ =	shalt  }
0x58: {  	_ =	shalt  }
0x59: {  	_ =	shalt  }
0x5a: {  	_ =	shalt  }
0x5b: {  	_ =	shalt  }
0x5c: {  	_ =	shalt  }
0x5d: {  	_ =	shalt  }
0x5e: {  	_ =	shalt  }
0x5f: {  	_ =	shalt  }
0x60: {  	_ =	shalt  }
0x61: {  	_ =	shalt  }
0x62: {  	_ =	shalt  }
0x63: {  	_ =	shalt  }
0x64: {  	_ =	shalt  }
0x65: {  	_ =	shalt  }
0x66: {  	_ =	shalt  }
0x67: {  	_ =	shalt  }
0x68: {  	_ =	shalt  }
0x69: {  	_ =	shalt  }
0x6a: {  	_ =	shalt  }
0x6b: {  	_ =	shalt  }
0x6c: {  	_ =	shalt  }
0x6d: {  	_ =	shalt  }
0x6e: {  	_ =	shalt  }
0x6f: {  	_ =	shalt  }
0x70: {  	_ =	shalt  }
0x71: {  	_ =	shalt  }
0x72: {  	_ =	shalt  }
0x73: {  	_ =	shalt  }
0x74: {  	_ =	shalt  }
0x75: {  	_ =	shalt  }
0x76: {  	_ =	shalt  }
0x77: {  	_ =	shalt  }
0x78: {  	_ =	shalt  }
0x79: {  	_ =	shalt  }
0x7a: {  	_ =	shalt  }
0x7b: {  	_ =	shalt  }
0x7c: {  	_ =	shalt  }
0x7d: {  	_ =	shalt  }
0x7e: {  	_ =	shalt  }
0x7f: {  	_ =	shalt  }
0x80: {  	_ =	shalt  }
0x81: {  	_ =	shalt  }
0x82: {  	_ =	shalt  }
0x83: {  	_ =	shalt  }
0x84: {  	_ =	shalt  }
0x85: {  	_ =	shalt  }
0x86: {  	_ =	shalt  }
0x87: {  	_ =	shalt  }
.Lfunc_end0:
.L_simem_size_0:
called_computation.1_lowered:
.L_overlay_start_0:
0x88: {  	s2 =	sld [smem:$0x3FD9]  }
0x89: {  	s3 =	sld [smem:$0x3FFE];
	_ =	sdelay $0x1  }
0x8a: {  	s1 =	srdreg.scid  }
0x8b: {  	s0 =	sand.u32 $0x1, s1  }
0x8c: {  	s15 =	sshll.u32 s0, $0xA;
	s2 =	sadd.s32 s3, s2  }
0x8d: {  	s2 =	sadd.s32 s2, s15  }
0x8e: {  	[smem:$0x3FBF] =	sst s2  }
0x8f: {  	_ = 	snop  }
0x90: {  	s5 =	sld [smem:$0x3FD0]  }
0x91: {  	s16 =	sld [smem:$0x3FC9]  }
0x92: {  	s4 =	sld [smem:$0x3FC8]  }
0x93: {  	s6 =	simm.s32 $0xB;
	s7 =	simm.s32 $0x10;
	s2 =	sld [smem:$0x3FC1]  }
0x94: {  	[smem:s7], [sflag:s6] =	dma.local [hbm:s5], $0x1  }
0x95: {  	_ =	swait.eq [sflag:s6], $0x1  }
0x96: {  	[sflag:s6] =	ssyncset.done $0x0  }
0x97: {  	[sflag:s6] =	ssyncadd.s32 $0xFFFFFFFF  }
0x98: {  	s17 =	sld [smem:$0x15];
	(tm) =	ssettm $0x1  }
0x99: {  	s18 =	sld [smem:$0x3FFB];
	_ =	sdelay $0x3  }
0x9a: {  	_ =	strace s18  }
0x9b: {  	s5 =	sld [smem:$0x3FFC];
	_ =	sdelay $0x3  }
0x9c: {  	_ =	strace s5  }
0x9d: {  	s5 =	sld [smem:$0x3FFD];
	_ =	sdelay $0x3  }
0x9e: {  	_ =	strace s5  }
0x9f: {  	_ =	strace $0x8FFFFFFF  }
0xa0: {  	s19 =	sld [smem:$0x3FDB];
	_ =	sdelay $0x1  }
0xa1: {  	s20 =	simm.s32 $_scs_section_size  }
0xa2: {  	s8 =	simm.s32 $_size__tile_overlayer_lowered;
	s9 =	simm.s32 $_tile_overlayer_lowered  }
0xa3: {  	s10 =	simm.s32 $0x1BFF;
	s21 =	sshll.u32 s9, $0x1;
	s7 =	sadd.s32 s20, s19  }
0xa4: {  	s22 =	simm.s32 $0x0;
	s8 =	sshll.u32 s8, $0x1;
	s9 =	sadd.s32 s21, s7  }
0xa5: {  	[timem:s22], [sflag:s10] =	dma.local [hbm:s9], s8  }
0xa6: {  	_ =	swait.ge [sflag:s10], s8  }
0xa7: {  	s8 =	ssub.s32 $0x0, s8;
	[sflag:s10] =	ssyncset.done $0x0  }
0xa8: {  	[sflag:s10] =	ssyncadd.s32 s8;
	_ =	sdelay $0x1  }
0xa9: {  	s23 =	simm.s32 $0x1B8B  }
0xaa: {  	_ =	swait.ge [sflag:s23], $0x1  }
0xab: {  	[sflag:s23] =	ssyncset.done $0x0  }
0xac: {  	[sflag:s23] =	ssyncadd.s32 $0xFFFFFFFF  }
0xad: {  	s8 =	sld [smem:$0x0]  }
0xae: {  	s9 =	sand.u32 $0xFFFFFFFE, s1  }
0xaf: {  	p0 =	sne.s32 s1, s9  }
0xb0: {  	s9 =	sshll.u32 @p0 s9, $0xE  }
0xb1: {  	s9 =	sadd.s32 @p0 $0x11B8D, s9;
	s10 =	sshll.u32 @p0 s8, $0x11  }
0xb2: {  	s9 =	sor.u32 @p0 s10, s9  }
0xb3: {  	[sflag:s9] =	ssyncadd.remote.s32 @p0 $0x1;
	_ =	sdelay $0x1  }
0xb4: {  	s9 =	simm.s32 @p0 $0x1B8D  }
0xb5: {  	_ =	swait.eq @p0 [sflag:s9], $0x1  }
0xb6: {  	[sflag:s9] =	ssyncadd.s32 @p0 $0xFFFFFFFF  }
0xb7: {  	s10 =	sshll.u32 @!p0 s1, $0xE  }
0xb8: {  	s10 =	sor.u32 @!p0 $0x4000, s10;
	s9 =	simm.s32 @!p0 $0x1B8D  }
0xb9: {  	s8 =	sshll.u32 @!p0 s8, $0x11;
	s10 =	sadd.s32 @!p0 $0x11B8D, s10;
	_ =	swait.eq @!p0 [sflag:s9], $0x1  }
0xba: {  	s8 =	sor.u32 @!p0 s8, s10;
	[sflag:s9] =	ssyncadd.s32 @!p0 $0xFFFFFFFF  }
0xbb: {  	s25 =	simm.s32 $0x1B8E;
	s24 =	sld [smem:$0x3FFE];
	[sflag:s8] =	ssyncadd.remote.s32 @!p0 $0x1  }
0xbc: {  	s26 =	simm.s32 $execute0_lowered;
	[smem:$0x3FD2] =	sst s25  }
0xbd: {  	s9 =	sshll.u32 s26, $0x1;
	_ =	strace $0x80000049;
	[dreg:$0x1] =	wrdreg $0xFFFFFFFF  }
0xbe: {  	s28 =	simm.s32 $_size_execute0_lowered;
	s7 =	sadd.s32 s7, s9;
	[dreg:$0x0] =	wrdreg $0x0  }
0xbf: {  	s9 =	sshll.u32 s28, $0x1;
	[dreg:$0x2] =	wrdreg s7  }
0xc0: {  	[dreg:$0x3] =	wrdreg s9  }
0xc1: {  	[dreg:$0x4] =	wrdreg $0xC0  }
0xc2: {  	_ =	task [dreg:s22], $0x5FFFF  }
0xc3: {  	[dreg:$0x1] =	wrdreg $0xFFFFFFFF  }
0xc4: {  	[dreg:$0x0] =	wrdreg $0x60  }
0xc5: {  	[dreg:$0x2] =	wrdreg s16  }
0xc6: {  	[dreg:$0x3] =	wrdreg s4  }
0xc7: {  	[dreg:$0x4] =	wrdreg s24  }
0xc8: {  	[dreg:$0x5] =	wrdreg s2  }
0xc9: {  	[dreg:$0x6] =	wrdreg s17  }
0xca: {  	[dreg:$0x7] =	wrdreg $0xA  }
0xcb: {  	_ =	task.clear_ibuf [dreg:s22], $0x8FFFF;
	_ =	strace $0x90000049  }
0xcc: {  	s29 =	simm.s32 $0xA;
	_ =	strace $0x8000004B  }
0xcd: {  	_ =	swait.ge [sflag:s29], $0x1  }
0xce: {  	[sflag:s29] =	ssyncadd.s32 $0xFFFFFFFF  }
0xcf: {  	_ =	strace $0x9000004B  }
0xd0: {  	_ =	sfence  }
0xd1: {  	s30 =	sld [smem:$0x0];
	_ =	sdelay $0x2  }
0xd2: {  	s31 =	sshll.u32 s1, $0xD;
	s1 =	sshrl.u32 s1, $0x2  }
0xd3: {  	s3 =	sand.u32 $0x4000, s31;
	s1 =	sadd.s32 s1, s30  }
0xd4: {  	s0 =	sor.u32 s3, s0;
	s1 =	sshll.u32 s1, $0x11  }
0xd5: {  	s0 =	sor.u32 s1, s0  }
0xd6: {  	s0 =	sadd.s32 $0x8F2B, s0  }
0xd7: {  	[sflag:s0] =	ssyncadd.remote.s32 $0x1  }
0xd8: {  	_ =	sfence.sel $0xFFFF  }
0xd9: {  	[dreg:$0x0] =	wrdreg $0xFFFFFFFF;
	(pc) =	sbr.abs _section_cstart, $3  }
0xda: {  	[dreg:$0x1] =	wrdreg $0xFFFFFFFF  }
0xdb: {  	_ =	task.clear_ibuf [dreg:s22], $0x2FFFF;
	_ =	strace $0x9FFFFFFF  }
0xdc: {  	(tm) =	ssettm $0x7FFFFFFF  }
0xdd: {  	_ =	shalt  }
tec
execute0_lowered:
.L_overlay_start_1:
0x0: {  	(tag) =	ssettag $0x1  }
0x1: {  	s0 =	rddreg [dreg:$0x1]  }
0x2: {  	s1 =	rddreg [dreg:$0x2]  }
0x3: {  	s2 =	rddreg [dreg:$0x3]  }
0x4: {  	s3 =	rddreg [dreg:$0x4]  }
0x5: {  	s5 =	simm.s32 $0x0;
	s4 =	srdreg.scid;
	s6 =	stileid.u32  }
0x6: {  	[smem:$0x7FF] =	sst s5;
	s4 =	sand.u32 $0x1, s4;
	s6 =	sshll.u32 s6, $0x1  }
0x7: {  	s1 =	sadd.s32 $0xC1000, s1;
	s16 =	ssub.s32 $0x2, s4;
	s4 =	sor.u32 s4, s6  }
0x8: {  	_ =	strace $0x8000004A;
	s8 =	sshll.u32 s4, $0x6;
	s7 =	sshll.u32 s4, $0x10  }
0x9: {  	[dreg:$0x6] =	wrdreg s1;
	s0 =	sadd.s32 s0, s8;
	s9 =	sadd.s32 s3, s7  }
0xa: {  	s28 =	simm.s32 $0x4700;
	[dreg:$0x7] =	wrdreg s0;
	s18 =	sadd.s32 $0x1000, s9  }
0xb: {  	s29 =	simm.s32 $0x3;
	s19 =	sadd.s32 $0x2000, s9;
	[dreg:$0x8] =	wrdreg s18  }
0xc: {  	s30 =	simm.s32 $0x1;
	s20 =	sadd.s32 $0x3000, s9;
	[dreg:$0x9] =	wrdreg s19  }
0xd: {  	s31 =	simm.s32 $0x2;
	s21 =	sadd.s32 $0x4000, s9;
	[dreg:$0xa] =	wrdreg s20  }
0xe: {  	s17 =	sshrl.u32 s16, $0x1;
	s22 =	sadd.s32 $0x5000, s9;
	[dreg:$0xb] =	wrdreg s21  }
0xf: {  	s4 =	simm.s32 $0x5;
	s23 =	sadd.s32 $0x6000, s9;
	[dreg:$0xc] =	wrdreg s22  }
0x10: {  	s1 =	ssub.s32 s16, s17;
	s24 =	sadd.s32 $0x7000, s9;
	[dreg:$0xd] =	wrdreg s23  }
.Ltmp0:
0x11: {  	s25 =	sadd.s32 $0x8000, s9;
	[dreg:$0xe] =	wrdreg s24;
	(pc) =	sbr.rel .LBB2_1-.Ltmp0, $4  }
0x12: {  	v0 =	vimm.s32 $0x1FFF;
	s26 =	sadd.s32 $0x9000, s9;
	s0 =	simm.s32 $0x4;
	[dreg:$0xf] =	wrdreg s25  }
0x13: {  	[dreg:$0x10] =	wrdreg s26;
	s19 =	sadd.s32 $0xA000, s9;
	s20 =	sadd.s32 $0xB000, s9  }
0x14: {  	s21 =	sadd.s32 $0xC000, s9;
	s22 =	sadd.s32 $0xD000, s9;
	s23 =	sadd.s32 $0xE000, s9  }
0x15: {  	v1 =	vimm.s32 $0x0;
	v2 =	vlaneseq.u32;
	s24 =	sadd.s32 $0xF000, s9;
	s25 =	smax.u32 s1, $0x1;
	s1 =	simm.s32 $0x0  }
.LBB2_22:
0x16: {  	s1 =	sadd.s32 $0x1, s1  }
0x17: {  	p0 =	sne.s32 s1, s25  }
.Ltmp1:
0x18: {  	_ = 	snop;
	(pc) =	sbr.rel @!p0 .LBB2_23-.Ltmp1, $1  }
0x19: {  	_ =	sdelay $0x3  }
.LBB2_1:
0x1a: {  	s6 =	rddreg [dreg:$0x0]  }
0x1b: {  	[tilespmem:s5], [sflag:$0x1] =	stream.linear.gather [hbm4b:s6+s5], $0x4000, $0x38;
	[tilespmem:$0x10700] =	vst v63  }
0x1c: {  	s26 =	rddreg [dreg:$0x7];
	s8 =	simm.s32 $0x4000  }
0x1d: {  	[tilespmem:s8], [sflag:$0x2] =	stream.linear.gather [hbm4b:s26+s5], $0x200, $0x38;
	[tilespmem:$0x10700] =	vst v63  }
0x1e: {  	s10 =	rddreg [dreg:$0x6]  }
0x1f: {  	[tilespmem:s28], [sflag:$0x3] =	stream.linear.gather [hbm4b:s10+s5], $0x8000, $0x38;
	[tilespmem:$0x10700] =	vst v63  }
0x20: {  	_ =	swait.ge [sflag:s29], $0x8000  }
0x21: {  	[sflag:s29] =	ssyncset.done $0x0  }
0x22: {  	[sflag:s29] =	ssyncadd.s32 $0xFFFF8000  }
0x23: {  	[hbm4b:s9+s5] =	stream.linear.scatter [tilespmem:s28], [sflag:$0x3], $0x8000, $0x38;
	[tilespmem:$0x10700] =	vst v63  }
0x24: {  	s11 =	rddreg [dreg:$0x8]  }
0x25: {  	[hbm4b:s11+s5] =	stream.linear.scatter [tilespmem:s28], [sflag:$0x3], $0x8000, $0x38;
	[tilespmem:$0x10700] =	vst v63  }
0x26: {  	s12 =	rddreg [dreg:$0x9]  }
0x27: {  	[hbm4b:s12+s5] =	stream.linear.scatter [tilespmem:s28], [sflag:$0x3], $0x8000, $0x38;
	[tilespmem:$0x10700] =	vst v63  }
0x28: {  	s13 =	rddreg [dreg:$0xa]  }
0x29: {  	[hbm4b:s13+s5] =	stream.linear.scatter [tilespmem:s28], [sflag:$0x3], $0x8000, $0x38;
	[tilespmem:$0x10700] =	vst v63  }
0x2a: {  	s14 =	rddreg [dreg:$0xb]  }
0x2b: {  	[hbm4b:s14+s5] =	stream.linear.scatter [tilespmem:s28], [sflag:$0x3], $0x8000, $0x38;
	[tilespmem:$0x10700] =	vst v63  }
0x2c: {  	s15 =	rddreg [dreg:$0xc]  }
0x2d: {  	[hbm4b:s15+s5] =	stream.linear.scatter [tilespmem:s28], [sflag:$0x3], $0x8000, $0x38;
	[tilespmem:$0x10700] =	vst v63  }
0x2e: {  	s16 =	rddreg [dreg:$0xd]  }
0x2f: {  	[hbm4b:s16+s5] =	stream.linear.scatter [tilespmem:s28], [sflag:$0x3], $0x8000, $0x38;
	[tilespmem:$0x10700] =	vst v63  }
0x30: {  	s17 =	rddreg [dreg:$0xe]  }
0x31: {  	[hbm4b:s17+s5] =	stream.linear.scatter [tilespmem:s28], [sflag:$0x3], $0x8000, $0x38;
	[tilespmem:$0x10700] =	vst v63  }
0x32: {  	s18 =	rddreg [dreg:$0xf]  }
0x33: {  	[hbm4b:s18+s5] =	stream.linear.scatter [tilespmem:s28], [sflag:$0x3], $0x8000, $0x38;
	[tilespmem:$0x10700] =	vst v63  }
0x34: {  	s26 =	rddreg [dreg:$0x10]  }
0x35: {  	[hbm4b:s26+s5] =	stream.linear.scatter [tilespmem:s28], [sflag:$0x3], $0x8000, $0x38;
	[tilespmem:$0x10700] =	vst v63  }
0x36: {  	_ = 	snop  }
0x37: {  	[hbm4b:s19+s5] =	stream.linear.scatter [tilespmem:s28], [sflag:$0x3], $0x8000, $0x38;
	[tilespmem:$0x10700] =	vst v63  }
0x38: {  	_ = 	snop  }
0x39: {  	[hbm4b:s20+s5] =	stream.linear.scatter [tilespmem:s28], [sflag:$0x3], $0x8000, $0x38;
	[tilespmem:$0x10700] =	vst v63  }
0x3a: {  	_ = 	snop  }
0x3b: {  	[hbm4b:s21+s5] =	stream.linear.scatter [tilespmem:s28], [sflag:$0x3], $0x8000, $0x38;
	[tilespmem:$0x10700] =	vst v63  }
0x3c: {  	_ = 	snop  }
0x3d: {  	[hbm4b:s22+s5] =	stream.linear.scatter [tilespmem:s28], [sflag:$0x3], $0x8000, $0x38;
	[tilespmem:$0x10700] =	vst v63  }
0x3e: {  	_ = 	snop  }
0x3f: {  	[hbm4b:s23+s5] =	stream.linear.scatter [tilespmem:s28], [sflag:$0x3], $0x8000, $0x38;
	[tilespmem:$0x10700] =	vst v63  }
0x40: {  	_ = 	snop  }
0x41: {  	[hbm4b:s24+s5] =	stream.linear.scatter [tilespmem:s28], [sflag:$0x3], $0x8000, $0x38;
	[tilespmem:$0x10700] =	vst v63  }
0x42: {  	_ =	swait.ge [sflag:s30], $0x4000  }
0x43: {  	[sflag:s30] =	ssyncset.done $0x0  }
0x44: {  	[sflag:s30] =	ssyncadd.s32 $0xFFFFC000  }
0x45: {  	_ =	swait.ge [sflag:s31], $0x200  }
0x46: {  	s6 =	simm.s32 $0x4010;
	[sflag:s31] =	ssyncset.done $0x0  }
0x47: {  	s8 =	simm.s32 $0x0;
	s12 =	simm.s32 $0x0;
	[sflag:s31] =	ssyncadd.s32 $0xFFFFFE00  }
.LBB2_2:
0x48: {  	v3 =	vld [tilespmem:s6+$0xFFFFFFF0]  }
0x49: {  	v5 =	vld.idx.msk [tilespmem:v0+s5+$0x0], $0xffff;
	_ =	sdelay $0x1  }
0x4a: {  	v4 =	vld [tilespmem:s6+$0x0];
	_ =	sdelay $0x2  }
0x4b: {  	vm0 =	vlt.s32 v5, v3  }
0x4c: {  	v6 =	vsel vm0, $0x2000, v1  }
0x4d: {  	vm10 =	vlt.s32 v5, v4;
	v30 =	vor.u32 $0xFFF, v6  }
0x4e: {  	v7 =	vsel vm10, $0x2000, v1  }
0x4f: {  	v8 =	vor.u32 $0xFFF, v7;
	_ =	sdelay $0x2  }
0x50: {  	v5 =	vld.idx.msk [tilespmem:v30+s5+$0x0], $0xffff;
	_ =	sdelay $0x1  }
0x51: {  	v8 =	vld.idx.msk [tilespmem:v8+s5+$0x0], $0xffff;
	_ =	sdelay $0x2  }
0x52: {  	v31 =	vor.u32 $0x1000, v6;
	vm11 =	vlt.s32 v5, v3  }
0x53: {  	v5 =	vsel vm11, v31, v6  }
0x54: {  	v32 =	vor.u32 $0x1000, v7;
	vm12 =	vlt.s32 v8, v4;
	v33 =	vor.u32 $0x7FF, v5  }
0x55: {  	v6 =	vsel vm12, v32, v7  }
0x56: {  	v7 =	vor.u32 $0x7FF, v6;
	_ =	sdelay $0x2  }
0x57: {  	v8 =	vld.idx.msk [tilespmem:v33+s5+$0x0], $0xffff;
	_ =	sdelay $0x1  }
0x58: {  	v7 =	vld.idx.msk [tilespmem:v7+s5+$0x0], $0xffff;
	_ =	sdelay $0x2  }
0x59: {  	v34 =	vor.u32 $0x800, v5;
	vm13 =	vlt.s32 v8, v3  }
0x5a: {  	v5 =	vsel vm13, v34, v5  }
0x5b: {  	v35 =	vor.u32 $0x800, v6;
	vm14 =	vlt.s32 v7, v4;
	v8 =	vor.u32 $0x3FF, v5  }
0x5c: {  	v6 =	vsel vm14, v35, v6  }
0x5d: {  	v7 =	vor.u32 $0x3FF, v6;
	_ =	sdelay $0x2  }
0x5e: {  	v8 =	vld.idx.msk [tilespmem:v8+s5+$0x0], $0xffff;
	_ =	sdelay $0x1  }
0x5f: {  	v7 =	vld.idx.msk [tilespmem:v7+s5+$0x0], $0xffff;
	_ =	sdelay $0x2  }
0x60: {  	v36 =	vor.u32 $0x400, v5;
	vm15 =	vlt.s32 v8, v3  }
0x61: {  	v5 =	vsel vm15, v36, v5  }
0x62: {  	v37 =	vor.u32 $0x400, v6;
	vm4 =	vlt.s32 v7, v4;
	v8 =	vadd.s32 $0x1FF, v5  }
0x63: {  	v6 =	vsel vm4, v37, v6  }
0x64: {  	v7 =	vadd.s32 $0x1FF, v6;
	_ =	sdelay $0x2  }
0x65: {  	v8 =	vld.idx.msk [tilespmem:v8+s5+$0x0], $0xffff;
	_ =	sdelay $0x1  }
0x66: {  	v7 =	vld.idx.msk [tilespmem:v7+s5+$0x0], $0xffff;
	_ =	sdelay $0x2  }
0x67: {  	v38 =	vadd.s32 $0x200, v5;
	vm5 =	vlt.s32 v8, v3  }
0x68: {  	v5 =	vsel vm5, v38, v5  }
0x69: {  	v39 =	vadd.s32 $0x200, v6;
	vm6 =	vlt.s32 v7, v4;
	v8 =	vadd.s32 $0xFF, v5  }
0x6a: {  	v6 =	vsel vm6, v39, v6  }
0x6b: {  	v7 =	vadd.s32 $0xFF, v6;
	_ =	sdelay $0x2  }
0x6c: {  	v8 =	vld.idx.msk [tilespmem:v8+s5+$0x0], $0xffff;
	_ =	sdelay $0x1  }
0x6d: {  	v7 =	vld.idx.msk [tilespmem:v7+s5+$0x0], $0xffff;
	_ =	sdelay $0x2  }
0x6e: {  	v40 =	vadd.s32 $0x100, v5;
	vm7 =	vlt.s32 v8, v3  }
0x6f: {  	v5 =	vsel vm7, v40, v5  }
0x70: {  	v41 =	vadd.s32 $0x100, v6;
	vm8 =	vlt.s32 v7, v4;
	v8 =	vadd.s32 $0x7F, v5  }
0x71: {  	v6 =	vsel vm8, v41, v6  }
0x72: {  	v7 =	vadd.s32 $0x7F, v6;
	_ =	sdelay $0x2  }
0x73: {  	v8 =	vld.idx.msk [tilespmem:v8+s5+$0x0], $0xffff;
	_ =	sdelay $0x1  }
0x74: {  	v7 =	vld.idx.msk [tilespmem:v7+s5+$0x0], $0xffff;
	_ =	sdelay $0x2  }
0x75: {  	v42 =	vadd.s32 $0x80, v5;
	vm9 =	vlt.s32 v8, v3  }
0x76: {  	v5 =	vsel vm9, v42, v5  }
0x77: {  	v43 =	vadd.s32 $0x80, v6;
	vm10 =	vlt.s32 v7, v4;
	v8 =	vadd.s32 $0x3F, v5  }
0x78: {  	v6 =	vsel vm10, v43, v6  }
0x79: {  	v7 =	vadd.s32 $0x3F, v6;
	_ =	sdelay $0x2  }
0x7a: {  	v8 =	vld.idx.msk [tilespmem:v8+s5+$0x0], $0xffff;
	_ =	sdelay $0x1  }
0x7b: {  	v7 =	vld.idx.msk [tilespmem:v7+s5+$0x0], $0xffff;
	_ =	sdelay $0x2  }
0x7c: {  	v44 =	vadd.s32 $0x40, v5;
	vm11 =	vlt.s32 v8, v3  }
0x7d: {  	v5 =	vsel vm11, v44, v5  }
0x7e: {  	v45 =	vadd.s32 $0x40, v6;
	vm12 =	vlt.s32 v7, v4;
	v8 =	vadd.s32 $0x1F, v5  }
0x7f: {  	v6 =	vsel vm12, v45, v6  }
0x80: {  	v7 =	vadd.s32 $0x1F, v6;
	_ =	sdelay $0x2  }
0x81: {  	v8 =	vld.idx.msk [tilespmem:v8+s5+$0x0], $0xffff;
	_ =	sdelay $0x1  }
0x82: {  	v7 =	vld.idx.msk [tilespmem:v7+s5+$0x0], $0xffff;
	_ =	sdelay $0x2  }
0x83: {  	v46 =	vadd.s32 $0x20, v5;
	vm13 =	vlt.s32 v8, v3  }
0x84: {  	v5 =	vsel vm13, v46, v5  }
0x85: {  	v47 =	vadd.s32 $0x20, v6;
	vm14 =	vlt.s32 v7, v4;
	v8 =	vadd.s32 $0xF, v5  }
0x86: {  	v6 =	vsel vm14, v47, v6  }
0x87: {  	v7 =	vadd.s32 $0xF, v6;
	_ =	sdelay $0x2  }
0x88: {  	v8 =	vld.idx.msk [tilespmem:v8+s5+$0x0], $0xffff;
	_ =	sdelay $0x1  }
0x89: {  	v7 =	vld.idx.msk [tilespmem:v7+s5+$0x0], $0xffff;
	_ =	sdelay $0x2  }
0x8a: {  	v48 =	vadd.s32 $0x10, v5;
	vm15 =	vlt.s32 v8, v3  }
0x8b: {  	v5 =	vsel vm15, v48, v5  }
0x8c: {  	v49 =	vadd.s32 $0x10, v6;
	vm4 =	vlt.s32 v7, v4;
	v8 =	vadd.s32 $0x7, v5  }
0x8d: {  	v6 =	vsel vm4, v49, v6  }
0x8e: {  	v7 =	vadd.s32 $0x7, v6;
	_ =	sdelay $0x2  }
0x8f: {  	v8 =	vld.idx.msk [tilespmem:v8+s5+$0x0], $0xffff;
	_ =	sdelay $0x1  }
0x90: {  	v7 =	vld.idx.msk [tilespmem:v7+s5+$0x0], $0xffff;
	_ =	sdelay $0x2  }
0x91: {  	v50 =	vadd.s32 $0x8, v5;
	vm5 =	vlt.s32 v8, v3  }
0x92: {  	v5 =	vsel vm5, v50, v5  }
0x93: {  	v51 =	vadd.s32 $0x8, v6;
	vm6 =	vlt.s32 v7, v4;
	v8 =	vadd.s32 $0x3, v5  }
0x94: {  	v6 =	vsel vm6, v51, v6  }
0x95: {  	v7 =	vadd.s32 $0x3, v6;
	_ =	sdelay $0x2  }
0x96: {  	v8 =	vld.idx.msk [tilespmem:v8+s5+$0x0], $0xffff;
	_ =	sdelay $0x1  }
0x97: {  	v7 =	vld.idx.msk [tilespmem:v7+s5+$0x0], $0xffff;
	_ =	sdelay $0x2  }
0x98: {  	v52 =	vadd.s32 $0x4, v5;
	vm7 =	vlt.s32 v8, v3  }
0x99: {  	v5 =	vsel vm7, v52, v5  }
0x9a: {  	v53 =	vadd.s32 $0x4, v6;
	vm8 =	vlt.s32 v7, v4;
	v8 =	vadd.s32 $0x1, v5  }
0x9b: {  	v6 =	vsel vm8, v53, v6  }
0x9c: {  	v7 =	vadd.s32 $0x1, v6;
	_ =	sdelay $0x2  }
0x9d: {  	v8 =	vld.idx.msk [tilespmem:v8+s5+$0x0], $0xffff;
	_ =	sdelay $0x1  }
0x9e: {  	v7 =	vld.idx.msk [tilespmem:v7+s5+$0x0], $0xffff;
	_ =	sdelay $0x2  }
0x9f: {  	v54 =	vadd.s32 $0x2, v5;
	vm9 =	vlt.s32 v8, v3  }
0xa0: {  	v5 =	vsel vm9, v54, v5  }
0xa1: {  	v55 =	vadd.s32 $0x2, v6;
	vm10 =	vlt.s32 v7, v4  }
0xa2: {  	v6 =	vsel vm10, v55, v6;
	_ =	sdelay $0x2  }
0xa3: {  	v56 =	vld.idx.msk [tilespmem:v5+s5+$0x0], $0xffff;
	_ =	sdelay $0x1  }
0xa4: {  	v57 =	vld.idx.msk [tilespmem:v6+s5+$0x0], $0xffff;
	_ =	sdelay $0x2  }
0xa5: {  	vm11 =	vlt.s32 v56, v3  }
0xa6: {  	v7 =	vsel vm11, $0x1, v1  }
0xa7: {  	vm12 =	vlt.s32 v57, v4;
	v5 =	vadd.s32 v7, v5  }
0xa8: {  	v58 =	vsel vm12, $0x1, v1  }
0xa9: {  	v6 =	vadd.s32 v58, v6;
	_ =	sdelay $0x2  }
0xaa: {  	v59 =	vld.idx.msk [tilespmem:v5+s5+$0x0], $0xffff;
	_ =	sdelay $0x1  }
0xab: {  	v60 =	vld.idx.msk [tilespmem:v6+s5+$0x0], $0xffff;
	_ =	sdelay $0x2  }
0xac: {  	vm13 =	vlt.s32 v59, v3  }
0xad: {  	v7 =	vsel vm13, $0x1, v1  }
0xae: {  	vm14 =	vlt.s32 v60, v4;
	v5 =	vadd.s32 v7, v5  }
0xaf: {  	v61 =	vsel vm14, $0x1, v1;
	v5 =	vmin.u32 v5, $0x3FFF  }
0xb0: {  	v6 =	vadd.s32 v61, v6  }
0xb1: {  	v6 =	vmin.u32 v6, $0x3FFF;
	_ =	sdelay $0x2  }
0xb2: {  	v62 =	vld.idx.msk [tilespmem:v5+s5+$0x0], $0xffff;
	_ =	sdelay $0x1  }
0xb3: {  	v63 =	vld.idx.msk [tilespmem:v6+s5+$0x0], $0xffff;
	_ =	sdelay $0x2  }
0xb4: {  	vm15 =	veq.s32 v62, v3  }
0xb5: {  	v3 =	vmpcnt.ones.xlane vm15  }
0xb6: {  	vm1 =	veq.s32 v63, v4  }
0xb7: {  	(v2sf) =	vpush v3, $0x0;
	v3 =	vmpcnt.ones.xlane vm1;
	_ =	sdelay $0x1  }
0xb8: {  	(v2sf) =	vpush v3, $0x0;
	_ =	sdelay $0xa  }
0xb9: {  	p0 =	sne.s32 s8, $0x1E0  }
.Ltmp2:
0xba: {  	v3 =	vor.u32 s8, v2;
	(pc) =	sbr.rel @p0 .LBB2_2-.Ltmp2, $4  }
0xbb: {  	s11 =	sadd.s32 $0x10, s8;
	[tilespmem:s12+$0x4200] =	vst.msk vm15, v3;
	s10 =	spop (v2sf)  }
0xbc: {  	v3 =	vor.u32 s11, v2;
	[tilespmem:s12+$0x4480] =	vst.msk vm15, v5;
	s10 =	sadd.s32 s12, s10  }
0xbd: {  	[tilespmem:s10+$0x4200] =	vst.msk vm1, v3;
	s26 =	spop (v2sf)  }
0xbe: {  	s6 =	sadd.s32 $0x20, s6;
	s8 =	sadd.s32 $0x20, s8;
	[tilespmem:s10+$0x4480] =	vst.msk vm1, v6;
	s12 =	sadd.s32 s10, s26  }
0xbf: {  	_ =	swait.ge [sflag:s29], $0x8000  }
0xc0: {  	[sflag:s29] =	ssyncset.done $0x0  }
0xc1: {  	[sflag:s29] =	ssyncadd.s32 $0xFFFF8000  }
0xc2: {  	_ =	swait.ge [sflag:s29], $0x8000  }
0xc3: {  	[sflag:s29] =	ssyncset.done $0x0  }
0xc4: {  	[sflag:s29] =	ssyncadd.s32 $0xFFFF8000  }
0xc5: {  	_ =	swait.ge [sflag:s29], $0x8000  }
0xc6: {  	[sflag:s29] =	ssyncset.done $0x0  }
0xc7: {  	[sflag:s29] =	ssyncadd.s32 $0xFFFF8000  }
0xc8: {  	_ =	swait.ge [sflag:s29], $0x8000  }
0xc9: {  	[sflag:s29] =	ssyncset.done $0x0  }
0xca: {  	[sflag:s29] =	ssyncadd.s32 $0xFFFF8000  }
0xcb: {  	_ =	swait.ge [sflag:s29], $0x8000  }
0xcc: {  	[sflag:s29] =	ssyncset.done $0x0  }
0xcd: {  	[sflag:s29] =	ssyncadd.s32 $0xFFFF8000  }
0xce: {  	_ =	swait.ge [sflag:s29], $0x8000  }
0xcf: {  	[sflag:s29] =	ssyncset.done $0x0  }
0xd0: {  	[sflag:s29] =	ssyncadd.s32 $0xFFFF8000  }
0xd1: {  	_ =	swait.ge [sflag:s29], $0x8000  }
0xd2: {  	[sflag:s29] =	ssyncset.done $0x0  }
0xd3: {  	[sflag:s29] =	ssyncadd.s32 $0xFFFF8000  }
0xd4: {  	_ =	swait.ge [sflag:s29], $0x8000  }
0xd5: {  	[sflag:s29] =	ssyncset.done $0x0  }
0xd6: {  	[sflag:s29] =	ssyncadd.s32 $0xFFFF8000  }
0xd7: {  	_ =	swait.ge [sflag:s29], $0x8000  }
0xd8: {  	[sflag:s29] =	ssyncset.done $0x0  }
0xd9: {  	[sflag:s29] =	ssyncadd.s32 $0xFFFF8000  }
0xda: {  	_ =	swait.ge [sflag:s29], $0x8000  }
0xdb: {  	[sflag:s29] =	ssyncset.done $0x0  }
0xdc: {  	[sflag:s29] =	ssyncadd.s32 $0xFFFF8000  }
0xdd: {  	_ =	swait.ge [sflag:s29], $0x8000  }
0xde: {  	[sflag:s29] =	ssyncset.done $0x0  }
0xdf: {  	[sflag:s29] =	ssyncadd.s32 $0xFFFF8000  }
0xe0: {  	_ =	swait.ge [sflag:s29], $0x8000  }
0xe1: {  	[sflag:s29] =	ssyncset.done $0x0  }
0xe2: {  	[sflag:s29] =	ssyncadd.s32 $0xFFFF8000  }
0xe3: {  	_ =	swait.ge [sflag:s29], $0x8000  }
0xe4: {  	[sflag:s29] =	ssyncset.done $0x0  }
0xe5: {  	[sflag:s29] =	ssyncadd.s32 $0xFFFF8000  }
0xe6: {  	_ =	swait.ge [sflag:s29], $0x8000  }
0xe7: {  	[sflag:s29] =	ssyncset.done $0x0  }
0xe8: {  	s6 =	sadd.s32 $0xF, s12;
	[sflag:s29] =	ssyncadd.s32 $0xFFFF8000  }
0xe9: {  	p0 =	slt.s32 s6, $0x10;
	_ =	swait.ge [sflag:s29], $0x8000  }
.Ltmp3:
0xea: {  	[sflag:s29] =	ssyncset.done $0x0;
	(pc) =	sbr.rel @p0 .LBB2_22-.Ltmp3, $4  }
0xeb: {  	[sflag:s29] =	ssyncadd.s32 $0xFFFF8000  }
0xec: {  	_ =	swait.ge [sflag:s29], $0x8000  }
0xed: {  	[sflag:s29] =	ssyncset.done $0x0  }
0xee: {  	[sflag:s29] =	ssyncadd.s32 $0xFFFF8000  }
.Ltmp4:
0xef: {  	(pc) =	sbr.rel .LBB2_5-.Ltmp4, $4  }
0xf0: {  	s8 =	sshra.s32 s6, $0x1F  }
0xf1: {  	s8 =	sshrl.u32 s8, $0x1C  }
0xf2: {  	s10 =	simm.s32 $0x4480;
	s11 =	simm.s32 $0x4200;
	s26 =	sadd.s32 s8, s6  }
0xf3: {  	s8 =	simm.s32 $0x0;
	s6 =	sshra.s32 s26, $0x4;
	s26 =	smov.u32 s12  }
.LBB2_20:
0xf4: {  	[sflag:s4] =	ssyncadd.s32 $0xFFFFFC00  }
.LBB2_21:
0xf5: {  	s8 =	sadd.s32 $0x1, s8  }
0xf6: {  	p0 =	sne.s32 s8, s6  }
.Ltmp5:
0xf7: {  	_ = 	snop;
	(pc) =	sbr.rel @!p0 .LBB2_22-.Ltmp5, $2  }
0xf8: {  	_ =	sdelay $0x2  }
0xf9: {  	s26 =	sadd.s32 $0xFFFFFFF0, s26;
	s10 =	sadd.s32 $0x10, s10;
	s11 =	sadd.s32 $0x10, s11  }
.LBB2_5:
0xfa: {  	s13 =	sshll.u32 s8, $0x4  }
0xfb: {  	p0 =	sgt.s32 s26, $0x1;
	s14 =	smov.u32 s26;
	s13 =	ssub.s32 s12, s13  }
0xfc: {  	s14 =	simm.s32 @!p0 $0x1;
	p0 =	slt.s32 s13, $0x1  }
.Ltmp6:
0xfd: {  	_ = 	snop;
	(pc) =	sbr.rel @p0 .LBB2_21-.Ltmp6, $2  }
0xfe: {  	_ =	sdelay $0x2  }
0xff: {  	s13 =	smin.u32 s14, $0x10;
	s14 =	simm.s32 $0xC700  }
0x100: {  	p1 =	sne.s32 s13, $0x1  }
.Ltmp7:
0x101: {  	_ = 	snop;
	(pc) =	sbr.rel @!p1 .LBB2_7-.Ltmp7, $2  }
0x102: {  	_ =	sdelay $0x2  }
0x103: {  	v3 =	vld [tilespmem:s10+$0x0];
	s15 =	sadd.s32 $0xFFFFFFFF, s13;
	p0 =	por $0x0, $0x0  }
0x104: {  	_ =	sdelay $0x3  }
0x105: {  	(v2sf) =	vpush v3, $0x0;
	_ =	sdelay $0xe  }
0x106: {  	s16 =	spop (v2sf)  }
0x107: {  	p1 =	sne.s32 s15, $0x1;
	s16 =	sshll.u32 s16, $0x7  }
.Ltmp8:
0x108: {  	s16 =	sand.u32 $0x1FFFFF80, s16;
	(pc) =	sbr.rel @!p1 .LBB2_9-.Ltmp8, $4  }
0x109: {  	s16 =	sadd.s32 s2, s16  }
0x10a: {  	[tilespmem:s14], [sflag:$0x4] =	stream.linear.gather [hbm4b:s16+s5], $0x400, $0x38;
	[tilespmem:$0x10700] =	vst v63  }
0x10b: {  	s16 =	sadd.s32 $0x1, s10  }
0x10c: {  	s17 =	sadd.s32 $0xFFFFFFFF, s15;
	p0 =	por $0x1, $0x1;
	s15 =	simm.s32 $0xC700;
	v3 =	vld [tilespmem:s16+$0x0]  }
.LBB2_10:
0x10d: {  	p1 =	sne.s32 s17, $0x1;
	_ =	sdelay $0x3  }
0x10e: {  	(v2sf) =	vpush v3, $0x0;
	_ =	sdelay $0xe  }
0x10f: {  	s18 =	spop (v2sf)  }
.Ltmp9:
0x110: {  	s18 =	sshll.u32 s18, $0x7;
	(pc) =	sbr.rel @p1 .LBB2_10-.Ltmp9, $4  }
0x111: {  	s18 =	sand.u32 $0x1FFFFF80, s18  }
0x112: {  	s16 =	sadd.s32 $0x1, s16;
	s15 =	sadd.s32 $0x400, s15;
	s18 =	sadd.s32 s2, s18  }
0x113: {  	[tilespmem:s15], [sflag:$0x4] =	stream.linear.gather [hbm4b:s18+s5], $0x400, $0x38;
	[tilespmem:$0x10700] =	vst v63  }
0x114: {  	s17 =	sadd.s32 $0xFFFFFFFF, s17;
	v3 =	vld [tilespmem:s16+$0x0]  }
.LBB2_11:
0x115: {  	_ =	sdelay $0x3  }
0x116: {  	(v2sf) =	vpush v3, $0x0;
	_ =	sdelay $0xe  }
0x117: {  	s16 =	spop (v2sf)  }
0x118: {  	s16 =	sshll.u32 s16, $0x7  }
0x119: {  	s15 =	sadd.s32 @p0 $0x400, s15;
	s16 =	sand.u32 $0x1FFFFF80, s16  }
0x11a: {  	s14 =	smov.u32 @p0 s15;
	s16 =	sadd.s32 s2, s16  }
0x11b: {  	[tilespmem:s14], [sflag:$0x4] =	stream.linear.gather [hbm4b:s16+s5], $0x400, $0x38;
	[tilespmem:$0x10700] =	vst v63  }
0x11c: {  	s14 =	smov.u32 s13  }
.LBB2_12:
0x11d: {  	p0 =	sne.s32 s14, $0x1  }
.Ltmp10:
0x11e: {  	_ = 	snop;
	(pc) =	sbr.rel @p0 .LBB2_12-.Ltmp10, $4  }
0x11f: {  	_ = 	snop  }
0x120: {  	_ =	swait.ge [sflag:s0], $0x400  }
0x121: {  	[sflag:s0] =	ssyncset.done $0x0  }
0x122: {  	s14 =	sadd.s32 $0xFFFFFFFF, s14;
	[sflag:s0] =	ssyncadd.s32 $0xFFFFFC00  }
0x123: {  	p0 =	sne.s32 s13, $0x1  }
.Ltmp11:
0x124: {  	_ = 	snop;
	(pc) =	sbr.rel @!p0 .LBB2_14-.Ltmp11, $2  }
0x125: {  	_ =	sdelay $0x2  }
0x126: {  	s14 =	simm.s32 $0xC700;
	v3 =	vld [tilespmem:s11+$0x0];
	s13 =	sadd.s32 $0xFFFFFFFF, s13;
	p1 =	por $0x0, $0x0  }
0x127: {  	_ =	sdelay $0x3  }
0x128: {  	(v2sf) =	vpush v3, $0x0;
	_ =	sdelay $0xe  }
0x129: {  	s15 =	spop (v2sf)  }
0x12a: {  	p2 =	sne.s32 s13, $0x1;
	s15 =	sshll.u32 s15, $0x7  }
.Ltmp12:
0x12b: {  	s15 =	sadd.s32 s7, s15;
	(pc) =	sbr.rel @!p2 .LBB2_16-.Ltmp12, $4  }
0x12c: {  	s15 =	sand.u32 $0x1FFFFF80, s15  }
0x12d: {  	s16 =	sadd.s32 $0x1, s11;
	s15 =	sadd.s32 s3, s15  }
0x12e: {  	[hbm4b:s15+s5] =	stream.linear.scatter [tilespmem:s14], [sflag:$0x5], $0x400, $0x38;
	[tilespmem:$0x10700] =	vst v63  }
0x12f: {  	s17 =	sadd.s32 $0xFFFFFFFF, s13;
	p1 =	por $0x1, $0x1;
	s15 =	simm.s32 $0xC700;
	v3 =	vld [tilespmem:s16+$0x0]  }
.LBB2_17:
0x130: {  	p2 =	sne.s32 s17, $0x1;
	_ =	sdelay $0x3  }
0x131: {  	(v2sf) =	vpush v3, $0x0;
	_ =	sdelay $0xe  }
0x132: {  	s18 =	spop (v2sf)  }
0x133: {  	s18 =	sshll.u32 s18, $0x7  }
.Ltmp13:
0x134: {  	s18 =	sadd.s32 s7, s18;
	(pc) =	sbr.rel @p2 .LBB2_17-.Ltmp13, $4  }
0x135: {  	s18 =	sand.u32 $0x1FFFFF80, s18  }
0x136: {  	s16 =	sadd.s32 $0x1, s16;
	s15 =	sadd.s32 $0x400, s15;
	s18 =	sadd.s32 s3, s18  }
0x137: {  	[hbm4b:s18+s5] =	stream.linear.scatter [tilespmem:s15], [sflag:$0x5], $0x400, $0x38;
	[tilespmem:$0x10700] =	vst v63  }
0x138: {  	s17 =	sadd.s32 $0xFFFFFFFF, s17;
	v3 =	vld [tilespmem:s16+$0x0]  }
.LBB2_18:
0x139: {  	_ =	sdelay $0x3  }
0x13a: {  	(v2sf) =	vpush v3, $0x0;
	_ =	sdelay $0xe  }
0x13b: {  	s16 =	spop (v2sf)  }
0x13c: {  	s16 =	sshll.u32 s16, $0x7  }
0x13d: {  	s16 =	sadd.s32 s7, s16  }
.Ltmp14:
0x13e: {  	s15 =	sadd.s32 @p1 $0x400, s15;
	s16 =	sand.u32 $0x1FFFFF80, s16;
	(pc) =	sbr.rel @!p0 .LBB2_20-.Ltmp14, $4  }
0x13f: {  	s14 =	smov.u32 @p1 s15;
	s16 =	sadd.s32 s3, s16  }
0x140: {  	[hbm4b:s16+s5] =	stream.linear.scatter [tilespmem:s14], [sflag:$0x5], $0x400, $0x38;
	[tilespmem:$0x10700] =	vst v63  }
0x141: {  	_ =	swait.ge [sflag:s4], $0x400  }
0x142: {  	[sflag:s4] =	ssyncset.done $0x0  }
.LBB2_19:
0x143: {  	p0 =	sne.s32 s13, $0x1;
	s13 =	sadd.s32 $0xFFFFFFFF, s13;
	[sflag:s4] =	ssyncadd.s32 $0xFFFFFC00  }
.Ltmp15:
0x144: {  	(pc) =	sbr.rel @p0 .LBB2_19-.Ltmp15, $3  }
0x145: {  	_ =	sdelay $0x1  }
0x146: {  	_ =	swait.ge [sflag:s4], $0x400  }
0x147: {  	[sflag:s4] =	ssyncset.done $0x0  }
.Ltmp16:
0x148: {  	_ = 	snop;
	(pc) =	sbr.rel .LBB2_20-.Ltmp16, $1  }
0x149: {  	_ =	sdelay $0x3  }
.LBB2_7:
.Ltmp17:
0x14a: {  	(pc) =	sbr.rel .LBB2_11-.Ltmp17, $2  }
0x14b: {  	_ =	sdelay $0x2  }
0x14c: {  	s15 =	simm.s32 $0xC700  }
.LBB2_14:
.Ltmp18:
0x14d: {  	(pc) =	sbr.rel .LBB2_18-.Ltmp18, $2  }
0x14e: {  	_ =	sdelay $0x2  }
0x14f: {  	s15 =	simm.s32 $0xC700  }
.LBB2_9:
.Ltmp19:
0x150: {  	(pc) =	sbr.rel .LBB2_11-.Ltmp19, $2  }
0x151: {  	_ =	sdelay $0x2  }
0x152: {  	s15 =	simm.s32 $0xC700  }
.LBB2_16:
.Ltmp20:
0x153: {  	(pc) =	sbr.rel .LBB2_18-.Ltmp20, $2  }
0x154: {  	_ =	sdelay $0x2  }
0x155: {  	s15 =	simm.s32 $0xC700  }
.LBB2_23:
0x156: {  	_ =	sfence.sel $0x180000  }
0x157: {  	[bflag:$0x0] =	sbarrier.arrive $0xFFFF  }
0x158: {  	_ =	strace $0x9000004A  }
0x159: {  	s0 =	stileid.u32;
	[bflag:$0x2] =	sbarrier.arrive $0xFFFF  }
0x15a: {  	p0 =	sne.s32 s0, $0x0;
	s0 =	rddreg [dreg:$0x5]  }
0x15b: {  	s0 =	sadd.s32 @!p0 $0x100000, s0  }
0x15c: {  	[sflag:s0] =	ssyncadd.tile.s32 @!p0 $0x1;
	_ =	shalt  }
.Lfunc_end2:
_tile_overlayer_lowered:
.L_overlay_start_2:
0x15d: {  	(tag) =	ssettag $0x2  }
0x15e: {  	s0 =	rddreg [dreg:$0x0];
	s2 =	stileid.u32  }
0x15f: {  	s1 =	rddreg [dreg:$0x1];
	p0 =	sne.s32 s2, $0x0  }
0x160: {  	s3 =	rddreg [dreg:$0x2];
	[bflag:$0x3] =	sbarrier.arrive $0xFFFF;
	s2 =	simm.s32 @!p0 $0x1C06  }
0x161: {  	[timem:s3], [sflag:s2] =	dma.local @!p0 [hbm:s0], s1  }
0x162: {  	s0 =	simm.s32 @!p0 $0x6  }
0x163: {  	_ =	swait.ge @!p0 [sflag:s0], s1  }
0x164: {  	s1 =	ssub.s32 @!p0 $0x0, s1;
	[sflag:s0] =	ssyncset.done @!p0 $0x0  }
0x165: {  	[sflag:s0] =	ssyncadd.s32 @!p0 s1  }
0x166: {  	[bflag:$0x3] =	sbarrier.arrive $0xFFFF  }
0x167: {  	_ =	shalt  }

// kernel: sc_small_state.3.cloned.1.call-start
scs
__scs_entry_jumppad:
0x0: {  	(pc) =	sbr.rel $0x88, $3  }
0x1: {  	(tag) =	ssettag $0x0;
	lr =	simm.s32 $0x1  }
0x2: {  	[smem:$0x3F98] =	sst lr;
	_ =	strace $0xD0000000  }
0x3: {  	_ = 	snop  }
0x4: {  	_ = 	snop  }
0x5: {  	_ = 	snop  }
0x6: {  	_ = 	snop  }
0x7: {  	_ = 	snop  }
__scs_overlays_trampoline_lowered:
0x8: {  	[smem:$0x3FA7] =	sst s0  }
0x9: {  	[smem:$0x3FA8] =	sst s1  }
0xa: {  	[smem:$0x3FA9] =	sst s2  }
0xb: {  	[smem:$0x3FAA] =	sst s3  }
0xc: {  	[smem:$0x3FAB] =	sst s4  }
0xd: {  	[smem:$0x3FAC] =	sst s5  }
0xe: {  	[smem:$0x3FAD] =	sst s6  }
0xf: {  	[smem:$0x3FAE] =	sst s7  }
0x10: {  	[smem:$0x3FAF] =	sst s8  }
0x11: {  	[smem:$0x3FB0] =	sst s9;
	s0 =	simm.s32 @!p0 $0x0  }
0x12: {  	s1 =	sld [smem:$0x3F96];
	s0 =	simm.s32 @p0 $0x1  }
0x13: {  	[smem:$0x3FB1] =	sst s0;
	s0 =	simm.s32 @!p1 $0x0  }
0x14: {  	s2 =	sld [smem:$0x3F95];
	s0 =	simm.s32 @p1 $0x1  }
0x15: {  	[smem:$0x3FB2] =	sst s0;
	s0 =	simm.s32 @!p2 $0x0  }
0x16: {  	s3 =	sld [smem:$0x3FDB];
	s0 =	simm.s32 @p2 $0x1  }
0x17: {  	s4 =	simm.s32 $0x1BF5;
	[smem:$0x3FB4] =	sst s0  }
0x18: {  	s0 =	sld [smem:$0x3F97];
	_ =	swait.ge [sflag:s4], $0x0  }
0x19: {  	s7 =	sld [smem:$0x3F98]  }
0x1a: {  	s8 =	sadd.s32 $0xFFFFE003, lr  }
0x1b: {  	s9 =	sadd.s32 $0xFFFFFEF7, lr;
	s5 =	simm.s32 $0xFFFFFFFF;
	p2 =	slt.u32 s8, $0xFFFFF086  }
0x1c: {  	p1 =	slt.u32 s9, $0xF7A;
	s5 =	simm.s32 @!p2 $0x0  }
0x1d: {  	s5 =	simm.s32 @p1 $0x1;
	p0 =	seq.s32 s7, s2  }
0x1e: {  	s7 =	smul.u32 @!p0 $0xF7A, s2;
	p2 =	seq.s32 @!p0 s5, $0x0  }
0x1f: {  	s9 =	smul.u32 $0xF7A, s1;
	s8 =	simm.s32 @!p0 $0x1BF5;
	p2 =	por !p2, p0  }
0x20: {  	[sflag:s8] =	ssyncset.s32 @!p0 $0xFFFFF086;
	s6 =	sadd.s32 @!p0 s3, s7;
	s7 =	simm.s32 @!p0 $0x108  }
0x21: {  	s3 =	sadd.s32 s3, s9;
	s6 =	sadd.s32 @!p0 $0x88, s6;
	s7 =	simm.s32 @p2 $0x1082  }
0x22: {  	[simem:s7], [sflag:s8] =	dma.local @!p0 [hbm:s6], $0xF7A  }
0x23: {  	s9 =	sor.u32 $0xD0000000, s2;
	s6 =	simm.s32 $0x108;
	_ =	swait.ge @!p0 [sflag:s8], $0x0  }
0x24: {  	s3 =	sadd.s32 $0x88, s3;
	s6 =	simm.s32 @!p1 $0x1082;
	[sflag:s4] =	ssyncset.s32 $0xFFFFF086  }
0x25: {  	[simem:s6], [sflag:s4] =	dma.local [hbm:s3], $0xF7A  }
0x26: {  	[smem:$0x3F98] =	sst s1;
	(tag) =	ssettag s2;
	_ =	strace s9  }
0x27: {  	s1 =	sld [smem:$0x3FA8]  }
0x28: {  	s2 =	sld [smem:$0x3FA9]  }
0x29: {  	s4 =	sld [smem:$0x3FAB]  }
0x2a: {  	p0 =	seq.s32 s5, $0x0;
	s5 =	sld [smem:$0x3FAC]  }
0x2b: {  	s6 =	sld [smem:$0x3FAD]  }
0x2c: {  	s7 =	sld [smem:$0x3FAE]  }
0x2d: {  	s3 =	simm.s32 $0x108;
	s8 =	sld [smem:$0x3FAF]  }
0x2e: {  	s3 =	simm.s32 @!p0 $0x1082;
	s9 =	sld [smem:$0x3FB0]  }
0x2f: {  	lr =	sadd.s32 s0, s3;
	s0 =	sld [smem:$0x3FA7]  }
0x30: {  	s3 =	sld [smem:$0x3FAA]  }
0x31: {  	[smem:$0x3FB3] =	sst s10  }
0x32: {  	s10 =	sld [smem:$0x3FB1];
	_ =	sdelay $0x3  }
0x33: {  	p0 =	seq.s32 s10, $0x1;
	s10 =	sld [smem:$0x3FB3];
	_ =	sdelay $0x3  }
0x34: {  	[smem:$0x3FB3] =	sst s10  }
0x35: {  	s10 =	sld [smem:$0x3FB2];
	_ =	sdelay $0x3  }
0x36: {  	p1 =	seq.s32 s10, $0x1;
	s10 =	sld [smem:$0x3FB3];
	_ =	sdelay $0x3  }
0x37: {  	[smem:$0x3FB3] =	sst s10  }
0x38: {  	s10 =	sld [smem:$0x3FB4]  }
0x39: {  	_ = 	snop;
	(pc) =	sbr.ind lr, $3  }
0x3a: {  	_ = 	snop  }
0x3b: {  	_ = 	snop  }
0x3c: {  	p2 =	seq.s32 s10, $0x1;
	s10 =	sld [smem:$0x3FB3]  }
0x3d: {  	_ =	shalt  }
0x3e: {  	_ =	shalt  }
0x3f: {  	_ =	shalt  }
0x40: {  	_ =	shalt  }
0x41: {  	_ =	shalt  }
0x42: {  	_ =	shalt  }
0x43: {  	_ =	shalt  }
0x44: {  	_ =	shalt  }
0x45: {  	_ =	shalt  }
0x46: {  	_ =	shalt  }
0x47: {  	_ =	shalt  }
0x48: {  	_ =	shalt  }
0x49: {  	_ =	shalt  }
0x4a: {  	_ =	shalt  }
0x4b: {  	_ =	shalt  }
0x4c: {  	_ =	shalt  }
0x4d: {  	_ =	shalt  }
0x4e: {  	_ =	shalt  }
0x4f: {  	_ =	shalt  }
0x50: {  	_ =	shalt  }
0x51: {  	_ =	shalt  }
0x52: {  	_ =	shalt  }
0x53: {  	_ =	shalt  }
0x54: {  	_ =	shalt  }
0x55: {  	_ =	shalt  }
0x56: {  	_ =	shalt  }
0x57: {  	_ =	shalt  }
0x58: {  	_ =	shalt  }
0x59: {  	_ =	shalt  }
0x5a: {  	_ =	shalt  }
0x5b: {  	_ =	shalt  }
0x5c: {  	_ =	shalt  }
0x5d: {  	_ =	shalt  }
0x5e: {  	_ =	shalt  }
0x5f: {  	_ =	shalt  }
0x60: {  	_ =	shalt  }
0x61: {  	_ =	shalt  }
0x62: {  	_ =	shalt  }
0x63: {  	_ =	shalt  }
0x64: {  	_ =	shalt  }
0x65: {  	_ =	shalt  }
0x66: {  	_ =	shalt  }
0x67: {  	_ =	shalt  }
0x68: {  	_ =	shalt  }
0x69: {  	_ =	shalt  }
0x6a: {  	_ =	shalt  }
0x6b: {  	_ =	shalt  }
0x6c: {  	_ =	shalt  }
0x6d: {  	_ =	shalt  }
0x6e: {  	_ =	shalt  }
0x6f: {  	_ =	shalt  }
0x70: {  	_ =	shalt  }
0x71: {  	_ =	shalt  }
0x72: {  	_ =	shalt  }
0x73: {  	_ =	shalt  }
0x74: {  	_ =	shalt  }
0x75: {  	_ =	shalt  }
0x76: {  	_ =	shalt  }
0x77: {  	_ =	shalt  }
0x78: {  	_ =	shalt  }
0x79: {  	_ =	shalt  }
0x7a: {  	_ =	shalt  }
0x7b: {  	_ =	shalt  }
0x7c: {  	_ =	shalt  }
0x7d: {  	_ =	shalt  }
0x7e: {  	_ =	shalt  }
0x7f: {  	_ =	shalt  }
0x80: {  	_ =	shalt  }
0x81: {  	_ =	shalt  }
0x82: {  	_ =	shalt  }
0x83: {  	_ =	shalt  }
0x84: {  	_ =	shalt  }
0x85: {  	_ =	shalt  }
0x86: {  	_ =	shalt  }
0x87: {  	_ =	shalt  }
.Lfunc_end0:
.L_simem_size_0:
called_computation_lowered:
.L_overlay_start_0:
0x88: {  	s2 =	sld [smem:$0x3FD9]  }
0x89: {  	s3 =	sld [smem:$0x3FFE];
	_ =	sdelay $0x1  }
0x8a: {  	s1 =	srdreg.scid  }
0x8b: {  	s0 =	sand.u32 $0x1, s1  }
0x8c: {  	s14 =	sshll.u32 s0, $0xA;
	s2 =	sadd.s32 s3, s2  }
0x8d: {  	s2 =	sadd.s32 s2, s14  }
0x8e: {  	[smem:$0x3FBF] =	sst s2  }
0x8f: {  	_ = 	snop  }
0x90: {  	s2 =	sld [smem:$0x3FD0];
	_ =	sdelay $0x1  }
0x91: {  	s15 =	sld [smem:$0x3FC9]  }
0x92: {  	s5 =	simm.s32 $0xB;
	s6 =	simm.s32 $0x10;
	s4 =	sld [smem:$0x3FC8]  }
0x93: {  	[smem:s6], [sflag:s5] =	dma.local [hbm:s2], $0x1  }
0x94: {  	_ =	swait.eq [sflag:s5], $0x1  }
0x95: {  	s16 =	sld [smem:$0x11]  }
0x96: {  	s17 =	sld [smem:$0x12];
	[sflag:s5] =	ssyncset.done $0x0  }
0x97: {  	s7 =	sld [smem:$0x13];
	[sflag:s5] =	ssyncadd.s32 $0xFFFFFFFF  }
0x98: {  	s18 =	sld [smem:$0x14];
	(tm) =	ssettm $0x1  }
0x99: {  	s8 =	sld [smem:$0x3FFB];
	_ =	sdelay $0x3  }
0x9a: {  	_ =	strace s8  }
0x9b: {  	s8 =	sld [smem:$0x3FFC];
	_ =	sdelay $0x3  }
0x9c: {  	_ =	strace s8  }
0x9d: {  	s8 =	sld [smem:$0x3FFD];
	_ =	sdelay $0x3  }
0x9e: {  	_ =	strace s8  }
0x9f: {  	_ =	strace $0x8FFFFFFF  }
0xa0: {  	s19 =	sld [smem:$0x3FDB];
	_ =	sdelay $0x1  }
0xa1: {  	s9 =	simm.s32 $_scs_section_size  }
0xa2: {  	s10 =	simm.s32 $_size__tile_overlayer_lowered;
	s11 =	simm.s32 $_tile_overlayer_lowered  }
0xa3: {  	s22 =	simm.s32 $0x1BFF;
	s21 =	sshll.u32 s11, $0x1;
	s8 =	sadd.s32 s9, s19  }
0xa4: {  	s12 =	simm.s32 $0x0;
	s20 =	sshll.u32 s10, $0x1;
	s10 =	sadd.s32 s21, s8  }
0xa5: {  	[timem:s12], [sflag:s22] =	dma.local [hbm:s10], s20  }
0xa6: {  	_ =	swait.ge [sflag:s22], s20  }
0xa7: {  	s9 =	ssub.s32 $0x0, s20;
	[sflag:s22] =	ssyncset.done $0x0  }
0xa8: {  	[sflag:s22] =	ssyncadd.s32 s9;
	_ =	sdelay $0x1  }
0xa9: {  	s23 =	simm.s32 $0x1B8B  }
0xaa: {  	_ =	swait.ge [sflag:s23], $0x1  }
0xab: {  	[sflag:s23] =	ssyncset.done $0x0  }
0xac: {  	s25 =	simm.s32 $0x1B8E;
	s24 =	sld [smem:$0x3FFE];
	[sflag:s23] =	ssyncadd.s32 $0xFFFFFFFF  }
0xad: {  	s26 =	simm.s32 $execute0_lowered;
	[smem:$0x3FD2] =	sst s25  }
0xae: {  	s10 =	sshll.u32 s26, $0x1;
	_ =	strace $0x80000046;
	[dreg:$0x1] =	wrdreg $0xFFFFFFFF  }
0xaf: {  	s28 =	simm.s32 $_size_execute0_lowered;
	s8 =	sadd.s32 s8, s10;
	[dreg:$0x0] =	wrdreg $0x0  }
0xb0: {  	s10 =	sshll.u32 s28, $0x1;
	[dreg:$0x2] =	wrdreg s8  }
0xb1: {  	[dreg:$0x3] =	wrdreg s10  }
0xb2: {  	[dreg:$0x4] =	wrdreg $0xC0  }
0xb3: {  	_ =	task [dreg:s12], $0x5FFFF  }
0xb4: {  	[dreg:$0x1] =	wrdreg $0xFFFFFFFF  }
0xb5: {  	[dreg:$0x0] =	wrdreg $0x60  }
0xb6: {  	[dreg:$0x2] =	wrdreg s15  }
0xb7: {  	[dreg:$0x3] =	wrdreg s4  }
0xb8: {  	[dreg:$0x4] =	wrdreg s24  }
0xb9: {  	[dreg:$0x5] =	wrdreg s16  }
0xba: {  	[dreg:$0x6] =	wrdreg s17  }
0xbb: {  	[dreg:$0x7] =	wrdreg s7  }
0xbc: {  	[dreg:$0x8] =	wrdreg s18  }
0xbd: {  	[dreg:$0x9] =	wrdreg $0x9  }
0xbe: {  	_ =	task.clear_ibuf [dreg:s12], $0xAFFFF;
	_ =	strace $0x90000046  }
0xbf: {  	s29 =	simm.s32 $0x9;
	_ =	strace $0x80000048  }
0xc0: {  	_ =	swait.ge [sflag:s29], $0x1  }
0xc1: {  	[sflag:s29] =	ssyncadd.s32 $0xFFFFFFFF  }
0xc2: {  	_ =	strace $0x90000048  }
0xc3: {  	_ =	sfence  }
0xc4: {  	s30 =	sld [smem:$0x0];
	_ =	sdelay $0x2  }
0xc5: {  	s31 =	sshll.u32 s1, $0xD;
	s1 =	sshrl.u32 s1, $0x2  }
0xc6: {  	s3 =	sand.u32 $0x4000, s31;
	s1 =	sadd.s32 s1, s30  }
0xc7: {  	s0 =	sor.u32 s3, s0;
	s1 =	sshll.u32 s1, $0x11  }
0xc8: {  	s0 =	sor.u32 s1, s0  }
0xc9: {  	s0 =	sadd.s32 $0x8F2B, s0  }
0xca: {  	[sflag:s0] =	ssyncadd.remote.s32 $0x1  }
0xcb: {  	_ =	sfence.sel $0xFFFF  }
0xcc: {  	[dreg:$0x0] =	wrdreg $0xFFFFFFFF;
	(pc) =	sbr.abs _section_cstart, $3  }
0xcd: {  	[dreg:$0x1] =	wrdreg $0xFFFFFFFF  }
0xce: {  	_ =	task.clear_ibuf [dreg:s12], $0x2FFFF;
	_ =	strace $0x9FFFFFFF  }
0xcf: {  	(tm) =	ssettm $0x7FFFFFFF  }
tec
execute0_lowered:
.L_overlay_start_1:
0x0: {  	(tag) =	ssettag $0x1  }
0x1: {  	s0 =	rddreg [dreg:$0x1]  }
0x2: {  	s1 =	rddreg [dreg:$0x2]  }
0x3: {  	s2 =	rddreg [dreg:$0x3]  }
0x4: {  	s5 =	rddreg [dreg:$0x4]  }
0x5: {  	s6 =	rddreg [dreg:$0x5]  }
0x6: {  	s11 =	rddreg [dreg:$0x6];
	s3 =	simm.s32 $0x0  }
0x7: {  	s4 =	srdreg.scid;
	s8 =	stileid.u32;
	s14 =	simm.s32 $0x4700  }
0x8: {  	s15 =	simm.s32 $0x1;
	s16 =	simm.s32 $0x2;
	s17 =	simm.s32 $0x3  }
0x9: {  	s18 =	simm.s32 $0x5;
	s19 =	simm.s32 $0x15100;
	s20 =	simm.s32 $0x14700  }
0xa: {  	s21 =	simm.s32 $0x14900;
	s22 =	simm.s32 $0x14B00;
	s23 =	simm.s32 $0x14F00  }
0xb: {  	s24 =	simm.s32 $0x4;
	s25 =	simm.s32 $0x0;
	[smem:$0x7FF] =	sst s3  }
0xc: {  	s7 =	sand.u32 $0x1, s4;
	s8 =	sshll.u32 s8, $0x1;
	s4 =	sadd.s32 $0x1000, s1  }
0xd: {  	v0 =	vimm.s32 $0x76543210;
	v1 =	vimm.f32 $1.000000000e+02;
	_ =	strace $0x80000047;
	s8 =	sor.u32 s7, s8;
	s7 =	ssub.s32 $0x2, s7  }
0xe: {  	v2 =	vimm.f32 $1.000000000e+01;
	v3 =	vimm.s32 $0x1FFF;
	vm3 =	vcmask $0x1B18;
	s9 =	sshll.u32 s8, $0xD;
	s10 =	sshrl.u32 s7, $0x1;
	s12 =	sshll.u32 s8, $0x6  }
.Ltmp0:
0xf: {  	v4 =	vimm.s32 $0x0;
	vm0 =	vcmask $0x1F00;
	v5 =	vunpack.c.l.s4.s8 v0;
	s31 =	sshll.u32 s8, $0x7;
	s1 =	sadd.s32 s9, s1;
	(pc) =	sbr.rel .LBB2_1-.Ltmp0, $4  }
0x10: {  	vm1 =	vcmask $0x300;
	v8 =	vimm.s32 $0x1;
	vm2 =	vcmask $0x1300;
	s13 =	ssub.s32 s7, s10;
	s0 =	sadd.s32 s0, s12;
	s8 =	sadd.s32 s2, s12  }
0x11: {  	v0 =	vimm.f32 $0.0e+00;
	v7 =	vsel vm1, $0x0, v8;
	v6 =	vunpack.c.0.s8.s32 v5;
	s9 =	sadd.s32 s5, s12;
	[dreg:$0x8] =	wrdreg s0;
	s29 =	sadd.s32 $0x41000, s1  }
0x12: {  	vm1 =	vcmask $0xF0C;
	v8 =	vsel vm2, $0x0, v8;
	vm2 =	vcmask $0x1710;
	s10 =	sadd.s32 s6, s31;
	s30 =	sadd.s32 $0x81000, s1;
	[dreg:$0x9] =	wrdreg s29  }
0x13: {  	v5 =	vlaneseq.u32;
	s11 =	sadd.s32 s11, s12;
	s12 =	smax.u32 s13, $0x1;
	v6 =	vnsel vm0, $0x7, v6;
	vm0 =	vcmask $0xB08;
	[dreg:$0xa] =	wrdreg s30  }
.LBB2_19:
0x14: {  	s0 =	rddreg [dreg:$0xa]  }
0x15: {  	[hbm4b:s0+s3] =	stream.linear.scatter [tilespmem:s14], [sflag:$0x4], $0x10000, $0x38;
	[tilespmem:$0x15900] =	vst v63  }
0x16: {  	_ = 	snop  }
0x17: {  	[hbm4b:s8+s3] =	stream.linear.scatter [tilespmem:s20], [sflag:$0x4], $0x200, $0x38;
	[tilespmem:$0x15900] =	vst v63  }
0x18: {  	_ = 	snop  }
0x19: {  	[hbm4b:s9+s3] =	stream.linear.scatter [tilespmem:s21], [sflag:$0x4], $0x200, $0x38;
	[tilespmem:$0x15900] =	vst v63  }
0x1a: {  	_ = 	snop  }
0x1b: {  	[hbm4b:s10+s3] =	stream.linear.scatter [tilespmem:s22], [sflag:$0x4], $0x400, $0x38;
	[tilespmem:$0x15900] =	vst v63  }
0x1c: {  	_ = 	snop  }
0x1d: {  	[hbm4b:s11+s3] =	stream.linear.scatter [tilespmem:s23], [sflag:$0x4], $0x200, $0x38;
	[tilespmem:$0x15900] =	vst v63  }
0x1e: {  	_ =	swait.ge [sflag:s24], $0x10000  }
0x1f: {  	[sflag:s24] =	ssyncset.done $0x0  }
0x20: {  	[sflag:s24] =	ssyncadd.s32 $0xFFFF0000  }
0x21: {  	_ =	swait.ge [sflag:s24], $0x200  }
0x22: {  	[sflag:s24] =	ssyncset.done $0x0  }
0x23: {  	[sflag:s24] =	ssyncadd.s32 $0xFFFFFE00  }
0x24: {  	_ =	swait.ge [sflag:s24], $0x200  }
0x25: {  	[sflag:s24] =	ssyncset.done $0x0  }
0x26: {  	s25 =	sadd.s32 $0x1, s25;
	[sflag:s24] =	ssyncadd.s32 $0xFFFFFE00  }
0x27: {  	p0 =	sne.s32 s25, s12;
	_ =	swait.ge [sflag:s24], $0x400  }
.Ltmp1:
0x28: {  	[sflag:s24] =	ssyncset.done $0x0;
	(pc) =	sbr.rel @!p0 .LBB2_20-.Ltmp1, $4  }
0x29: {  	[sflag:s24] =	ssyncadd.s32 $0xFFFFFC00  }
0x2a: {  	_ =	swait.ge [sflag:s24], $0x200  }
0x2b: {  	[sflag:s24] =	ssyncset.done $0x0  }
0x2c: {  	[sflag:s24] =	ssyncadd.s32 $0xFFFFFE00  }
.LBB2_1:
0x2d: {  	s0 =	rddreg [dreg:$0x0]  }
0x2e: {  	[tilespmem:s3], [sflag:$0x1] =	stream.linear.gather [hbm4b:s0+s3], $0x4000, $0x38;
	[tilespmem:$0x15900] =	vst v63  }
0x2f: {  	s29 =	rddreg [dreg:$0x8];
	s1 =	simm.s32 $0x4000  }
0x30: {  	[tilespmem:s1], [sflag:$0x2] =	stream.linear.gather [hbm4b:s29+s3], $0x200, $0x38;
	[tilespmem:$0x15900] =	vst v63  }
0x31: {  	s30 =	rddreg [dreg:$0x9];
	s31 =	simm.s32 $0x0  }
0x32: {  	[tilespmem:s14], [sflag:$0x3] =	stream.linear.gather [hbm4b:s30+s3], $0x10000, $0x38;
	[tilespmem:$0x15900] =	vst v63  }
0x33: {  	[tilespmem:s31+$0x14900] =	vst v1  }
0x34: {  	[tilespmem:s31+$0x14700] =	vst v0  }
0x35: {  	s0 =	simm.s32 $0x14B10;
	[tilespmem:s31+$0x14F00] =	vst v2  }
0x36: {  	s1 =	simm.s32 $0x40;
	[tilespmem:s0+$0x0] =	vst v0  }
.LBB2_2:
0x37: {  	s2 =	sshra.s32 s1, $0x2;
	[tilespmem:s0+$0xFFFFFFF0] =	vst v0;
	p0 =	sne.s32 s1, $0x7C0  }
.Ltmp2:
0x38: {  	[tilespmem:s2+$0x14900] =	vst v1;
	(pc) =	sbr.rel @p0 .LBB2_2-.Ltmp2, $4  }
0x39: {  	_ = 	snop  }
0x3a: {  	[tilespmem:s2+$0x14700] =	vst v0  }
0x3b: {  	s1 =	sadd.s32 $0x40, s1;
	s0 =	sadd.s32 $0x20, s0;
	[tilespmem:s2+$0x14F00] =	vst v2  }
0x3c: {  	[tilespmem:s0+$0x0] =	vst v0  }
0x3d: {  	[tilespmem:s0+$0xFFFFFFF0] =	vst v0  }
0x3e: {  	_ =	swait.ge [sflag:s15], $0x4000  }
0x3f: {  	[sflag:s15] =	ssyncset.done $0x0  }
0x40: {  	[sflag:s15] =	ssyncadd.s32 $0xFFFFC000  }
0x41: {  	_ =	swait.ge [sflag:s16], $0x200  }
0x42: {  	s1 =	simm.s32 $0x0;
	[sflag:s16] =	ssyncset.done $0x0  }
0x43: {  	s26 =	simm.s32 $0x4010;
	s28 =	simm.s32 $0x0;
	[sflag:s16] =	ssyncadd.s32 $0xFFFFFE00  }
.LBB2_4:
0x44: {  	v9 =	vld [tilespmem:s26+$0xFFFFFFF0]  }
0x45: {  	v11 =	vld.idx.msk [tilespmem:v3+s3+$0x0], $0xffff;
	_ =	sdelay $0x1  }
0x46: {  	v10 =	vld [tilespmem:s26+$0x0];
	_ =	sdelay $0x2  }
0x47: {  	vm4 =	vlt.s32 v11, v9  }
0x48: {  	v12 =	vsel vm4, $0x2000, v4  }
0x49: {  	vm4 =	vlt.s32 v11, v10;
	v11 =	vor.u32 $0xFFF, v12  }
0x4a: {  	v13 =	vsel vm4, $0x2000, v4  }
0x4b: {  	v14 =	vor.u32 $0xFFF, v13;
	_ =	sdelay $0x2  }
0x4c: {  	v11 =	vld.idx.msk [tilespmem:v11+s3+$0x0], $0xffff;
	_ =	sdelay $0x1  }
0x4d: {  	v14 =	vld.idx.msk [tilespmem:v14+s3+$0x0], $0xffff;
	_ =	sdelay $0x2  }
0x4e: {  	vm4 =	vlt.s32 v11, v9;
	v11 =	vor.u32 $0x1000, v12  }
0x4f: {  	v11 =	vsel vm4, v11, v12  }
0x50: {  	v32 =	vor.u32 $0x1000, v13;
	vm4 =	vlt.s32 v14, v10;
	v33 =	vor.u32 $0x7FF, v11  }
0x51: {  	v12 =	vsel vm4, v32, v13  }
0x52: {  	v13 =	vor.u32 $0x7FF, v12;
	_ =	sdelay $0x2  }
0x53: {  	v14 =	vld.idx.msk [tilespmem:v33+s3+$0x0], $0xffff;
	_ =	sdelay $0x1  }
0x54: {  	v13 =	vld.idx.msk [tilespmem:v13+s3+$0x0], $0xffff;
	_ =	sdelay $0x2  }
0x55: {  	v34 =	vor.u32 $0x800, v11;
	vm4 =	vlt.s32 v14, v9  }
0x56: {  	v11 =	vsel vm4, v34, v11  }
0x57: {  	v35 =	vor.u32 $0x800, v12;
	vm4 =	vlt.s32 v13, v10;
	v14 =	vor.u32 $0x3FF, v11  }
0x58: {  	v12 =	vsel vm4, v35, v12  }
0x59: {  	v13 =	vor.u32 $0x3FF, v12;
	_ =	sdelay $0x2  }
0x5a: {  	v14 =	vld.idx.msk [tilespmem:v14+s3+$0x0], $0xffff;
	_ =	sdelay $0x1  }
0x5b: {  	v13 =	vld.idx.msk [tilespmem:v13+s3+$0x0], $0xffff;
	_ =	sdelay $0x2  }
0x5c: {  	v36 =	vor.u32 $0x400, v11;
	vm4 =	vlt.s32 v14, v9  }
0x5d: {  	v11 =	vsel vm4, v36, v11  }
0x5e: {  	v37 =	vor.u32 $0x400, v12;
	vm4 =	vlt.s32 v13, v10;
	v14 =	vadd.s32 $0x1FF, v11  }
0x5f: {  	v12 =	vsel vm4, v37, v12  }
0x60: {  	v13 =	vadd.s32 $0x1FF, v12;
	_ =	sdelay $0x2  }
0x61: {  	v14 =	vld.idx.msk [tilespmem:v14+s3+$0x0], $0xffff;
	_ =	sdelay $0x1  }
0x62: {  	v13 =	vld.idx.msk [tilespmem:v13+s3+$0x0], $0xffff;
	_ =	sdelay $0x2  }
0x63: {  	v38 =	vadd.s32 $0x200, v11;
	vm4 =	vlt.s32 v14, v9  }
0x64: {  	v11 =	vsel vm4, v38, v11  }
0x65: {  	v39 =	vadd.s32 $0x200, v12;
	vm4 =	vlt.s32 v13, v10;
	v14 =	vadd.s32 $0xFF, v11  }
0x66: {  	v12 =	vsel vm4, v39, v12  }
0x67: {  	v13 =	vadd.s32 $0xFF, v12;
	_ =	sdelay $0x2  }
0x68: {  	v14 =	vld.idx.msk [tilespmem:v14+s3+$0x0], $0xffff;
	_ =	sdelay $0x1  }
0x69: {  	v13 =	vld.idx.msk [tilespmem:v13+s3+$0x0], $0xffff;
	_ =	sdelay $0x2  }
0x6a: {  	v40 =	vadd.s32 $0x100, v11;
	vm4 =	vlt.s32 v14, v9  }
0x6b: {  	v11 =	vsel vm4, v40, v11  }
0x6c: {  	v41 =	vadd.s32 $0x100, v12;
	vm4 =	vlt.s32 v13, v10;
	v14 =	vadd.s32 $0x7F, v11  }
0x6d: {  	v12 =	vsel vm4, v41, v12  }
0x6e: {  	v13 =	vadd.s32 $0x7F, v12;
	_ =	sdelay $0x2  }
0x6f: {  	v14 =	vld.idx.msk [tilespmem:v14+s3+$0x0], $0xffff;
	_ =	sdelay $0x1  }
0x70: {  	v13 =	vld.idx.msk [tilespmem:v13+s3+$0x0], $0xffff;
	_ =	sdelay $0x2  }
0x71: {  	v42 =	vadd.s32 $0x80, v11;
	vm4 =	vlt.s32 v14, v9  }
0x72: {  	v11 =	vsel vm4, v42, v11  }
0x73: {  	v43 =	vadd.s32 $0x80, v12;
	vm4 =	vlt.s32 v13, v10;
	v14 =	vadd.s32 $0x3F, v11  }
0x74: {  	v12 =	vsel vm4, v43, v12  }
0x75: {  	v13 =	vadd.s32 $0x3F, v12;
	_ =	sdelay $0x2  }
0x76: {  	v14 =	vld.idx.msk [tilespmem:v14+s3+$0x0], $0xffff;
	_ =	sdelay $0x1  }
0x77: {  	v13 =	vld.idx.msk [tilespmem:v13+s3+$0x0], $0xffff;
	_ =	sdelay $0x2  }
0x78: {  	v44 =	vadd.s32 $0x40, v11;
	vm4 =	vlt.s32 v14, v9  }
0x79: {  	v11 =	vsel vm4, v44, v11  }
0x7a: {  	v45 =	vadd.s32 $0x40, v12;
	vm4 =	vlt.s32 v13, v10;
	v14 =	vadd.s32 $0x1F, v11  }
0x7b: {  	v12 =	vsel vm4, v45, v12  }
0x7c: {  	v13 =	vadd.s32 $0x1F, v12;
	_ =	sdelay $0x2  }
0x7d: {  	v14 =	vld.idx.msk [tilespmem:v14+s3+$0x0], $0xffff;
	_ =	sdelay $0x1  }
0x7e: {  	v13 =	vld.idx.msk [tilespmem:v13+s3+$0x0], $0xffff;
	_ =	sdelay $0x2  }
0x7f: {  	v46 =	vadd.s32 $0x20, v11;
	vm4 =	vlt.s32 v14, v9  }
0x80: {  	v11 =	vsel vm4, v46, v11  }
0x81: {  	v47 =	vadd.s32 $0x20, v12;
	vm4 =	vlt.s32 v13, v10;
	v14 =	vadd.s32 $0xF, v11  }
0x82: {  	v12 =	vsel vm4, v47, v12  }
0x83: {  	v13 =	vadd.s32 $0xF, v12;
	_ =	sdelay $0x2  }
0x84: {  	v14 =	vld.idx.msk [tilespmem:v14+s3+$0x0], $0xffff;
	_ =	sdelay $0x1  }
0x85: {  	v13 =	vld.idx.msk [tilespmem:v13+s3+$0x0], $0xffff;
	_ =	sdelay $0x2  }
0x86: {  	v48 =	vadd.s32 $0x10, v11;
	vm4 =	vlt.s32 v14, v9  }
0x87: {  	v11 =	vsel vm4, v48, v11  }
0x88: {  	v49 =	vadd.s32 $0x10, v12;
	vm4 =	vlt.s32 v13, v10;
	v14 =	vadd.s32 $0x7, v11  }
0x89: {  	v12 =	vsel vm4, v49, v12  }
0x8a: {  	v13 =	vadd.s32 $0x7, v12;
	_ =	sdelay $0x2  }
0x8b: {  	v14 =	vld.idx.msk [tilespmem:v14+s3+$0x0], $0xffff;
	_ =	sdelay $0x1  }
0x8c: {  	v13 =	vld.idx.msk [tilespmem:v13+s3+$0x0], $0xffff;
	_ =	sdelay $0x2  }
0x8d: {  	v50 =	vadd.s32 $0x8, v11;
	vm4 =	vlt.s32 v14, v9  }
0x8e: {  	v11 =	vsel vm4, v50, v11  }
0x8f: {  	v51 =	vadd.s32 $0x8, v12;
	vm4 =	vlt.s32 v13, v10;
	v14 =	vadd.s32 $0x3, v11  }
0x90: {  	v12 =	vsel vm4, v51, v12  }
0x91: {  	v13 =	vadd.s32 $0x3, v12;
	_ =	sdelay $0x2  }
0x92: {  	v14 =	vld.idx.msk [tilespmem:v14+s3+$0x0], $0xffff;
	_ =	sdelay $0x1  }
0x93: {  	v13 =	vld.idx.msk [tilespmem:v13+s3+$0x0], $0xffff;
	_ =	sdelay $0x2  }
0x94: {  	v52 =	vadd.s32 $0x4, v11;
	vm4 =	vlt.s32 v14, v9  }
0x95: {  	v11 =	vsel vm4, v52, v11  }
0x96: {  	v53 =	vadd.s32 $0x4, v12;
	vm4 =	vlt.s32 v13, v10;
	v14 =	vadd.s32 $0x1, v11  }
0x97: {  	v12 =	vsel vm4, v53, v12  }
0x98: {  	v13 =	vadd.s32 $0x1, v12;
	_ =	sdelay $0x2  }
0x99: {  	v14 =	vld.idx.msk [tilespmem:v14+s3+$0x0], $0xffff;
	_ =	sdelay $0x1  }
0x9a: {  	v13 =	vld.idx.msk [tilespmem:v13+s3+$0x0], $0xffff;
	_ =	sdelay $0x2  }
0x9b: {  	v54 =	vadd.s32 $0x2, v11;
	vm4 =	vlt.s32 v14, v9  }
0x9c: {  	v11 =	vsel vm4, v54, v11  }
0x9d: {  	v55 =	vadd.s32 $0x2, v12;
	vm4 =	vlt.s32 v13, v10  }
0x9e: {  	v12 =	vsel vm4, v55, v12;
	_ =	sdelay $0x2  }
0x9f: {  	v56 =	vld.idx.msk [tilespmem:v11+s3+$0x0], $0xffff;
	_ =	sdelay $0x1  }
0xa0: {  	v57 =	vld.idx.msk [tilespmem:v12+s3+$0x0], $0xffff;
	_ =	sdelay $0x2  }
0xa1: {  	vm4 =	vlt.s32 v56, v9  }
0xa2: {  	v13 =	vsel vm4, $0x1, v4  }
0xa3: {  	vm4 =	vlt.s32 v57, v10;
	v11 =	vadd.s32 v13, v11  }
0xa4: {  	v58 =	vsel vm4, $0x1, v4  }
0xa5: {  	v12 =	vadd.s32 v58, v12;
	_ =	sdelay $0x2  }
0xa6: {  	v59 =	vld.idx.msk [tilespmem:v11+s3+$0x0], $0xffff;
	_ =	sdelay $0x1  }
0xa7: {  	v60 =	vld.idx.msk [tilespmem:v12+s3+$0x0], $0xffff;
	_ =	sdelay $0x2  }
0xa8: {  	vm4 =	vlt.s32 v59, v9  }
0xa9: {  	v13 =	vsel vm4, $0x1, v4  }
0xaa: {  	vm4 =	vlt.s32 v60, v10;
	v11 =	vadd.s32 v13, v11  }
0xab: {  	v61 =	vsel vm4, $0x1, v4;
	v11 =	vmin.u32 v11, $0x3FFF  }
0xac: {  	v12 =	vadd.s32 v61, v12  }
0xad: {  	v12 =	vmin.u32 v12, $0x3FFF;
	_ =	sdelay $0x2  }
0xae: {  	v62 =	vld.idx.msk [tilespmem:v11+s3+$0x0], $0xffff;
	_ =	sdelay $0x1  }
0xaf: {  	v63 =	vld.idx.msk [tilespmem:v12+s3+$0x0], $0xffff;
	_ =	sdelay $0x2  }
0xb0: {  	vm4 =	veq.s32 v62, v9  }
0xb1: {  	v9 =	vmpcnt.ones.xlane vm4  }
0xb2: {  	vm5 =	veq.s32 v63, v10  }
0xb3: {  	(v2sf) =	vpush v9, $0x0;
	v9 =	vmpcnt.ones.xlane vm5;
	_ =	sdelay $0x1  }
0xb4: {  	(v2sf) =	vpush v9, $0x0;
	_ =	sdelay $0xa  }
0xb5: {  	p0 =	sne.s32 s28, $0x1E0  }
.Ltmp3:
0xb6: {  	v9 =	vor.u32 s28, v5;
	(pc) =	sbr.rel @p0 .LBB2_4-.Ltmp3, $4  }
0xb7: {  	s2 =	sadd.s32 $0x10, s28;
	[tilespmem:s1+$0x4200] =	vst.msk vm4, v9;
	s0 =	spop (v2sf)  }
0xb8: {  	v9 =	vor.u32 s2, v5;
	[tilespmem:s1+$0x4480] =	vst.msk vm4, v11;
	s0 =	sadd.s32 s1, s0  }
0xb9: {  	[tilespmem:s0+$0x4200] =	vst.msk vm5, v9;
	s31 =	spop (v2sf)  }
0xba: {  	s26 =	sadd.s32 $0x20, s26;
	s28 =	sadd.s32 $0x20, s28;
	[tilespmem:s0+$0x4480] =	vst.msk vm5, v12;
	s1 =	sadd.s32 s0, s31  }
0xbb: {  	s0 =	sadd.s32 $0xF, s1  }
0xbc: {  	p0 =	slt.s32 s0, $0x10  }
.Ltmp4:
0xbd: {  	_ = 	snop;
	(pc) =	sbr.rel @p0 .LBB2_19-.Ltmp4, $4  }
0xbe: {  	_ = 	snop  }
0xbf: {  	_ =	swait.ge [sflag:s17], $0x10000  }
0xc0: {  	[sflag:s17] =	ssyncset.done $0x0  }
0xc1: {  	[sflag:s17] =	ssyncadd.s32 $0xFFFF0000  }
.Ltmp5:
0xc2: {  	(pc) =	sbr.rel .LBB2_7-.Ltmp5, $4  }
0xc3: {  	s2 =	sshra.s32 s0, $0x1F  }
0xc4: {  	s2 =	sshrl.u32 s2, $0x1C  }
0xc5: {  	s29 =	simm.s32 $0x0;
	s30 =	simm.s32 $0x4480;
	s31 =	sadd.s32 s2, s0  }
0xc6: {  	s13 =	simm.s32 $0x4200;
	s26 =	smov.u32 s1;
	s28 =	sshra.s32 s31, $0x4  }
.LBB2_17:
0xc7: {  	_ =	sdelay $0x4  }
0xc8: {  	[tilespmem:v9+s23+$0x0] =	vst.idx.msk vm3, v10  }
.LBB2_18:
0xc9: {  	s29 =	sadd.s32 $0x1, s29  }
0xca: {  	p0 =	sne.s32 s29, s28  }
.Ltmp6:
0xcb: {  	_ = 	snop;
	(pc) =	sbr.rel @!p0 .LBB2_19-.Ltmp6, $2  }
0xcc: {  	_ =	sdelay $0x2  }
0xcd: {  	s26 =	sadd.s32 $0xFFFFFFF0, s26;
	s30 =	sadd.s32 $0x10, s30;
	s13 =	sadd.s32 $0x10, s13  }
.LBB2_7:
0xce: {  	s0 =	sshll.u32 s29, $0x4  }
0xcf: {  	p0 =	sgt.s32 s26, $0x1;
	s2 =	smov.u32 s26;
	s0 =	ssub.s32 s1, s0  }
0xd0: {  	s2 =	simm.s32 @!p0 $0x1;
	p0 =	slt.s32 s0, $0x1  }
.Ltmp7:
0xd1: {  	_ = 	snop;
	(pc) =	sbr.rel @p0 .LBB2_18-.Ltmp7, $2  }
0xd2: {  	_ =	sdelay $0x2  }
0xd3: {  	s2 =	smin.u32 s2, $0x10;
	s0 =	simm.s32 $0x15100  }
0xd4: {  	p1 =	sne.s32 s2, $0x1  }
.Ltmp8:
0xd5: {  	_ = 	snop;
	(pc) =	sbr.rel @!p1 .LBB2_9-.Ltmp8, $2  }
0xd6: {  	_ =	sdelay $0x2  }
0xd7: {  	v9 =	vld [tilespmem:s30+$0x0];
	s6 =	sadd.s32 $0xFFFFFFFF, s2;
	p0 =	por $0x0, $0x0  }
0xd8: {  	_ =	sdelay $0x3  }
0xd9: {  	(v2sf) =	vpush v9, $0x0;
	_ =	sdelay $0xe  }
0xda: {  	s5 =	spop (v2sf)  }
0xdb: {  	p1 =	sne.s32 s6, $0x1;
	s5 =	sshll.u32 s5, $0x4  }
.Ltmp9:
0xdc: {  	s5 =	sand.u32 $0x1FFFFFF0, s5;
	(pc) =	sbr.rel @!p1 .LBB2_11-.Ltmp9, $4  }
0xdd: {  	s5 =	sadd.s32 s4, s5  }
0xde: {  	[tilespmem:s0], [sflag:$0x5] =	stream.linear.gather [hbm4b:s5+s3], $0x80, $0x38;
	[tilespmem:$0x15900] =	vst v63  }
0xdf: {  	s5 =	sadd.s32 $0x1, s30  }
0xe0: {  	s6 =	sadd.s32 $0xFFFFFFFF, s6;
	p0 =	por $0x1, $0x1;
	s31 =	simm.s32 $0x15100;
	v9 =	vld [tilespmem:s5+$0x0]  }
.LBB2_12:
0xe1: {  	p1 =	sne.s32 s6, $0x1;
	_ =	sdelay $0x3  }
0xe2: {  	(v2sf) =	vpush v9, $0x0;
	_ =	sdelay $0xe  }
0xe3: {  	s7 =	spop (v2sf)  }
.Ltmp10:
0xe4: {  	s7 =	sshll.u32 s7, $0x4;
	(pc) =	sbr.rel @p1 .LBB2_12-.Ltmp10, $4  }
0xe5: {  	s7 =	sand.u32 $0x1FFFFFF0, s7  }
0xe6: {  	s5 =	sadd.s32 $0x1, s5;
	s31 =	sadd.s32 $0x80, s31;
	s7 =	sadd.s32 s4, s7  }
0xe7: {  	[tilespmem:s31], [sflag:$0x5] =	stream.linear.gather [hbm4b:s7+s3], $0x80, $0x38;
	[tilespmem:$0x15900] =	vst v63  }
0xe8: {  	s6 =	sadd.s32 $0xFFFFFFFF, s6;
	v9 =	vld [tilespmem:s5+$0x0]  }
.LBB2_13:
0xe9: {  	_ =	sdelay $0x3  }
0xea: {  	(v2sf) =	vpush v9, $0x0;
	_ =	sdelay $0xe  }
0xeb: {  	s5 =	spop (v2sf)  }
0xec: {  	s5 =	sshll.u32 s5, $0x4  }
0xed: {  	s6 =	sadd.s32 @p0 $0x80, s31;
	s5 =	sand.u32 $0x1FFFFFF0, s5  }
0xee: {  	s0 =	smov.u32 @p0 s6;
	s5 =	sadd.s32 s4, s5  }
0xef: {  	[tilespmem:s0], [sflag:$0x5] =	stream.linear.gather [hbm4b:s5+s3], $0x80, $0x38;
	[tilespmem:$0x15900] =	vst v63  }
0xf0: {  	s0 =	smov.u32 s2  }
.LBB2_14:
0xf1: {  	p0 =	sne.s32 s0, $0x1  }
.Ltmp11:
0xf2: {  	_ = 	snop;
	(pc) =	sbr.rel @p0 .LBB2_14-.Ltmp11, $4  }
0xf3: {  	_ = 	snop  }
0xf4: {  	_ =	swait.ge [sflag:s18], $0x80  }
0xf5: {  	[sflag:s18] =	ssyncset.done $0x0  }
0xf6: {  	s0 =	sadd.s32 $0xFFFFFFFF, s0;
	[sflag:s18] =	ssyncadd.s32 $0xFFFFFF80  }
0xf7: {  	v9 =	vld [tilespmem:s13+$0x0];
	_ =	sdelay $0x4  }
0xf8: {  	(v2sf) =	vpush v9, $0x0;
	_ =	sdelay $0x7  }
0xf9: {  	s0 =	simm.s32 $0x0  }
0xfa: {  	v10 =	vor.u32 s0, v6;
	_ =	sdelay $0x1  }
0xfb: {  	v9 =	vbroadcast v9, $0x0;
	_ =	sdelay $0x1  }
0xfc: {  	v11 =	vshll.u32 v9, $0x7  }
0xfd: {  	v10 =	vld.idx.msk [tilespmem:v10+s19+$0x0], $0xffff;
	v11 =	vor.u32 v7, v11  }
0xfe: {  	s7 =	spop (v2sf)  }
0xff: {  	s0 =	sshll.u32 s7, $0x1  }
0x100: {  	p0 =	sne.s32 s2, $0x1;
	v12 =	vor.u32 s0, v8  }
.Ltmp12:
0x101: {  	_ = 	snop;
	(pc) =	sbr.rel @!p0 .LBB2_17-.Ltmp12, $4  }
0x102: {  	[tilespmem:v11+s14+$0x0] =	vst.idx.msk $0x3, v10  }
0x103: {  	[tilespmem:v9+s20+$0x0] =	vst.idx.msk vm0, v10  }
0x104: {  	[tilespmem:v9+s21+$0x0] =	vst.idx.msk vm1, v10  }
0x105: {  	s31 =	smov.u32 s13;
	s0 =	simm.s32 $0x1;
	[tilespmem:v12+s22+$0x0] =	vst.idx.msk vm2, v10  }
.LBB2_16:
0x106: {  	[tilespmem:v9+s23+$0x0] =	vst.idx.msk vm3, v10;
	s31 =	sadd.s32 $0x1, s31;
	s5 =	smov.u32 s0;
	s0 =	sadd.s32 $0x1, s0  }
0x107: {  	v9 =	vld [tilespmem:s31+$0x0];
	p0 =	sne.s32 s2, s0;
	_ =	sdelay $0x4  }
0x108: {  	(v2sf) =	vpush v9, $0x0;
	_ =	sdelay $0x6  }
0x109: {  	s5 =	sshll.u32 s5, $0x7  }
0x10a: {  	v10 =	vor.u32 s5, v6;
	_ =	sdelay $0x2  }
0x10b: {  	v9 =	vbroadcast v9, $0x0;
	_ =	sdelay $0x1  }
0x10c: {  	v11 =	vshll.u32 v9, $0x7;
	v10 =	vld.idx.msk [tilespmem:v10+s19+$0x0], $0xffff  }
0x10d: {  	v11 =	vor.u32 v7, v11  }
0x10e: {  	s5 =	spop (v2sf)  }
0x10f: {  	s5 =	sshll.u32 s5, $0x1  }
0x110: {  	v12 =	vor.u32 s5, v8  }
.Ltmp13:
0x111: {  	(pc) =	sbr.rel @p0 .LBB2_16-.Ltmp13, $4  }
0x112: {  	[tilespmem:v11+s14+$0x0] =	vst.idx.msk $0x3, v10  }
0x113: {  	[tilespmem:v9+s20+$0x0] =	vst.idx.msk vm0, v10  }
0x114: {  	[tilespmem:v9+s21+$0x0] =	vst.idx.msk vm1, v10  }
0x115: {  	[tilespmem:v12+s22+$0x0] =	vst.idx.msk vm2, v10  }
.Ltmp14:
0x116: {  	_ = 	snop;
	(pc) =	sbr.rel .LBB2_17-.Ltmp14, $1  }
0x117: {  	_ =	sdelay $0x3  }
.LBB2_9:
.Ltmp15:
0x118: {  	(pc) =	sbr.rel .LBB2_13-.Ltmp15, $2  }
0x119: {  	_ =	sdelay $0x2  }
0x11a: {  	s31 =	simm.s32 $0x15100  }
.LBB2_11:
.Ltmp16:
0x11b: {  	(pc) =	sbr.rel .LBB2_13-.Ltmp16, $2  }
0x11c: {  	_ =	sdelay $0x2  }
0x11d: {  	s31 =	simm.s32 $0x15100  }
.LBB2_20:
0x11e: {  	_ =	sfence.sel $0x180000  }
0x11f: {  	[bflag:$0x0] =	sbarrier.arrive $0xFFFF  }
0x120: {  	_ =	strace $0x90000047  }
0x121: {  	s0 =	stileid.u32;
	[bflag:$0x2] =	sbarrier.arrive $0xFFFF  }
0x122: {  	p0 =	sne.s32 s0, $0x0;
	s0 =	rddreg [dreg:$0x7]  }
0x123: {  	s0 =	sadd.s32 @!p0 $0x100000, s0  }
0x124: {  	[sflag:s0] =	ssyncadd.tile.s32 @!p0 $0x1;
	_ =	shalt  }
.Lfunc_end2:
_tile_overlayer_lowered:
.L_overlay_start_2:
0x125: {  	(tag) =	ssettag $0x2  }
0x126: {  	s0 =	rddreg [dreg:$0x0];
	s2 =	stileid.u32  }
0x127: {  	s1 =	rddreg [dreg:$0x1];
	p0 =	sne.s32 s2, $0x0  }
0x128: {  	s3 =	rddreg [dreg:$0x2];
	[bflag:$0x3] =	sbarrier.arrive $0xFFFF;
	s2 =	simm.s32 @!p0 $0x1C06  }
0x129: {  	[timem:s3], [sflag:s2] =	dma.local @!p0 [hbm:s0], s1  }
0x12a: {  	s0 =	simm.s32 @!p0 $0x6  }
0x12b: {  	_ =	swait.ge @!p0 [sflag:s0], s1  }
0x12c: {  	s1 =	ssub.s32 @!p0 $0x0, s1;
	[sflag:s0] =	ssyncset.done @!p0 $0x0  }
0x12d: {  	[sflag:s0] =	ssyncadd.s32 @!p0 s1  }
0x12e: {  	[bflag:$0x3] =	sbarrier.arrive $0xFFFF  }
0x12f: {  	_ =	shalt  }

</sc_bundles>
